<compile_context>
chip_gen: v7x
topology: tpu7x:2x2x1
jax: 0.10.2.dev20260603
libtpu: 0.0.44.dev20260713+nightly
codegen_flags: <defaults>
</compile_context>

<pallas_src>
import functools
import math

import jax
import jax.numpy as jnp
from jax import lax
from jax.experimental import pallas as pl
from jax.experimental.pallas import tpu as pltpu
from jax.experimental.pallas import tpu_sc as plsc

CUTOFF = 10.0
LOG2 = math.log(2.0)

NW = 32
LANES = 16
CH = 3200


def _ssp(t):
    return jnp.maximum(t, 0.0) + jnp.log1p(jnp.exp(-jnp.abs(t))) - LOG2


def _ht_body(x_ref, aw1w_ref, aw1b_ref, l1w_ref, o_ref):
    t = lax.dot_general(x_ref[...], aw1w_ref[...], (((1,), (1,)), ((), ())),
                        preferred_element_type=jnp.float32) + aw1b_ref[...]
    o_ref[...] = lax.dot_general(l1w_ref[...], t, (((1,), (1,)), ((), ())),
                                 preferred_element_type=jnp.float32)


def _compute_ht(x, aw1_w, aw1_b, l1_w):
    n, h = x.shape
    return pl.pallas_call(
        _ht_body,
        out_shape=jax.ShapeDtypeStruct((h, n), jnp.float32),
    )(x, aw1_w, aw1_b.reshape(1, h), l1_w)


def _wt_body(ea_ref, ew_ref, d1w_ref, d1b_ref, d2e_ref, d2o_ref, b2e_ref,
             b2o_ref, o_ref):
    t = lax.dot_general(ea_ref[...].astype(jnp.bfloat16), d1w_ref[...],
                        (((0,), (1,)), ((), ())),
                        preferred_element_type=jnp.float32) + d1b_ref[...]
    t = _ssp(t).astype(jnp.bfloat16)
    c = 0.5 * (jnp.cos(ew_ref[...] * (jnp.pi / CUTOFF)) + 1.0)
    we = (lax.dot_general(d2e_ref[...], t, (((1,), (1,)), ((), ())),
                          preferred_element_type=jnp.float32)
          + b2e_ref[...]) * c
    wo = (lax.dot_general(d2o_ref[...], t, (((1,), (1,)), ((), ())),
                          preferred_element_type=jnp.float32)
          + b2o_ref[...]) * c
    pe = lax.bitcast_convert_type(we.astype(jnp.bfloat16),
                                  jnp.uint16).astype(jnp.uint32)
    po = lax.bitcast_convert_type(wo.astype(jnp.bfloat16),
                                  jnp.uint16).astype(jnp.uint32)
    o_ref[...] = lax.bitcast_convert_type(pe | (po << 16), jnp.int32)


def _compute_wt(ea_t, edge_weight, d1_w, d1_b, d2_w, d2_b, be, i0, nb):
    g, e = ea_t.shape
    f = d1_w.shape[0]
    f2 = f // 2
    return pl.pallas_call(
        _wt_body,
        grid=(nb,),
        in_specs=[
            pl.BlockSpec((g, be), lambda i: (0, i + i0)),
            pl.BlockSpec((1, be), lambda i: (0, i + i0)),
            pl.BlockSpec((f, g), lambda i: (0, 0)),
            pl.BlockSpec((1, f), lambda i: (0, 0)),
            pl.BlockSpec((f2, f), lambda i: (0, 0)),
            pl.BlockSpec((f2, f), lambda i: (0, 0)),
            pl.BlockSpec((f2, 1), lambda i: (0, 0)),
            pl.BlockSpec((f2, 1), lambda i: (0, 0)),
        ],
        out_specs=pl.BlockSpec((f2, be), lambda i: (0, i)),
        out_shape=jax.ShapeDtypeStruct((f2, nb * be), jnp.int32),
    )(ea_t, edge_weight.reshape(1, e),
      d1_w.astype(jnp.bfloat16), d1_b.reshape(1, f),
      d2_w[0::2].astype(jnp.bfloat16), d2_w[1::2].astype(jnp.bfloat16),
      d2_b[0::2].reshape(f2, 1), d2_b[1::2].reshape(f2, 1))


def _make_scatter(n, e, h, ebase):
    f_per = h // NW
    nchunks = e // CH
    mesh = plsc.VectorSubcoreMesh(core_axis_name="c", subcore_axis_name="s")

    @functools.partial(
        pl.kernel,
        out_type=jax.ShapeDtypeStruct((h * n,), jnp.float32),
        mesh=mesh,
        scratch_types=[
            pltpu.VMEM((f_per * n,), jnp.float32),
            pltpu.VMEM((f_per * n,), jnp.float32),
            pltpu.VMEM((2, CH), jnp.int32),
            pltpu.VMEM((2, 2, CH), jnp.int32),
            pltpu.SemaphoreType.DMA,
            pltpu.SemaphoreType.DMA,
        ],
        compiler_params=pltpu.CompilerParams(needs_layout_passes=False),
    )
    def scatter_kernel(ht_hbm, wt_hbm, pk_hbm, out_hbm,
                       h_v, a_v, pk_v, w_v, sem0, sem1):
        wid = lax.axis_index("s") * 2 + lax.axis_index("c")
        hoff = pl.multiple_of(wid * (f_per * n), 8)
        wbase = pl.multiple_of(wid * (2 * e), 8)
        sems = (sem0, sem1)

        def issue(ci, b):
            ci = lax.rem(ci + wid * 8, nchunks)
            e0 = pl.multiple_of(ci * CH, CH)
            pltpu.async_copy(pk_hbm.at[pl.ds(e0 + ebase, CH)], pk_v.at[b],
                             sems[b])
            for f2 in range(2):
                pltpu.async_copy(
                    w_flat_hbm_slice(wt_hbm, wbase + f2 * e + e0),
                    w_v.at[b, f2], sems[b])

        def w_flat_hbm_slice(ref, off):
            return ref.at[pl.ds(pl.multiple_of(off, 8), CH)]

        def drain(b):
            pltpu.make_async_copy(pk_hbm.at[pl.ds(0, CH)], pk_v.at[b],
                                  sems[b]).wait()
            for f2 in range(2):
                pltpu.make_async_copy(wt_hbm.at[pl.ds(0, CH)],
                                      w_v.at[b, f2], sems[b]).wait()

        def compute(b):
            @plsc.parallel_loop(0, CH, LANES, unroll=4)
            def _(off):
                pk = pk_v[b, pl.ds(off, LANES)]
                sidx = pk & 0x3FFF
                didx = (pk >> 14) & 0x3FFF
                for f2 in range(2):
                    wpk = w_v[b, f2, pl.ds(off, LANES)]
                    weven = plsc.bitcast(wpk << 16, jnp.float32)
                    wodd = plsc.bitcast(wpk & jnp.int32(-65536), jnp.float32)
                    for j, wrow in ((0, weven), (1, wodd)):
                        f = 2 * f2 + j
                        hrow = plsc.load_gather(h_v, [sidx + (f * n)])
                        plsc.addupdate_scatter(a_v, [didx + (f * n)],
                                               wrow * hrow)

        issue(0, 0)
        pltpu.sync_copy(ht_hbm.at[pl.ds(hoff, f_per * n)], h_v)

        @plsc.parallel_loop(0, f_per * n, LANES, unroll=8)
        def _(off):
            a_v[pl.ds(off, LANES)] = jnp.zeros((LANES,), jnp.float32)

        def pair_body(p, carry):
            ci = p * 2
            issue(ci + 1, 1)
            drain(0)
            compute(0)

            @pl.when(ci + 2 < nchunks)
            def _():
                issue(ci + 2, 0)

            drain(1)
            compute(1)
            return carry

        lax.fori_loop(0, nchunks // 2, pair_body, 0)
        pltpu.sync_copy(a_v, out_hbm.at[pl.ds(hoff, f_per * n)])

    return scatter_kernel


def _out_body(x_ref, a0_ref, a1_ref, l2w_ref, l2b_ref, aw2w_ref, aw2b_ref,
              o_ref):
    at = a0_ref[...] + a1_ref[...]
    conv = lax.dot_general(at, l2w_ref[...], (((0,), (1,)), ((), ())),
                           preferred_element_type=jnp.float32) + l2b_ref[...]
    s = _ssp(conv)
    o_ref[...] = (lax.dot_general(s, aw2w_ref[...], (((1,), (1,)), ((), ())),
                                  preferred_element_type=jnp.float32)
                  + aw2b_ref[...] + x_ref[...])


def _compute_out(x, a0, a1, l2_w, l2_b, aw2_w, aw2_b):
    n, h = x.shape
    return pl.pallas_call(
        _out_body,
        out_shape=jax.ShapeDtypeStruct((n, h), jnp.float32),
    )(x, a0, a1, l2_w, l2_b.reshape(1, h), aw2_w, aw2_b.reshape(1, h))


def kernel(x, edge_index, edge_weight, edge_attr,
           aw1_w, aw1_b, d1_w, d1_b, d2_w, d2_b,
           l1_w, l2_w, l2_b, aw2_w, aw2_b):
    n, h = x.shape
    e = edge_attr.shape[0]
    src = edge_index[0].astype(jnp.int32)
    dst = edge_index[1].astype(jnp.int32)
    pk = src | (dst << 14)

    ht = _compute_ht(x, aw1_w, aw1_b, l1_w)
    ht_flat = ht.reshape(h * n)
    e2 = e // 2
    be = 16000
    aggr = []
    ea_t = edge_attr.T
    for hf in range(2):
        wt = _compute_wt(ea_t, edge_weight, d1_w, d1_b, d2_w, d2_b,
                         be=be, i0=hf * (e2 // be), nb=e2 // be)
        aggr.append(_make_scatter(n, e2, h, ebase=hf * e2)(
            ht_flat, wt.reshape((h // 2) * e2), pk))
    return _compute_out(x, aggr[0].reshape(h, n), aggr[1].reshape(h, n),
                        l2_w, l2_b, aw2_w, aw2_b)

# --- scband reference (transcript-rebuilt; emitter-appended) ---
"""Pipeline reference for scband-interaction-block-30812095381891 (READ-ONLY COPY).

The authoritative reference and input builder live on the scoring server;
editing this copy changes nothing except your own understanding.
"""

import jax, jax.numpy as jnp
import numpy as np
import math

CUTOFF = 10.0
LOG2 = math.log(2.0)

def ssp(t):
    return jax.nn.softplus(t) - LOG2

def setup_inputs(seed: int = 0) -> dict:
    key = jax.random.key(seed)
    ks = jax.random.split(key, 16)
    N, E, H, G, F = 10000, 320000, 128, 50, 128
    def xavier(k, shape):
        fan_out, fan_in = shape
        bound = math.sqrt(6.0 / (fan_in + fan_out))
        return jax.random.uniform(k, shape, jnp.float32, -bound, bound)
    return {
        'x': jax.random.normal(ks[0], (N, H), jnp.float32),
        'edge_index': jax.random.randint(ks[1], (2, E), 0, N, jnp.int64 if jax.config.jax_enable_x64 else jnp.int32),
        'edge_weight': jax.random.uniform(ks[2], (E,), jnp.float32),
        'edge_attr': jax.random.normal(ks[3], (E, G), jnp.float32),
        'aw1_w': xavier(ks[4], (H, H)),
        'aw1_b': jnp.zeros((H,), jnp.float32),
        'd1_w': xavier(ks[5], (F, G)),
        'd1_b': jnp.zeros((F,), jnp.float32),
        'd2_w': xavier(ks[6], (F, F)),
        'd2_b': jnp.zeros((F,), jnp.float32),
        'l1_w': xavier(ks[7], (F, H)),
        'l2_w': xavier(ks[8], (H, F)),
        'l2_b': jnp.zeros((H,), jnp.float32),
        'aw2_w': xavier(ks[9], (H, H)),
        'aw2_b': jnp.zeros((H,), jnp.float32),
    }

def reference(x, edge_index, edge_weight, edge_attr,
              aw1_w, aw1_b, d1_w, d1_b, d2_w, d2_b,
              l1_w, l2_w, l2_b, aw2_w, aw2_b):
    N = x.shape[0]
    # atom_wise1
    x1 = x @ aw1_w.T + aw1_b
    # CFConv
    C = 0.5 * (jnp.cos(edge_weight * jnp.pi / CUTOFF) + 1.0)
    W = edge_attr @ d1_w.T + d1_b
    W = ssp(W)
    W = W @ d2_w.T + d2_b
    W = W * C[:, None]
    h = x1 @ l1_w.T
    src, dst = edge_index[0], edge_index[1]
    msg = W * jnp.take(h, src, axis=0)
    aggr = jax.ops.segment_sum(msg, dst, num_segments=N)
    conv_out = aggr @ l2_w.T + l2_b
    # act + atom_wise2 + residual
    out = x + (ssp(conv_out) @ aw2_w.T + aw2_b)
    return out

if __name__ == "__main__":
    import jax
    _d = setup_inputs()
    print(jax.jit(kernel)(*tuple(_d.values())))

</pallas_src>

<mosaic_0001>
#map = affine_map<(d0, d1) -> (0)>
module attributes {stable_mosaic.version = 14 : i64} {
  func.func @scatter_kernel(%arg0: i32, %arg1: i32, %arg2: memref<1280000xf32, #tpu.memory_space<hbm>>, %arg3: memref<10240000xi32, #tpu.memory_space<hbm>>, %arg4: memref<320000xi32, #tpu.memory_space<hbm>>, %arg5: memref<1280000xf32, #tpu.memory_space<hbm>>, %arg6: memref<40000xf32, #tpu.memory_space<vmem>>, %arg7: memref<40000xf32, #tpu.memory_space<vmem>>, %arg8: memref<2x3200xi32, #tpu.memory_space<vmem>>, %arg9: memref<2x2x3200xi32, #tpu.memory_space<vmem>>, %arg10: memref<!tpu.dma_semaphore, #tpu.memory_space<semaphore_mem>>, %arg11: memref<!tpu.dma_semaphore, #tpu.memory_space<semaphore_mem>>) attributes {dimension_semantics = [#tpu.dimension_semantics<core_parallel>, #tpu.dimension_semantics<subcore_parallel>], iteration_bounds = array<i64: 2, 16>, scalar_prefetch = 0 : i64, scratch_operands = 6 : i64, tpu.core_type = #tpu.core_type<sc_vector_subcore>, window_params = [{transform_indices = #map}, {transform_indices = #map}, {transform_indices = #map}, {transform_indices = #map}]} {
    %mul3A = arith.constant 2 : i32
    %mul3A_0 = arith.muli %arg1, %mul3A : i32
    %add3A = arith.addi %mul3A_0, %arg0 : i32
    %mul3A_1 = arith.constant 40000 : i32
    %mul3A_2 = arith.muli %add3A, %mul3A_1 : i32
    %multiple_of3A = tpu.assume_multiple %mul3A_2, 8 : i32
    %mul3A_3 = arith.constant 320000 : i32
    %mul3A_4 = arith.muli %add3A, %mul3A_3 : i32
    %multiple_of3A_5 = tpu.assume_multiple %mul3A_4, 8 : i32
    %mul3A_6 = arith.constant 8 : i32
    %mul3A_7 = arith.muli %add3A, %mul3A_6 : i32
    %add3A_8 = arith.constant 0 : i32
    %add3A_9 = arith.addi %add3A_8, %mul3A_7 : i32
    %rem3A = arith.constant 50 : i32
    %rem3A_10 = arith.remsi %add3A_9, %rem3A : i32
    %mul3A_11 = arith.constant 3200 : i32
    %mul3A_12 = arith.muli %rem3A_10, %mul3A_11 : i32
    %multiple_of3A_13 = tpu.assume_multiple %mul3A_12, 3200 : i32
    %add3A_14 = arith.constant 160000 : i32
    %add3A_15 = arith.addi %multiple_of3A_13, %add3A_14 : i32
    %dma_start3A = arith.constant 0 : i32
    %dma_start3A_16 = arith.constant 0 : i32
    %dma_start3A_17 = tpu.memref_slice %arg8[%dma_start3A, %dma_start3A_16] : memref<2x3200xi32, #tpu.memory_space<vmem>> -> memref<1x3200xi32, #tpu.memory_space<vmem>>
    %dma_start3A_18 = tpu.memref_squeeze %dma_start3A_17 : memref<1x3200xi32, #tpu.memory_space<vmem>> -> memref<3200xi32, #tpu.memory_space<vmem>>
    %dma_start3A_19 = tpu.memref_slice %arg4[%add3A_15] : memref<320000xi32, #tpu.memory_space<hbm>> -> memref<3200xi32, #tpu.memory_space<hbm>>
    %dma_start3A_20 = arith.constant 0 : i32
    %dma_start3A_21 = tpu.memref_slice %arg8[%dma_start3A, %dma_start3A_20] : memref<2x3200xi32, #tpu.memory_space<vmem>> -> memref<1x3200xi32, #tpu.memory_space<vmem>>
    %dma_start3A_22 = tpu.memref_squeeze %dma_start3A_21 : memref<1x3200xi32, #tpu.memory_space<vmem>> -> memref<3200xi32, #tpu.memory_space<vmem>>
    %dma_start3A_23 = tpu.memref_slice %arg4[%add3A_15] : memref<320000xi32, #tpu.memory_space<hbm>> -> memref<3200xi32, #tpu.memory_space<hbm>>
    tpu.enqueue_dma source(%dma_start3A_23 : memref<3200xi32, #tpu.memory_space<hbm>>) target(%dma_start3A_22 : memref<3200xi32, #tpu.memory_space<vmem>>) target_semaphore(%arg10 : memref<!tpu.dma_semaphore, #tpu.memory_space<semaphore_mem>>)
    %add3A_24 = arith.constant 0 : i32
    %add3A_25 = arith.addi %multiple_of3A_5, %add3A_24 : i32
    %add3A_26 = arith.addi %add3A_25, %multiple_of3A_13 : i32
    %multiple_of3A_27 = tpu.assume_multiple %add3A_26, 8 : i32
    %dma_start3A_28 = arith.constant 0 : i32
    %dma_start3A_29 = arith.constant 0 : i32
    %dma_start3A_30 = arith.constant 0 : i32
    %dma_start3A_31 = tpu.memref_slice %arg9[%dma_start3A_28, %dma_start3A_29, %dma_start3A_30] : memref<2x2x3200xi32, #tpu.memory_space<vmem>> -> memref<1x1x3200xi32, #tpu.memory_space<vmem>>
    %dma_start3A_32 = tpu.memref_squeeze %dma_start3A_31 : memref<1x1x3200xi32, #tpu.memory_space<vmem>> -> memref<3200xi32, #tpu.memory_space<vmem>>
    %dma_start3A_33 = tpu.memref_slice %arg3[%multiple_of3A_27] : memref<10240000xi32, #tpu.memory_space<hbm>> -> memref<3200xi32, #tpu.memory_space<hbm>>
    %dma_start3A_34 = arith.constant 0 : i32
    %dma_start3A_35 = tpu.memref_slice %arg9[%dma_start3A_28, %dma_start3A_29, %dma_start3A_34] : memref<2x2x3200xi32, #tpu.memory_space<vmem>> -> memref<1x1x3200xi32, #tpu.memory_space<vmem>>
    %dma_start3A_36 = tpu.memref_squeeze %dma_start3A_35 : memref<1x1x3200xi32, #tpu.memory_space<vmem>> -> memref<3200xi32, #tpu.memory_space<vmem>>
    %dma_start3A_37 = tpu.memref_slice %arg3[%multiple_of3A_27] : memref<10240000xi32, #tpu.memory_space<hbm>> -> memref<3200xi32, #tpu.memory_space<hbm>>
    tpu.enqueue_dma source(%dma_start3A_37 : memref<3200xi32, #tpu.memory_space<hbm>>) target(%dma_start3A_36 : memref<3200xi32, #tpu.memory_space<vmem>>) target_semaphore(%arg10 : memref<!tpu.dma_semaphore, #tpu.memory_space<semaphore_mem>>)
    %add3A_38 = arith.constant 160000 : i32
    %add3A_39 = arith.addi %multiple_of3A_5, %add3A_38 : i32
    %add3A_40 = arith.addi %add3A_39, %multiple_of3A_13 : i32
    %multiple_of3A_41 = tpu.assume_multiple %add3A_40, 8 : i32
    %dma_start3A_42 = arith.constant 0 : i32
    %dma_start3A_43 = arith.constant 1 : i32
    %dma_start3A_44 = arith.constant 0 : i32
    %dma_start3A_45 = tpu.memref_slice %arg9[%dma_start3A_42, %dma_start3A_43, %dma_start3A_44] : memref<2x2x3200xi32, #tpu.memory_space<vmem>> -> memref<1x1x3200xi32, #tpu.memory_space<vmem>>
    %dma_start3A_46 = tpu.memref_squeeze %dma_start3A_45 : memref<1x1x3200xi32, #tpu.memory_space<vmem>> -> memref<3200xi32, #tpu.memory_space<vmem>>
    %dma_start3A_47 = tpu.memref_slice %arg3[%multiple_of3A_41] : memref<10240000xi32, #tpu.memory_space<hbm>> -> memref<3200xi32, #tpu.memory_space<hbm>>
    %dma_start3A_48 = arith.constant 0 : i32
    %dma_start3A_49 = tpu.memref_slice %arg9[%dma_start3A_42, %dma_start3A_43, %dma_start3A_48] : memref<2x2x3200xi32, #tpu.memory_space<vmem>> -> memref<1x1x3200xi32, #tpu.memory_space<vmem>>
    %dma_start3A_50 = tpu.memref_squeeze %dma_start3A_49 : memref<1x1x3200xi32, #tpu.memory_space<vmem>> -> memref<3200xi32, #tpu.memory_space<vmem>>
    %dma_start3A_51 = tpu.memref_slice %arg3[%multiple_of3A_41] : memref<10240000xi32, #tpu.memory_space<hbm>> -> memref<3200xi32, #tpu.memory_space<hbm>>
    tpu.enqueue_dma source(%dma_start3A_51 : memref<3200xi32, #tpu.memory_space<hbm>>) target(%dma_start3A_50 : memref<3200xi32, #tpu.memory_space<vmem>>) target_semaphore(%arg10 : memref<!tpu.dma_semaphore, #tpu.memory_space<semaphore_mem>>)
    "tpu.region"() ({
      %run_scoped3A = tpu.sem_alloc : memref<!tpu.dma_semaphore, #tpu.memory_space<semaphore_mem>>
      %dma_start3A_59 = tpu.memref_slice %arg2[%multiple_of3A] : memref<1280000xf32, #tpu.memory_space<hbm>> -> memref<40000xf32, #tpu.memory_space<hbm>>
      %dma_start3A_60 = tpu.memref_slice %arg2[%multiple_of3A] : memref<1280000xf32, #tpu.memory_space<hbm>> -> memref<40000xf32, #tpu.memory_space<hbm>>
      tpu.enqueue_dma source(%dma_start3A_60 : memref<40000xf32, #tpu.memory_space<hbm>>) target(%arg6 : memref<40000xf32, #tpu.memory_space<vmem>>) target_semaphore(%run_scoped3A : memref<!tpu.dma_semaphore, #tpu.memory_space<semaphore_mem>>)
      %dma_wait3A = tpu.memref_slice %arg2[%multiple_of3A] : memref<1280000xf32, #tpu.memory_space<hbm>> -> memref<40000xf32, #tpu.memory_space<hbm>>
      %dma_wait3A_61 = tpu.memref_slice %arg2[%multiple_of3A] : memref<1280000xf32, #tpu.memory_space<hbm>> -> memref<40000xf32, #tpu.memory_space<hbm>>
      tpu.wait_dma2 semaphore(%run_scoped3A : memref<!tpu.dma_semaphore, #tpu.memory_space<semaphore_mem>>) src(%dma_wait3A_61 : memref<40000xf32, #tpu.memory_space<hbm>>) dst(%arg6 : memref<40000xf32, #tpu.memory_space<vmem>>)
      tpu.yield
    }) : () -> ()
    %parallel_loop3A = arith.constant 0 : i32
    %parallel_loop3A_52 = arith.constant 40000 : i32
    %parallel_loop3A_53 = arith.constant 16 : i32
    scf.for %parallel_loop3A_59 = %parallel_loop3A to %parallel_loop3A_52 step %parallel_loop3A_53  : i32 {
      %parallel_loop3A_60 = arith.constant 0.000000e+00 : f32
      %parallel_loop3A_61 = vector.broadcast %parallel_loop3A_60 : f32 to vector<16xf32>
      %parallel_loop3A_62 = arith.index_cast %parallel_loop3A_59 : i32 to index
      %parallel_loop3A_63 = tpu.vector_load %arg7[%parallel_loop3A_62] {strides = array<i32>} : memref<40000xf32, #tpu.memory_space<vmem>>, vector<16xf32>,
      tpu.vector_store %arg7[%parallel_loop3A_62], %parallel_loop3A_61 {strides = array<i32>} : memref<40000xf32, #tpu.memory_space<vmem>>, vector<16xf32>,
    } {sc.loop_unroll_factor = 8 : i64, sc.parallel_access}
    %scan3A = arith.constant 0 : i32
    %scan3A_54 = arith.constant 0 : i32
    %scan3A_55 = arith.constant 25 : i32
    %scan3A_56 = arith.addi %scan3A_54, %scan3A_55 : i32
    %scan3A_57 = arith.constant 1 : i32
    scf.for %scan3A_59 = %scan3A_54 to %scan3A_56 step %scan3A_57  : i32 {
      %mul3A_60 = arith.constant 2 : i32
      %mul3A_61 = arith.muli %scan3A_59, %mul3A_60 : i32
      %add3A_62 = arith.constant 1 : i32
      %add3A_63 = arith.addi %mul3A_61, %add3A_62 : i32
      %mul3A_64 = arith.constant 8 : i32
      %mul3A_65 = arith.muli %add3A, %mul3A_64 : i32
      %add3A_66 = arith.addi %add3A_63, %mul3A_65 : i32
      %rem3A_67 = arith.constant 50 : i32
      %rem3A_68 = arith.remsi %add3A_66, %rem3A_67 : i32
      %mul3A_69 = arith.constant 3200 : i32
      %mul3A_70 = arith.muli %rem3A_68, %mul3A_69 : i32
      %multiple_of3A_71 = tpu.assume_multiple %mul3A_70, 3200 : i32
      %add3A_72 = arith.constant 160000 : i32
      %add3A_73 = arith.addi %multiple_of3A_71, %add3A_72 : i32
      %dma_start3A_74 = arith.constant 1 : i32
      %dma_start3A_75 = arith.constant 0 : i32
      %dma_start3A_76 = tpu.memref_slice %arg8[%dma_start3A_74, %dma_start3A_75] : memref<2x3200xi32, #tpu.memory_space<vmem>> -> memref<1x3200xi32, #tpu.memory_space<vmem>>
      %dma_start3A_77 = tpu.memref_squeeze %dma_start3A_76 : memref<1x3200xi32, #tpu.memory_space<vmem>> -> memref<3200xi32, #tpu.memory_space<vmem>>
      %dma_start3A_78 = tpu.memref_slice %arg4[%add3A_73] : memref<320000xi32, #tpu.memory_space<hbm>> -> memref<3200xi32, #tpu.memory_space<hbm>>
      %dma_start3A_79 = arith.constant 0 : i32
      %dma_start3A_80 = tpu.memref_slice %arg8[%dma_start3A_74, %dma_start3A_79] : memref<2x3200xi32, #tpu.memory_space<vmem>> -> memref<1x3200xi32, #tpu.memory_space<vmem>>
      %dma_start3A_81 = tpu.memref_squeeze %dma_start3A_80 : memref<1x3200xi32, #tpu.memory_space<vmem>> -> memref<3200xi32, #tpu.memory_space<vmem>>
      %dma_start3A_82 = tpu.memref_slice %arg4[%add3A_73] : memref<320000xi32, #tpu.memory_space<hbm>> -> memref<3200xi32, #tpu.memory_space<hbm>>
      tpu.enqueue_dma source(%dma_start3A_82 : memref<3200xi32, #tpu.memory_space<hbm>>) target(%dma_start3A_81 : memref<3200xi32, #tpu.memory_space<vmem>>) target_semaphore(%arg11 : memref<!tpu.dma_semaphore, #tpu.memory_space<semaphore_mem>>)
      %add3A_83 = arith.constant 0 : i32
      %add3A_84 = arith.addi %multiple_of3A_5, %add3A_83 : i32
      %add3A_85 = arith.addi %add3A_84, %multiple_of3A_71 : i32
      %multiple_of3A_86 = tpu.assume_multiple %add3A_85, 8 : i32
      %dma_start3A_87 = arith.constant 1 : i32
      %dma_start3A_88 = arith.constant 0 : i32
      %dma_start3A_89 = arith.constant 0 : i32
      %dma_start3A_90 = tpu.memref_slice %arg9[%dma_start3A_87, %dma_start3A_88, %dma_start3A_89] : memref<2x2x3200xi32, #tpu.memory_space<vmem>> -> memref<1x1x3200xi32, #tpu.memory_space<vmem>>
      %dma_start3A_91 = tpu.memref_squeeze %dma_start3A_90 : memref<1x1x3200xi32, #tpu.memory_space<vmem>> -> memref<3200xi32, #tpu.memory_space<vmem>>
      %dma_start3A_92 = tpu.memref_slice %arg3[%multiple_of3A_86] : memref<10240000xi32, #tpu.memory_space<hbm>> -> memref<3200xi32, #tpu.memory_space<hbm>>
      %dma_start3A_93 = arith.constant 0 : i32
      %dma_start3A_94 = tpu.memref_slice %arg9[%dma_start3A_87, %dma_start3A_88, %dma_start3A_93] : memref<2x2x3200xi32, #tpu.memory_space<vmem>> -> memref<1x1x3200xi32, #tpu.memory_space<vmem>>
      %dma_start3A_95 = tpu.memref_squeeze %dma_start3A_94 : memref<1x1x3200xi32, #tpu.memory_space<vmem>> -> memref<3200xi32, #tpu.memory_space<vmem>>
      %dma_start3A_96 = tpu.memref_slice %arg3[%multiple_of3A_86] : memref<10240000xi32, #tpu.memory_space<hbm>> -> memref<3200xi32, #tpu.memory_space<hbm>>
      tpu.enqueue_dma source(%dma_start3A_96 : memref<3200xi32, #tpu.memory_space<hbm>>) target(%dma_start3A_95 : memref<3200xi32, #tpu.memory_space<vmem>>) target_semaphore(%arg11 : memref<!tpu.dma_semaphore, #tpu.memory_space<semaphore_mem>>)
      %add3A_97 = arith.constant 160000 : i32
      %add3A_98 = arith.addi %multiple_of3A_5, %add3A_97 : i32
      %add3A_99 = arith.addi %add3A_98, %multiple_of3A_71 : i32
      %multiple_of3A_100 = tpu.assume_multiple %add3A_99, 8 : i32
      %dma_start3A_101 = arith.constant 1 : i32
      %dma_start3A_102 = arith.constant 1 : i32
      %dma_start3A_103 = arith.constant 0 : i32
      %dma_start3A_104 = tpu.memref_slice %arg9[%dma_start3A_101, %dma_start3A_102, %dma_start3A_103] : memref<2x2x3200xi32, #tpu.memory_space<vmem>> -> memref<1x1x3200xi32, #tpu.memory_space<vmem>>
      %dma_start3A_105 = tpu.memref_squeeze %dma_start3A_104 : memref<1x1x3200xi32, #tpu.memory_space<vmem>> -> memref<3200xi32, #tpu.memory_space<vmem>>
      %dma_start3A_106 = tpu.memref_slice %arg3[%multiple_of3A_100] : memref<10240000xi32, #tpu.memory_space<hbm>> -> memref<3200xi32, #tpu.memory_space<hbm>>
      %dma_start3A_107 = arith.constant 0 : i32
      %dma_start3A_108 = tpu.memref_slice %arg9[%dma_start3A_101, %dma_start3A_102, %dma_start3A_107] : memref<2x2x3200xi32, #tpu.memory_space<vmem>> -> memref<1x1x3200xi32, #tpu.memory_space<vmem>>
      %dma_start3A_109 = tpu.memref_squeeze %dma_start3A_108 : memref<1x1x3200xi32, #tpu.memory_space<vmem>> -> memref<3200xi32, #tpu.memory_space<vmem>>
      %dma_start3A_110 = tpu.memref_slice %arg3[%multiple_of3A_100] : memref<10240000xi32, #tpu.memory_space<hbm>> -> memref<3200xi32, #tpu.memory_space<hbm>>
      tpu.enqueue_dma source(%dma_start3A_110 : memref<3200xi32, #tpu.memory_space<hbm>>) target(%dma_start3A_109 : memref<3200xi32, #tpu.memory_space<vmem>>) target_semaphore(%arg11 : memref<!tpu.dma_semaphore, #tpu.memory_space<semaphore_mem>>)
      %dma_wait3A = arith.constant 0 : i32
      %dma_wait3A_111 = arith.constant 0 : i32
      %dma_wait3A_112 = tpu.memref_slice %arg8[%dma_wait3A, %dma_wait3A_111] : memref<2x3200xi32, #tpu.memory_space<vmem>> -> memref<1x3200xi32, #tpu.memory_space<vmem>>
      %dma_wait3A_113 = tpu.memref_squeeze %dma_wait3A_112 : memref<1x3200xi32, #tpu.memory_space<vmem>> -> memref<3200xi32, #tpu.memory_space<vmem>>
      %dma_wait3A_114 = arith.constant 0 : i32
      %dma_wait3A_115 = tpu.memref_slice %arg4[%dma_wait3A_114] : memref<320000xi32, #tpu.memory_space<hbm>> -> memref<3200xi32, #tpu.memory_space<hbm>>
      %dma_wait3A_116 = arith.constant 0 : i32
      %dma_wait3A_117 = tpu.memref_slice %arg8[%dma_wait3A, %dma_wait3A_116] : memref<2x3200xi32, #tpu.memory_space<vmem>> -> memref<1x3200xi32, #tpu.memory_space<vmem>>
      %dma_wait3A_118 = tpu.memref_squeeze %dma_wait3A_117 : memref<1x3200xi32, #tpu.memory_space<vmem>> -> memref<3200xi32, #tpu.memory_space<vmem>>
      %dma_wait3A_119 = arith.constant 0 : i32
      %dma_wait3A_120 = tpu.memref_slice %arg4[%dma_wait3A_119] : memref<320000xi32, #tpu.memory_space<hbm>> -> memref<3200xi32, #tpu.memory_space<hbm>>
      tpu.wait_dma2 semaphore(%arg10 : memref<!tpu.dma_semaphore, #tpu.memory_space<semaphore_mem>>) src(%dma_wait3A_120 : memref<3200xi32, #tpu.memory_space<hbm>>) dst(%dma_wait3A_118 : memref<3200xi32, #tpu.memory_space<vmem>>)
      %dma_wait3A_121 = arith.constant 0 : i32
      %dma_wait3A_122 = arith.constant 0 : i32
      %dma_wait3A_123 = arith.constant 0 : i32
      %dma_wait3A_124 = tpu.memref_slice %arg9[%dma_wait3A_121, %dma_wait3A_122, %dma_wait3A_123] : memref<2x2x3200xi32, #tpu.memory_space<vmem>> -> memref<1x1x3200xi32, #tpu.memory_space<vmem>>
      %dma_wait3A_125 = tpu.memref_squeeze %dma_wait3A_124 : memref<1x1x3200xi32, #tpu.memory_space<vmem>> -> memref<3200xi32, #tpu.memory_space<vmem>>
      %dma_wait3A_126 = arith.constant 0 : i32
      %dma_wait3A_127 = tpu.memref_slice %arg3[%dma_wait3A_126] : memref<10240000xi32, #tpu.memory_space<hbm>> -> memref<3200xi32, #tpu.memory_space<hbm>>
      %dma_wait3A_128 = arith.constant 0 : i32
      %dma_wait3A_129 = tpu.memref_slice %arg9[%dma_wait3A_121, %dma_wait3A_122, %dma_wait3A_128] : memref<2x2x3200xi32, #tpu.memory_space<vmem>> -> memref<1x1x3200xi32, #tpu.memory_space<vmem>>
      %dma_wait3A_130 = tpu.memref_squeeze %dma_wait3A_129 : memref<1x1x3200xi32, #tpu.memory_space<vmem>> -> memref<3200xi32, #tpu.memory_space<vmem>>
      %dma_wait3A_131 = arith.constant 0 : i32
      %dma_wait3A_132 = tpu.memref_slice %arg3[%dma_wait3A_131] : memref<10240000xi32, #tpu.memory_space<hbm>> -> memref<3200xi32, #tpu.memory_space<hbm>>
      tpu.wait_dma2 semaphore(%arg10 : memref<!tpu.dma_semaphore, #tpu.memory_space<semaphore_mem>>) src(%dma_wait3A_132 : memref<3200xi32, #tpu.memory_space<hbm>>) dst(%dma_wait3A_130 : memref<3200xi32, #tpu.memory_space<vmem>>)
      %dma_wait3A_133 = arith.constant 0 : i32
      %dma_wait3A_134 = arith.constant 1 : i32
      %dma_wait3A_135 = arith.constant 0 : i32
      %dma_wait3A_136 = tpu.memref_slice %arg9[%dma_wait3A_133, %dma_wait3A_134, %dma_wait3A_135] : memref<2x2x3200xi32, #tpu.memory_space<vmem>> -> memref<1x1x3200xi32, #tpu.memory_space<vmem>>
      %dma_wait3A_137 = tpu.memref_squeeze %dma_wait3A_136 : memref<1x1x3200xi32, #tpu.memory_space<vmem>> -> memref<3200xi32, #tpu.memory_space<vmem>>
      %dma_wait3A_138 = arith.constant 0 : i32
      %dma_wait3A_139 = tpu.memref_slice %arg3[%dma_wait3A_138] : memref<10240000xi32, #tpu.memory_space<hbm>> -> memref<3200xi32, #tpu.memory_space<hbm>>
      %dma_wait3A_140 = arith.constant 0 : i32
      %dma_wait3A_141 = tpu.memref_slice %arg9[%dma_wait3A_133, %dma_wait3A_134, %dma_wait3A_140] : memref<2x2x3200xi32, #tpu.memory_space<vmem>> -> memref<1x1x3200xi32, #tpu.memory_space<vmem>>
      %dma_wait3A_142 = tpu.memref_squeeze %dma_wait3A_141 : memref<1x1x3200xi32, #tpu.memory_space<vmem>> -> memref<3200xi32, #tpu.memory_space<vmem>>
      %dma_wait3A_143 = arith.constant 0 : i32
      %dma_wait3A_144 = tpu.memref_slice %arg3[%dma_wait3A_143] : memref<10240000xi32, #tpu.memory_space<hbm>> -> memref<3200xi32, #tpu.memory_space<hbm>>
      tpu.wait_dma2 semaphore(%arg10 : memref<!tpu.dma_semaphore, #tpu.memory_space<semaphore_mem>>) src(%dma_wait3A_144 : memref<3200xi32, #tpu.memory_space<hbm>>) dst(%dma_wait3A_142 : memref<3200xi32, #tpu.memory_space<vmem>>)
      %parallel_loop3A_145 = arith.constant 0 : i32
      %parallel_loop3A_146 = arith.constant 3200 : i32
      %parallel_loop3A_147 = arith.constant 16 : i32
      scf.for %parallel_loop3A_190 = %parallel_loop3A_145 to %parallel_loop3A_146 step %parallel_loop3A_147  : i32 {
        %parallel_loop3A_191 = arith.constant 0 : i32
        %parallel_loop3A_192 = arith.index_cast %parallel_loop3A_191 : i32 to index
        %parallel_loop3A_193 = arith.index_cast %parallel_loop3A_190 : i32 to index
        %parallel_loop3A_194 = tpu.vector_load %arg8[%parallel_loop3A_192, %parallel_loop3A_193] {strides = array<i32>} : memref<2x3200xi32, #tpu.memory_space<vmem>>, vector<16xi32>,
        %parallel_loop3A_195 = arith.constant 16383 : i32
        %parallel_loop3A_196 = vector.broadcast %parallel_loop3A_195 : i32 to vector<16xi32>
        %parallel_loop3A_197 = arith.andi %parallel_loop3A_194, %parallel_loop3A_196 : vector<16xi32>
        %parallel_loop3A_198 = arith.constant 14 : i32
        %parallel_loop3A_199 = vector.broadcast %parallel_loop3A_198 : i32 to vector<16xi32>
        %parallel_loop3A_200 = arith.shrsi %parallel_loop3A_194, %parallel_loop3A_199 : vector<16xi32>
        %parallel_loop3A_201 = arith.constant 16383 : i32
        %parallel_loop3A_202 = vector.broadcast %parallel_loop3A_201 : i32 to vector<16xi32>
        %parallel_loop3A_203 = arith.andi %parallel_loop3A_200, %parallel_loop3A_202 : vector<16xi32>
        %parallel_loop3A_204 = arith.constant 0 : i32
        %parallel_loop3A_205 = arith.constant 0 : i32
        %parallel_loop3A_206 = arith.index_cast %parallel_loop3A_204 : i32 to index
        %parallel_loop3A_207 = arith.index_cast %parallel_loop3A_205 : i32 to index
        %parallel_loop3A_208 = arith.index_cast %parallel_loop3A_190 : i32 to index
        %parallel_loop3A_209 = tpu.vector_load %arg9[%parallel_loop3A_206, %parallel_loop3A_207, %parallel_loop3A_208] {strides = array<i32>} : memref<2x2x3200xi32, #tpu.memory_space<vmem>>, vector<16xi32>,
        %parallel_loop3A_210 = arith.constant 16 : i32
        %parallel_loop3A_211 = vector.broadcast %parallel_loop3A_210 : i32 to vector<16xi32>
        %parallel_loop3A_212 = arith.shli %parallel_loop3A_209, %parallel_loop3A_211 : vector<16xi32>
        %parallel_loop3A_213 = vector.bitcast %parallel_loop3A_212 : vector<16xi32> to vector<16xf32>
        %parallel_loop3A_214 = arith.constant -65536 : i32
        %parallel_loop3A_215 = vector.broadcast %parallel_loop3A_214 : i32 to vector<16xi32>
        %parallel_loop3A_216 = arith.andi %parallel_loop3A_209, %parallel_loop3A_215 : vector<16xi32>
        %parallel_loop3A_217 = vector.bitcast %parallel_loop3A_216 : vector<16xi32> to vector<16xf32>
        %parallel_loop3A_218 = arith.constant 0 : i32
        %parallel_loop3A_219 = vector.broadcast %parallel_loop3A_218 : i32 to vector<16xi32>
        %parallel_loop3A_220 = arith.addi %parallel_loop3A_197, %parallel_loop3A_219 : vector<16xi32>
        %parallel_loop3A_221 = tpu.vector_load_idx %arg6[%parallel_loop3A_220] : memref<40000xf32, #tpu.memory_space<vmem>>[vector<16xi32>], vector<16xf32>,
        %parallel_loop3A_222 = arith.constant 0 : i32
        %parallel_loop3A_223 = vector.broadcast %parallel_loop3A_222 : i32 to vector<16xi32>
        %parallel_loop3A_224 = arith.addi %parallel_loop3A_203, %parallel_loop3A_223 : vector<16xi32>
        %parallel_loop3A_225 = arith.mulf %parallel_loop3A_213, %parallel_loop3A_221 : vector<16xf32>
        tpu.vector_store_idx %arg7[%parallel_loop3A_224], %parallel_loop3A_225 {add = true} : memref<40000xf32, #tpu.memory_space<vmem>>[vector<16xi32>], vector<16xf32>,
        %parallel_loop3A_226 = arith.constant 10000 : i32
        %parallel_loop3A_227 = vector.broadcast %parallel_loop3A_226 : i32 to vector<16xi32>
        %parallel_loop3A_228 = arith.addi %parallel_loop3A_197, %parallel_loop3A_227 : vector<16xi32>
        %parallel_loop3A_229 = tpu.vector_load_idx %arg6[%parallel_loop3A_228] : memref<40000xf32, #tpu.memory_space<vmem>>[vector<16xi32>], vector<16xf32>,
        %parallel_loop3A_230 = arith.constant 10000 : i32
        %parallel_loop3A_231 = vector.broadcast %parallel_loop3A_230 : i32 to vector<16xi32>
        %parallel_loop3A_232 = arith.addi %parallel_loop3A_203, %parallel_loop3A_231 : vector<16xi32>
        %parallel_loop3A_233 = arith.mulf %parallel_loop3A_217, %parallel_loop3A_229 : vector<16xf32>
        tpu.vector_store_idx %arg7[%parallel_loop3A_232], %parallel_loop3A_233 {add = true} : memref<40000xf32, #tpu.memory_space<vmem>>[vector<16xi32>], vector<16xf32>,
        %parallel_loop3A_234 = arith.constant 0 : i32
        %parallel_loop3A_235 = arith.constant 1 : i32
        %parallel_loop3A_236 = arith.index_cast %parallel_loop3A_234 : i32 to index
        %parallel_loop3A_237 = arith.index_cast %parallel_loop3A_235 : i32 to index
        %parallel_loop3A_238 = arith.index_cast %parallel_loop3A_190 : i32 to index
        %parallel_loop3A_239 = tpu.vector_load %arg9[%parallel_loop3A_236, %parallel_loop3A_237, %parallel_loop3A_238] {strides = array<i32>} : memref<2x2x3200xi32, #tpu.memory_space<vmem>>, vector<16xi32>,
        %parallel_loop3A_240 = arith.constant 16 : i32
        %parallel_loop3A_241 = vector.broadcast %parallel_loop3A_240 : i32 to vector<16xi32>
        %parallel_loop3A_242 = arith.shli %parallel_loop3A_239, %parallel_loop3A_241 : vector<16xi32>
        %parallel_loop3A_243 = vector.bitcast %parallel_loop3A_242 : vector<16xi32> to vector<16xf32>
        %parallel_loop3A_244 = arith.constant -65536 : i32
        %parallel_loop3A_245 = vector.broadcast %parallel_loop3A_244 : i32 to vector<16xi32>
        %parallel_loop3A_246 = arith.andi %parallel_loop3A_239, %parallel_loop3A_245 : vector<16xi32>
        %parallel_loop3A_247 = vector.bitcast %parallel_loop3A_246 : vector<16xi32> to vector<16xf32>
        %parallel_loop3A_248 = arith.constant 20000 : i32
        %parallel_loop3A_249 = vector.broadcast %parallel_loop3A_248 : i32 to vector<16xi32>
        %parallel_loop3A_250 = arith.addi %parallel_loop3A_197, %parallel_loop3A_249 : vector<16xi32>
        %parallel_loop3A_251 = tpu.vector_load_idx %arg6[%parallel_loop3A_250] : memref<40000xf32, #tpu.memory_space<vmem>>[vector<16xi32>], vector<16xf32>,
        %parallel_loop3A_252 = arith.constant 20000 : i32
        %parallel_loop3A_253 = vector.broadcast %parallel_loop3A_252 : i32 to vector<16xi32>
        %parallel_loop3A_254 = arith.addi %parallel_loop3A_203, %parallel_loop3A_253 : vector<16xi32>
        %parallel_loop3A_255 = arith.mulf %parallel_loop3A_243, %parallel_loop3A_251 : vector<16xf32>
        tpu.vector_store_idx %arg7[%parallel_loop3A_254], %parallel_loop3A_255 {add = true} : memref<40000xf32, #tpu.memory_space<vmem>>[vector<16xi32>], vector<16xf32>,
        %parallel_loop3A_256 = arith.constant 30000 : i32
        %parallel_loop3A_257 = vector.broadcast %parallel_loop3A_256 : i32 to vector<16xi32>
        %parallel_loop3A_258 = arith.addi %parallel_loop3A_197, %parallel_loop3A_257 : vector<16xi32>
        %parallel_loop3A_259 = tpu.vector_load_idx %arg6[%parallel_loop3A_258] : memref<40000xf32, #tpu.memory_space<vmem>>[vector<16xi32>], vector<16xf32>,
        %parallel_loop3A_260 = arith.constant 30000 : i32
        %parallel_loop3A_261 = vector.broadcast %parallel_loop3A_260 : i32 to vector<16xi32>
        %parallel_loop3A_262 = arith.addi %parallel_loop3A_203, %parallel_loop3A_261 : vector<16xi32>
        %parallel_loop3A_263 = arith.mulf %parallel_loop3A_247, %parallel_loop3A_259 : vector<16xf32>
        tpu.vector_store_idx %arg7[%parallel_loop3A_262], %parallel_loop3A_263 {add = true} : memref<40000xf32, #tpu.memory_space<vmem>>[vector<16xi32>], vector<16xf32>,
      } {sc.loop_unroll_factor = 4 : i64, sc.parallel_access}
      %add3A_148 = arith.constant 2 : i32
      %add3A_149 = arith.addi %mul3A_61, %add3A_148 : i32
      %lt3A = arith.constant 50 : i32
      %lt3A_150 = arith.cmpi slt, %add3A_149, %lt3A : i32
      %convert_element_type3A = arith.extui %lt3A_150 : i1 to i32
      %cond3A = arith.constant 0 : i32
      %cond3A_151 = arith.cmpi ne, %convert_element_type3A, %cond3A : i32
      scf.if %cond3A_151 {
        %add3A_190 = arith.constant 2 : i32
        %add3A_191 = arith.addi %mul3A_61, %add3A_190 : i32
        %mul3A_192 = arith.constant 8 : i32
        %mul3A_193 = arith.muli %add3A, %mul3A_192 : i32
        %add3A_194 = arith.addi %add3A_191, %mul3A_193 : i32
        %rem3A_195 = arith.constant 50 : i32
        %rem3A_196 = arith.remsi %add3A_194, %rem3A_195 : i32
        %mul3A_197 = arith.constant 3200 : i32
        %mul3A_198 = arith.muli %rem3A_196, %mul3A_197 : i32
        %multiple_of3A_199 = tpu.assume_multiple %mul3A_198, 3200 : i32
        %add3A_200 = arith.constant 160000 : i32
        %add3A_201 = arith.addi %multiple_of3A_199, %add3A_200 : i32
        %dma_start3A_202 = arith.constant 0 : i32
        %dma_start3A_203 = arith.constant 0 : i32
        %dma_start3A_204 = tpu.memref_slice %arg8[%dma_start3A_202, %dma_start3A_203] : memref<2x3200xi32, #tpu.memory_space<vmem>> -> memref<1x3200xi32, #tpu.memory_space<vmem>>
        %dma_start3A_205 = tpu.memref_squeeze %dma_start3A_204 : memref<1x3200xi32, #tpu.memory_space<vmem>> -> memref<3200xi32, #tpu.memory_space<vmem>>
        %dma_start3A_206 = tpu.memref_slice %arg4[%add3A_201] : memref<320000xi32, #tpu.memory_space<hbm>> -> memref<3200xi32, #tpu.memory_space<hbm>>
        %dma_start3A_207 = arith.constant 0 : i32
        %dma_start3A_208 = tpu.memref_slice %arg8[%dma_start3A_202, %dma_start3A_207] : memref<2x3200xi32, #tpu.memory_space<vmem>> -> memref<1x3200xi32, #tpu.memory_space<vmem>>
        %dma_start3A_209 = tpu.memref_squeeze %dma_start3A_208 : memref<1x3200xi32, #tpu.memory_space<vmem>> -> memref<3200xi32, #tpu.memory_space<vmem>>
        %dma_start3A_210 = tpu.memref_slice %arg4[%add3A_201] : memref<320000xi32, #tpu.memory_space<hbm>> -> memref<3200xi32, #tpu.memory_space<hbm>>
        tpu.enqueue_dma source(%dma_start3A_210 : memref<3200xi32, #tpu.memory_space<hbm>>) target(%dma_start3A_209 : memref<3200xi32, #tpu.memory_space<vmem>>) target_semaphore(%arg10 : memref<!tpu.dma_semaphore, #tpu.memory_space<semaphore_mem>>)
        %add3A_211 = arith.constant 0 : i32
        %add3A_212 = arith.addi %multiple_of3A_5, %add3A_211 : i32
        %add3A_213 = arith.addi %add3A_212, %multiple_of3A_199 : i32
        %multiple_of3A_214 = tpu.assume_multiple %add3A_213, 8 : i32
        %dma_start3A_215 = arith.constant 0 : i32
        %dma_start3A_216 = arith.constant 0 : i32
        %dma_start3A_217 = arith.constant 0 : i32
        %dma_start3A_218 = tpu.memref_slice %arg9[%dma_start3A_215, %dma_start3A_216, %dma_start3A_217] : memref<2x2x3200xi32, #tpu.memory_space<vmem>> -> memref<1x1x3200xi32, #tpu.memory_space<vmem>>
        %dma_start3A_219 = tpu.memref_squeeze %dma_start3A_218 : memref<1x1x3200xi32, #tpu.memory_space<vmem>> -> memref<3200xi32, #tpu.memory_space<vmem>>
        %dma_start3A_220 = tpu.memref_slice %arg3[%multiple_of3A_214] : memref<10240000xi32, #tpu.memory_space<hbm>> -> memref<3200xi32, #tpu.memory_space<hbm>>
        %dma_start3A_221 = arith.constant 0 : i32
        %dma_start3A_222 = tpu.memref_slice %arg9[%dma_start3A_215, %dma_start3A_216, %dma_start3A_221] : memref<2x2x3200xi32, #tpu.memory_space<vmem>> -> memref<1x1x3200xi32, #tpu.memory_space<vmem>>
        %dma_start3A_223 = tpu.memref_squeeze %dma_start3A_222 : memref<1x1x3200xi32, #tpu.memory_space<vmem>> -> memref<3200xi32, #tpu.memory_space<vmem>>
        %dma_start3A_224 = tpu.memref_slice %arg3[%multiple_of3A_214] : memref<10240000xi32, #tpu.memory_space<hbm>> -> memref<3200xi32, #tpu.memory_space<hbm>>
        tpu.enqueue_dma source(%dma_start3A_224 : memref<3200xi32, #tpu.memory_space<hbm>>) target(%dma_start3A_223 : memref<3200xi32, #tpu.memory_space<vmem>>) target_semaphore(%arg10 : memref<!tpu.dma_semaphore, #tpu.memory_space<semaphore_mem>>)
        %add3A_225 = arith.constant 160000 : i32
        %add3A_226 = arith.addi %multiple_of3A_5, %add3A_225 : i32
        %add3A_227 = arith.addi %add3A_226, %multiple_of3A_199 : i32
        %multiple_of3A_228 = tpu.assume_multiple %add3A_227, 8 : i32
        %dma_start3A_229 = arith.constant 0 : i32
        %dma_start3A_230 = arith.constant 1 : i32
        %dma_start3A_231 = arith.constant 0 : i32
        %dma_start3A_232 = tpu.memref_slice %arg9[%dma_start3A_229, %dma_start3A_230, %dma_start3A_231] : memref<2x2x3200xi32, #tpu.memory_space<vmem>> -> memref<1x1x3200xi32, #tpu.memory_space<vmem>>
        %dma_start3A_233 = tpu.memref_squeeze %dma_start3A_232 : memref<1x1x3200xi32, #tpu.memory_space<vmem>> -> memref<3200xi32, #tpu.memory_space<vmem>>
        %dma_start3A_234 = tpu.memref_slice %arg3[%multiple_of3A_228] : memref<10240000xi32, #tpu.memory_space<hbm>> -> memref<3200xi32, #tpu.memory_space<hbm>>
        %dma_start3A_235 = arith.constant 0 : i32
        %dma_start3A_236 = tpu.memref_slice %arg9[%dma_start3A_229, %dma_start3A_230, %dma_start3A_235] : memref<2x2x3200xi32, #tpu.memory_space<vmem>> -> memref<1x1x3200xi32, #tpu.memory_space<vmem>>
        %dma_start3A_237 = tpu.memref_squeeze %dma_start3A_236 : memref<1x1x3200xi32, #tpu.memory_space<vmem>> -> memref<3200xi32, #tpu.memory_space<vmem>>
        %dma_start3A_238 = tpu.memref_slice %arg3[%multiple_of3A_228] : memref<10240000xi32, #tpu.memory_space<hbm>> -> memref<3200xi32, #tpu.memory_space<hbm>>
        tpu.enqueue_dma source(%dma_start3A_238 : memref<3200xi32, #tpu.memory_space<hbm>>) target(%dma_start3A_237 : memref<3200xi32, #tpu.memory_space<vmem>>) target_semaphore(%arg10 : memref<!tpu.dma_semaphore, #tpu.memory_space<semaphore_mem>>)
      } else {
      }
      %dma_wait3A_152 = arith.constant 1 : i32
      %dma_wait3A_153 = arith.constant 0 : i32
      %dma_wait3A_154 = tpu.memref_slice %arg8[%dma_wait3A_152, %dma_wait3A_153] : memref<2x3200xi32, #tpu.memory_space<vmem>> -> memref<1x3200xi32, #tpu.memory_space<vmem>>
      %dma_wait3A_155 = tpu.memref_squeeze %dma_wait3A_154 : memref<1x3200xi32, #tpu.memory_space<vmem>> -> memref<3200xi32, #tpu.memory_space<vmem>>
      %dma_wait3A_156 = arith.constant 0 : i32
      %dma_wait3A_157 = tpu.memref_slice %arg4[%dma_wait3A_156] : memref<320000xi32, #tpu.memory_space<hbm>> -> memref<3200xi32, #tpu.memory_space<hbm>>
      %dma_wait3A_158 = arith.constant 0 : i32
      %dma_wait3A_159 = tpu.memref_slice %arg8[%dma_wait3A_152, %dma_wait3A_158] : memref<2x3200xi32, #tpu.memory_space<vmem>> -> memref<1x3200xi32, #tpu.memory_space<vmem>>
      %dma_wait3A_160 = tpu.memref_squeeze %dma_wait3A_159 : memref<1x3200xi32, #tpu.memory_space<vmem>> -> memref<3200xi32, #tpu.memory_space<vmem>>
      %dma_wait3A_161 = arith.constant 0 : i32
      %dma_wait3A_162 = tpu.memref_slice %arg4[%dma_wait3A_161] : memref<320000xi32, #tpu.memory_space<hbm>> -> memref<3200xi32, #tpu.memory_space<hbm>>
      tpu.wait_dma2 semaphore(%arg11 : memref<!tpu.dma_semaphore, #tpu.memory_space<semaphore_mem>>) src(%dma_wait3A_162 : memref<3200xi32, #tpu.memory_space<hbm>>) dst(%dma_wait3A_160 : memref<3200xi32, #tpu.memory_space<vmem>>)
      %dma_wait3A_163 = arith.constant 1 : i32
      %dma_wait3A_164 = arith.constant 0 : i32
      %dma_wait3A_165 = arith.constant 0 : i32
      %dma_wait3A_166 = tpu.memref_slice %arg9[%dma_wait3A_163, %dma_wait3A_164, %dma_wait3A_165] : memref<2x2x3200xi32, #tpu.memory_space<vmem>> -> memref<1x1x3200xi32, #tpu.memory_space<vmem>>
      %dma_wait3A_167 = tpu.memref_squeeze %dma_wait3A_166 : memref<1x1x3200xi32, #tpu.memory_space<vmem>> -> memref<3200xi32, #tpu.memory_space<vmem>>
      %dma_wait3A_168 = arith.constant 0 : i32
      %dma_wait3A_169 = tpu.memref_slice %arg3[%dma_wait3A_168] : memref<10240000xi32, #tpu.memory_space<hbm>> -> memref<3200xi32, #tpu.memory_space<hbm>>
      %dma_wait3A_170 = arith.constant 0 : i32
      %dma_wait3A_171 = tpu.memref_slice %arg9[%dma_wait3A_163, %dma_wait3A_164, %dma_wait3A_170] : memref<2x2x3200xi32, #tpu.memory_space<vmem>> -> memref<1x1x3200xi32, #tpu.memory_space<vmem>>
      %dma_wait3A_172 = tpu.memref_squeeze %dma_wait3A_171 : memref<1x1x3200xi32, #tpu.memory_space<vmem>> -> memref<3200xi32, #tpu.memory_space<vmem>>
      %dma_wait3A_173 = arith.constant 0 : i32
      %dma_wait3A_174 = tpu.memref_slice %arg3[%dma_wait3A_173] : memref<10240000xi32, #tpu.memory_space<hbm>> -> memref<3200xi32, #tpu.memory_space<hbm>>
      tpu.wait_dma2 semaphore(%arg11 : memref<!tpu.dma_semaphore, #tpu.memory_space<semaphore_mem>>) src(%dma_wait3A_174 : memref<3200xi32, #tpu.memory_space<hbm>>) dst(%dma_wait3A_172 : memref<3200xi32, #tpu.memory_space<vmem>>)
      %dma_wait3A_175 = arith.constant 1 : i32
      %dma_wait3A_176 = arith.constant 1 : i32
      %dma_wait3A_177 = arith.constant 0 : i32
      %dma_wait3A_178 = tpu.memref_slice %arg9[%dma_wait3A_175, %dma_wait3A_176, %dma_wait3A_177] : memref<2x2x3200xi32, #tpu.memory_space<vmem>> -> memref<1x1x3200xi32, #tpu.memory_space<vmem>>
      %dma_wait3A_179 = tpu.memref_squeeze %dma_wait3A_178 : memref<1x1x3200xi32, #tpu.memory_space<vmem>> -> memref<3200xi32, #tpu.memory_space<vmem>>
      %dma_wait3A_180 = arith.constant 0 : i32
      %dma_wait3A_181 = tpu.memref_slice %arg3[%dma_wait3A_180] : memref<10240000xi32, #tpu.memory_space<hbm>> -> memref<3200xi32, #tpu.memory_space<hbm>>
      %dma_wait3A_182 = arith.constant 0 : i32
      %dma_wait3A_183 = tpu.memref_slice %arg9[%dma_wait3A_175, %dma_wait3A_176, %dma_wait3A_182] : memref<2x2x3200xi32, #tpu.memory_space<vmem>> -> memref<1x1x3200xi32, #tpu.memory_space<vmem>>
      %dma_wait3A_184 = tpu.memref_squeeze %dma_wait3A_183 : memref<1x1x3200xi32, #tpu.memory_space<vmem>> -> memref<3200xi32, #tpu.memory_space<vmem>>
      %dma_wait3A_185 = arith.constant 0 : i32
      %dma_wait3A_186 = tpu.memref_slice %arg3[%dma_wait3A_185] : memref<10240000xi32, #tpu.memory_space<hbm>> -> memref<3200xi32, #tpu.memory_space<hbm>>
      tpu.wait_dma2 semaphore(%arg11 : memref<!tpu.dma_semaphore, #tpu.memory_space<semaphore_mem>>) src(%dma_wait3A_186 : memref<3200xi32, #tpu.memory_space<hbm>>) dst(%dma_wait3A_184 : memref<3200xi32, #tpu.memory_space<vmem>>)
      %parallel_loop3A_187 = arith.constant 0 : i32
      %parallel_loop3A_188 = arith.constant 3200 : i32
      %parallel_loop3A_189 = arith.constant 16 : i32
      scf.for %parallel_loop3A_190 = %parallel_loop3A_187 to %parallel_loop3A_188 step %parallel_loop3A_189  : i32 {
        %parallel_loop3A_191 = arith.constant 1 : i32
        %parallel_loop3A_192 = arith.index_cast %parallel_loop3A_191 : i32 to index
        %parallel_loop3A_193 = arith.index_cast %parallel_loop3A_190 : i32 to index
        %parallel_loop3A_194 = tpu.vector_load %arg8[%parallel_loop3A_192, %parallel_loop3A_193] {strides = array<i32>} : memref<2x3200xi32, #tpu.memory_space<vmem>>, vector<16xi32>,
        %parallel_loop3A_195 = arith.constant 16383 : i32
        %parallel_loop3A_196 = vector.broadcast %parallel_loop3A_195 : i32 to vector<16xi32>
        %parallel_loop3A_197 = arith.andi %parallel_loop3A_194, %parallel_loop3A_196 : vector<16xi32>
        %parallel_loop3A_198 = arith.constant 14 : i32
        %parallel_loop3A_199 = vector.broadcast %parallel_loop3A_198 : i32 to vector<16xi32>
        %parallel_loop3A_200 = arith.shrsi %parallel_loop3A_194, %parallel_loop3A_199 : vector<16xi32>
        %parallel_loop3A_201 = arith.constant 16383 : i32
        %parallel_loop3A_202 = vector.broadcast %parallel_loop3A_201 : i32 to vector<16xi32>
        %parallel_loop3A_203 = arith.andi %parallel_loop3A_200, %parallel_loop3A_202 : vector<16xi32>
        %parallel_loop3A_204 = arith.constant 1 : i32
        %parallel_loop3A_205 = arith.constant 0 : i32
        %parallel_loop3A_206 = arith.index_cast %parallel_loop3A_204 : i32 to index
        %parallel_loop3A_207 = arith.index_cast %parallel_loop3A_205 : i32 to index
        %parallel_loop3A_208 = arith.index_cast %parallel_loop3A_190 : i32 to index
        %parallel_loop3A_209 = tpu.vector_load %arg9[%parallel_loop3A_206, %parallel_loop3A_207, %parallel_loop3A_208] {strides = array<i32>} : memref<2x2x3200xi32, #tpu.memory_space<vmem>>, vector<16xi32>,
        %parallel_loop3A_210 = arith.constant 16 : i32
        %parallel_loop3A_211 = vector.broadcast %parallel_loop3A_210 : i32 to vector<16xi32>
        %parallel_loop3A_212 = arith.shli %parallel_loop3A_209, %parallel_loop3A_211 : vector<16xi32>
        %parallel_loop3A_213 = vector.bitcast %parallel_loop3A_212 : vector<16xi32> to vector<16xf32>
        %parallel_loop3A_214 = arith.constant -65536 : i32
        %parallel_loop3A_215 = vector.broadcast %parallel_loop3A_214 : i32 to vector<16xi32>
        %parallel_loop3A_216 = arith.andi %parallel_loop3A_209, %parallel_loop3A_215 : vector<16xi32>
        %parallel_loop3A_217 = vector.bitcast %parallel_loop3A_216 : vector<16xi32> to vector<16xf32>
        %parallel_loop3A_218 = arith.constant 0 : i32
        %parallel_loop3A_219 = vector.broadcast %parallel_loop3A_218 : i32 to vector<16xi32>
        %parallel_loop3A_220 = arith.addi %parallel_loop3A_197, %parallel_loop3A_219 : vector<16xi32>
        %parallel_loop3A_221 = tpu.vector_load_idx %arg6[%parallel_loop3A_220] : memref<40000xf32, #tpu.memory_space<vmem>>[vector<16xi32>], vector<16xf32>,
        %parallel_loop3A_222 = arith.constant 0 : i32
        %parallel_loop3A_223 = vector.broadcast %parallel_loop3A_222 : i32 to vector<16xi32>
        %parallel_loop3A_224 = arith.addi %parallel_loop3A_203, %parallel_loop3A_223 : vector<16xi32>
        %parallel_loop3A_225 = arith.mulf %parallel_loop3A_213, %parallel_loop3A_221 : vector<16xf32>
        tpu.vector_store_idx %arg7[%parallel_loop3A_224], %parallel_loop3A_225 {add = true} : memref<40000xf32, #tpu.memory_space<vmem>>[vector<16xi32>], vector<16xf32>,
        %parallel_loop3A_226 = arith.constant 10000 : i32
        %parallel_loop3A_227 = vector.broadcast %parallel_loop3A_226 : i32 to vector<16xi32>
        %parallel_loop3A_228 = arith.addi %parallel_loop3A_197, %parallel_loop3A_227 : vector<16xi32>
        %parallel_loop3A_229 = tpu.vector_load_idx %arg6[%parallel_loop3A_228] : memref<40000xf32, #tpu.memory_space<vmem>>[vector<16xi32>], vector<16xf32>,
        %parallel_loop3A_230 = arith.constant 10000 : i32
        %parallel_loop3A_231 = vector.broadcast %parallel_loop3A_230 : i32 to vector<16xi32>
        %parallel_loop3A_232 = arith.addi %parallel_loop3A_203, %parallel_loop3A_231 : vector<16xi32>
        %parallel_loop3A_233 = arith.mulf %parallel_loop3A_217, %parallel_loop3A_229 : vector<16xf32>
        tpu.vector_store_idx %arg7[%parallel_loop3A_232], %parallel_loop3A_233 {add = true} : memref<40000xf32, #tpu.memory_space<vmem>>[vector<16xi32>], vector<16xf32>,
        %parallel_loop3A_234 = arith.constant 1 : i32
        %parallel_loop3A_235 = arith.constant 1 : i32
        %parallel_loop3A_236 = arith.index_cast %parallel_loop3A_234 : i32 to index
        %parallel_loop3A_237 = arith.index_cast %parallel_loop3A_235 : i32 to index
        %parallel_loop3A_238 = arith.index_cast %parallel_loop3A_190 : i32 to index
        %parallel_loop3A_239 = tpu.vector_load %arg9[%parallel_loop3A_236, %parallel_loop3A_237, %parallel_loop3A_238] {strides = array<i32>} : memref<2x2x3200xi32, #tpu.memory_space<vmem>>, vector<16xi32>,
        %parallel_loop3A_240 = arith.constant 16 : i32
        %parallel_loop3A_241 = vector.broadcast %parallel_loop3A_240 : i32 to vector<16xi32>
        %parallel_loop3A_242 = arith.shli %parallel_loop3A_239, %parallel_loop3A_241 : vector<16xi32>
        %parallel_loop3A_243 = vector.bitcast %parallel_loop3A_242 : vector<16xi32> to vector<16xf32>
        %parallel_loop3A_244 = arith.constant -65536 : i32
        %parallel_loop3A_245 = vector.broadcast %parallel_loop3A_244 : i32 to vector<16xi32>
        %parallel_loop3A_246 = arith.andi %parallel_loop3A_239, %parallel_loop3A_245 : vector<16xi32>
        %parallel_loop3A_247 = vector.bitcast %parallel_loop3A_246 : vector<16xi32> to vector<16xf32>
        %parallel_loop3A_248 = arith.constant 20000 : i32
        %parallel_loop3A_249 = vector.broadcast %parallel_loop3A_248 : i32 to vector<16xi32>
        %parallel_loop3A_250 = arith.addi %parallel_loop3A_197, %parallel_loop3A_249 : vector<16xi32>
        %parallel_loop3A_251 = tpu.vector_load_idx %arg6[%parallel_loop3A_250] : memref<40000xf32, #tpu.memory_space<vmem>>[vector<16xi32>], vector<16xf32>,
        %parallel_loop3A_252 = arith.constant 20000 : i32
        %parallel_loop3A_253 = vector.broadcast %parallel_loop3A_252 : i32 to vector<16xi32>
        %parallel_loop3A_254 = arith.addi %parallel_loop3A_203, %parallel_loop3A_253 : vector<16xi32>
        %parallel_loop3A_255 = arith.mulf %parallel_loop3A_243, %parallel_loop3A_251 : vector<16xf32>
        tpu.vector_store_idx %arg7[%parallel_loop3A_254], %parallel_loop3A_255 {add = true} : memref<40000xf32, #tpu.memory_space<vmem>>[vector<16xi32>], vector<16xf32>,
        %parallel_loop3A_256 = arith.constant 30000 : i32
        %parallel_loop3A_257 = vector.broadcast %parallel_loop3A_256 : i32 to vector<16xi32>
        %parallel_loop3A_258 = arith.addi %parallel_loop3A_197, %parallel_loop3A_257 : vector<16xi32>
        %parallel_loop3A_259 = tpu.vector_load_idx %arg6[%parallel_loop3A_258] : memref<40000xf32, #tpu.memory_space<vmem>>[vector<16xi32>], vector<16xf32>,
        %parallel_loop3A_260 = arith.constant 30000 : i32
        %parallel_loop3A_261 = vector.broadcast %parallel_loop3A_260 : i32 to vector<16xi32>
        %parallel_loop3A_262 = arith.addi %parallel_loop3A_203, %parallel_loop3A_261 : vector<16xi32>
        %parallel_loop3A_263 = arith.mulf %parallel_loop3A_247, %parallel_loop3A_259 : vector<16xf32>
        tpu.vector_store_idx %arg7[%parallel_loop3A_262], %parallel_loop3A_263 {add = true} : memref<40000xf32, #tpu.memory_space<vmem>>[vector<16xi32>], vector<16xf32>,
      } {sc.loop_unroll_factor = 4 : i64, sc.parallel_access}
    }
    %scan3A_58 = arith.constant 25 : i32
    "tpu.region"() ({
      %run_scoped3A = tpu.sem_alloc : memref<!tpu.dma_semaphore, #tpu.memory_space<semaphore_mem>>
      %dma_start3A_59 = tpu.memref_slice %arg5[%multiple_of3A] : memref<1280000xf32, #tpu.memory_space<hbm>> -> memref<40000xf32, #tpu.memory_space<hbm>>
      %dma_start3A_60 = tpu.memref_slice %arg5[%multiple_of3A] : memref<1280000xf32, #tpu.memory_space<hbm>> -> memref<40000xf32, #tpu.memory_space<hbm>>
      tpu.enqueue_dma source(%arg7 : memref<40000xf32, #tpu.memory_space<vmem>>) target(%dma_start3A_60 : memref<40000xf32, #tpu.memory_space<hbm>>) target_semaphore(%run_scoped3A : memref<!tpu.dma_semaphore, #tpu.memory_space<semaphore_mem>>)
      %dma_wait3A = tpu.memref_slice %arg5[%multiple_of3A] : memref<1280000xf32, #tpu.memory_space<hbm>> -> memref<40000xf32, #tpu.memory_space<hbm>>
      %dma_wait3A_61 = tpu.memref_slice %arg5[%multiple_of3A] : memref<1280000xf32, #tpu.memory_space<hbm>> -> memref<40000xf32, #tpu.memory_space<hbm>>
      tpu.wait_dma2 semaphore(%run_scoped3A : memref<!tpu.dma_semaphore, #tpu.memory_space<semaphore_mem>>) src(%arg7 : memref<40000xf32, #tpu.memory_space<vmem>>) dst(%dma_wait3A_61 : memref<40000xf32, #tpu.memory_space<hbm>>)
      tpu.yield
    }) : () -> ()
    return
  }
}

#map = affine_map<(d0, d1) -> (0)>
module attributes {stable_mosaic.version = 14 : i64} {
  func.func @scatter_kernel(%arg0: i32, %arg1: i32, %arg2: memref<1280000xf32, #tpu.memory_space<hbm>>, %arg3: memref<10240000xi32, #tpu.memory_space<hbm>>, %arg4: memref<320000xi32, #tpu.memory_space<hbm>>, %arg5: memref<1280000xf32, #tpu.memory_space<hbm>>, %arg6: memref<40000xf32, #tpu.memory_space<vmem>>, %arg7: memref<40000xf32, #tpu.memory_space<vmem>>, %arg8: memref<2x3200xi32, #tpu.memory_space<vmem>>, %arg9: memref<2x2x3200xi32, #tpu.memory_space<vmem>>, %arg10: memref<!tpu.dma_semaphore, #tpu.memory_space<semaphore_mem>>, %arg11: memref<!tpu.dma_semaphore, #tpu.memory_space<semaphore_mem>>) attributes {dimension_semantics = [#tpu.dimension_semantics<core_parallel>, #tpu.dimension_semantics<subcore_parallel>], iteration_bounds = array<i64: 2, 16>, scalar_prefetch = 0 : i64, scratch_operands = 6 : i64, tpu.core_type = #tpu.core_type<sc_vector_subcore>, window_params = [{transform_indices = #map}, {transform_indices = #map}, {transform_indices = #map}, {transform_indices = #map}]} {
    %mul3A = arith.constant 2 : i32
    %mul3A_0 = arith.muli %arg1, %mul3A : i32
    %add3A = arith.addi %mul3A_0, %arg0 : i32
    %mul3A_1 = arith.constant 40000 : i32
    %mul3A_2 = arith.muli %add3A, %mul3A_1 : i32
    %multiple_of3A = tpu.assume_multiple %mul3A_2, 8 : i32
    %mul3A_3 = arith.constant 320000 : i32
    %mul3A_4 = arith.muli %add3A, %mul3A_3 : i32
    %multiple_of3A_5 = tpu.assume_multiple %mul3A_4, 8 : i32
    %mul3A_6 = arith.constant 8 : i32
    %mul3A_7 = arith.muli %add3A, %mul3A_6 : i32
    %add3A_8 = arith.constant 0 : i32
    %add3A_9 = arith.addi %add3A_8, %mul3A_7 : i32
    %rem3A = arith.constant 50 : i32
    %rem3A_10 = arith.remsi %add3A_9, %rem3A : i32
    %mul3A_11 = arith.constant 3200 : i32
    %mul3A_12 = arith.muli %rem3A_10, %mul3A_11 : i32
    %multiple_of3A_13 = tpu.assume_multiple %mul3A_12, 3200 : i32
    %add3A_14 = arith.constant 0 : i32
    %add3A_15 = arith.addi %multiple_of3A_13, %add3A_14 : i32
    %dma_start3A = arith.constant 0 : i32
    %dma_start3A_16 = arith.constant 0 : i32
    %dma_start3A_17 = tpu.memref_slice %arg8[%dma_start3A, %dma_start3A_16] : memref<2x3200xi32, #tpu.memory_space<vmem>> -> memref<1x3200xi32, #tpu.memory_space<vmem>>
    %dma_start3A_18 = tpu.memref_squeeze %dma_start3A_17 : memref<1x3200xi32, #tpu.memory_space<vmem>> -> memref<3200xi32, #tpu.memory_space<vmem>>
    %dma_start3A_19 = tpu.memref_slice %arg4[%add3A_15] : memref<320000xi32, #tpu.memory_space<hbm>> -> memref<3200xi32, #tpu.memory_space<hbm>>
    %dma_start3A_20 = arith.constant 0 : i32
    %dma_start3A_21 = tpu.memref_slice %arg8[%dma_start3A, %dma_start3A_20] : memref<2x3200xi32, #tpu.memory_space<vmem>> -> memref<1x3200xi32, #tpu.memory_space<vmem>>
    %dma_start3A_22 = tpu.memref_squeeze %dma_start3A_21 : memref<1x3200xi32, #tpu.memory_space<vmem>> -> memref<3200xi32, #tpu.memory_space<vmem>>
    %dma_start3A_23 = tpu.memref_slice %arg4[%add3A_15] : memref<320000xi32, #tpu.memory_space<hbm>> -> memref<3200xi32, #tpu.memory_space<hbm>>
    tpu.enqueue_dma source(%dma_start3A_23 : memref<3200xi32, #tpu.memory_space<hbm>>) target(%dma_start3A_22 : memref<3200xi32, #tpu.memory_space<vmem>>) target_semaphore(%arg10 : memref<!tpu.dma_semaphore, #tpu.memory_space<semaphore_mem>>)
    %add3A_24 = arith.constant 0 : i32
    %add3A_25 = arith.addi %multiple_of3A_5, %add3A_24 : i32
    %add3A_26 = arith.addi %add3A_25, %multiple_of3A_13 : i32
    %multiple_of3A_27 = tpu.assume_multiple %add3A_26, 8 : i32
    %dma_start3A_28 = arith.constant 0 : i32
    %dma_start3A_29 = arith.constant 0 : i32
    %dma_start3A_30 = arith.constant 0 : i32
    %dma_start3A_31 = tpu.memref_slice %arg9[%dma_start3A_28, %dma_start3A_29, %dma_start3A_30] : memref<2x2x3200xi32, #tpu.memory_space<vmem>> -> memref<1x1x3200xi32, #tpu.memory_space<vmem>>
    %dma_start3A_32 = tpu.memref_squeeze %dma_start3A_31 : memref<1x1x3200xi32, #tpu.memory_space<vmem>> -> memref<3200xi32, #tpu.memory_space<vmem>>
    %dma_start3A_33 = tpu.memref_slice %arg3[%multiple_of3A_27] : memref<10240000xi32, #tpu.memory_space<hbm>> -> memref<3200xi32, #tpu.memory_space<hbm>>
    %dma_start3A_34 = arith.constant 0 : i32
    %dma_start3A_35 = tpu.memref_slice %arg9[%dma_start3A_28, %dma_start3A_29, %dma_start3A_34] : memref<2x2x3200xi32, #tpu.memory_space<vmem>> -> memref<1x1x3200xi32, #tpu.memory_space<vmem>>
    %dma_start3A_36 = tpu.memref_squeeze %dma_start3A_35 : memref<1x1x3200xi32, #tpu.memory_space<vmem>> -> memref<3200xi32, #tpu.memory_space<vmem>>
    %dma_start3A_37 = tpu.memref_slice %arg3[%multiple_of3A_27] : memref<10240000xi32, #tpu.memory_space<hbm>> -> memref<3200xi32, #tpu.memory_space<hbm>>
    tpu.enqueue_dma source(%dma_start3A_37 : memref<3200xi32, #tpu.memory_space<hbm>>) target(%dma_start3A_36 : memref<3200xi32, #tpu.memory_space<vmem>>) target_semaphore(%arg10 : memref<!tpu.dma_semaphore, #tpu.memory_space<semaphore_mem>>)
    %add3A_38 = arith.constant 160000 : i32
    %add3A_39 = arith.addi %multiple_of3A_5, %add3A_38 : i32
    %add3A_40 = arith.addi %add3A_39, %multiple_of3A_13 : i32
    %multiple_of3A_41 = tpu.assume_multiple %add3A_40, 8 : i32
    %dma_start3A_42 = arith.constant 0 : i32
    %dma_start3A_43 = arith.constant 1 : i32
    %dma_start3A_44 = arith.constant 0 : i32
    %dma_start3A_45 = tpu.memref_slice %arg9[%dma_start3A_42, %dma_start3A_43, %dma_start3A_44] : memref<2x2x3200xi32, #tpu.memory_space<vmem>> -> memref<1x1x3200xi32, #tpu.memory_space<vmem>>
    %dma_start3A_46 = tpu.memref_squeeze %dma_start3A_45 : memref<1x1x3200xi32, #tpu.memory_space<vmem>> -> memref<3200xi32, #tpu.memory_space<vmem>>
    %dma_start3A_47 = tpu.memref_slice %arg3[%multiple_of3A_41] : memref<10240000xi32, #tpu.memory_space<hbm>> -> memref<3200xi32, #tpu.memory_space<hbm>>
    %dma_start3A_48 = arith.constant 0 : i32
    %dma_start3A_49 = tpu.memref_slice %arg9[%dma_start3A_42, %dma_start3A_43, %dma_start3A_48] : memref<2x2x3200xi32, #tpu.memory_space<vmem>> -> memref<1x1x3200xi32, #tpu.memory_space<vmem>>
    %dma_start3A_50 = tpu.memref_squeeze %dma_start3A_49 : memref<1x1x3200xi32, #tpu.memory_space<vmem>> -> memref<3200xi32, #tpu.memory_space<vmem>>
    %dma_start3A_51 = tpu.memref_slice %arg3[%multiple_of3A_41] : memref<10240000xi32, #tpu.memory_space<hbm>> -> memref<3200xi32, #tpu.memory_space<hbm>>
    tpu.enqueue_dma source(%dma_start3A_51 : memref<3200xi32, #tpu.memory_space<hbm>>) target(%dma_start3A_50 : memref<3200xi32, #tpu.memory_space<vmem>>) target_semaphore(%arg10 : memref<!tpu.dma_semaphore, #tpu.memory_space<semaphore_mem>>)
    "tpu.region"() ({
      %run_scoped3A = tpu.sem_alloc : memref<!tpu.dma_semaphore, #tpu.memory_space<semaphore_mem>>
      %dma_start3A_59 = tpu.memref_slice %arg2[%multiple_of3A] : memref<1280000xf32, #tpu.memory_space<hbm>> -> memref<40000xf32, #tpu.memory_space<hbm>>
      %dma_start3A_60 = tpu.memref_slice %arg2[%multiple_of3A] : memref<1280000xf32, #tpu.memory_space<hbm>> -> memref<40000xf32, #tpu.memory_space<hbm>>
      tpu.enqueue_dma source(%dma_start3A_60 : memref<40000xf32, #tpu.memory_space<hbm>>) target(%arg6 : memref<40000xf32, #tpu.memory_space<vmem>>) target_semaphore(%run_scoped3A : memref<!tpu.dma_semaphore, #tpu.memory_space<semaphore_mem>>)
      %dma_wait3A = tpu.memref_slice %arg2[%multiple_of3A] : memref<1280000xf32, #tpu.memory_space<hbm>> -> memref<40000xf32, #tpu.memory_space<hbm>>
      %dma_wait3A_61 = tpu.memref_slice %arg2[%multiple_of3A] : memref<1280000xf32, #tpu.memory_space<hbm>> -> memref<40000xf32, #tpu.memory_space<hbm>>
      tpu.wait_dma2 semaphore(%run_scoped3A : memref<!tpu.dma_semaphore, #tpu.memory_space<semaphore_mem>>) src(%dma_wait3A_61 : memref<40000xf32, #tpu.memory_space<hbm>>) dst(%arg6 : memref<40000xf32, #tpu.memory_space<vmem>>)
      tpu.yield
    }) : () -> ()
    %parallel_loop3A = arith.constant 0 : i32
    %parallel_loop3A_52 = arith.constant 40000 : i32
    %parallel_loop3A_53 = arith.constant 16 : i32
    scf.for %parallel_loop3A_59 = %parallel_loop3A to %parallel_loop3A_52 step %parallel_loop3A_53  : i32 {
      %parallel_loop3A_60 = arith.constant 0.000000e+00 : f32
      %parallel_loop3A_61 = vector.broadcast %parallel_loop3A_60 : f32 to vector<16xf32>
      %parallel_loop3A_62 = arith.index_cast %parallel_loop3A_59 : i32 to index
      %parallel_loop3A_63 = tpu.vector_load %arg7[%parallel_loop3A_62] {strides = array<i32>} : memref<40000xf32, #tpu.memory_space<vmem>>, vector<16xf32>,
      tpu.vector_store %arg7[%parallel_loop3A_62], %parallel_loop3A_61 {strides = array<i32>} : memref<40000xf32, #tpu.memory_space<vmem>>, vector<16xf32>,
    } {sc.loop_unroll_factor = 8 : i64, sc.parallel_access}
    %scan3A = arith.constant 0 : i32
    %scan3A_54 = arith.constant 0 : i32
    %scan3A_55 = arith.constant 25 : i32
    %scan3A_56 = arith.addi %scan3A_54, %scan3A_55 : i32
    %scan3A_57 = arith.constant 1 : i32
    scf.for %scan3A_59 = %scan3A_54 to %scan3A_56 step %scan3A_57  : i32 {
      %mul3A_60 = arith.constant 2 : i32
      %mul3A_61 = arith.muli %scan3A_59, %mul3A_60 : i32
      %add3A_62 = arith.constant 1 : i32
      %add3A_63 = arith.addi %mul3A_61, %add3A_62 : i32
      %mul3A_64 = arith.constant 8 : i32
      %mul3A_65 = arith.muli %add3A, %mul3A_64 : i32
      %add3A_66 = arith.addi %add3A_63, %mul3A_65 : i32
      %rem3A_67 = arith.constant 50 : i32
      %rem3A_68 = arith.remsi %add3A_66, %rem3A_67 : i32
      %mul3A_69 = arith.constant 3200 : i32
      %mul3A_70 = arith.muli %rem3A_68, %mul3A_69 : i32
      %multiple_of3A_71 = tpu.assume_multiple %mul3A_70, 3200 : i32
      %add3A_72 = arith.constant 0 : i32
      %add3A_73 = arith.addi %multiple_of3A_71, %add3A_72 : i32
      %dma_start3A_74 = arith.constant 1 : i32
      %dma_start3A_75 = arith.constant 0 : i32
      %dma_start3A_76 = tpu.memref_slice %arg8[%dma_start3A_74, %dma_start3A_75] : memref<2x3200xi32, #tpu.memory_space<vmem>> -> memref<1x3200xi32, #tpu.memory_space<vmem>>
      %dma_start3A_77 = tpu.memref_squeeze %dma_start3A_76 : memref<1x3200xi32, #tpu.memory_space<vmem>> -> memref<3200xi32, #tpu.memory_space<vmem>>
      %dma_start3A_78 = tpu.memref_slice %arg4[%add3A_73] : memref<320000xi32, #tpu.memory_space<hbm>> -> memref<3200xi32, #tpu.memory_space<hbm>>
      %dma_start3A_79 = arith.constant 0 : i32
      %dma_start3A_80 = tpu.memref_slice %arg8[%dma_start3A_74, %dma_start3A_79] : memref<2x3200xi32, #tpu.memory_space<vmem>> -> memref<1x3200xi32, #tpu.memory_space<vmem>>
      %dma_start3A_81 = tpu.memref_squeeze %dma_start3A_80 : memref<1x3200xi32, #tpu.memory_space<vmem>> -> memref<3200xi32, #tpu.memory_space<vmem>>
      %dma_start3A_82 = tpu.memref_slice %arg4[%add3A_73] : memref<320000xi32, #tpu.memory_space<hbm>> -> memref<3200xi32, #tpu.memory_space<hbm>>
      tpu.enqueue_dma source(%dma_start3A_82 : memref<3200xi32, #tpu.memory_space<hbm>>) target(%dma_start3A_81 : memref<3200xi32, #tpu.memory_space<vmem>>) target_semaphore(%arg11 : memref<!tpu.dma_semaphore, #tpu.memory_space<semaphore_mem>>)
      %add3A_83 = arith.constant 0 : i32
      %add3A_84 = arith.addi %multiple_of3A_5, %add3A_83 : i32
      %add3A_85 = arith.addi %add3A_84, %multiple_of3A_71 : i32
      %multiple_of3A_86 = tpu.assume_multiple %add3A_85, 8 : i32
      %dma_start3A_87 = arith.constant 1 : i32
      %dma_start3A_88 = arith.constant 0 : i32
      %dma_start3A_89 = arith.constant 0 : i32
      %dma_start3A_90 = tpu.memref_slice %arg9[%dma_start3A_87, %dma_start3A_88, %dma_start3A_89] : memref<2x2x3200xi32, #tpu.memory_space<vmem>> -> memref<1x1x3200xi32, #tpu.memory_space<vmem>>
      %dma_start3A_91 = tpu.memref_squeeze %dma_start3A_90 : memref<1x1x3200xi32, #tpu.memory_space<vmem>> -> memref<3200xi32, #tpu.memory_space<vmem>>
      %dma_start3A_92 = tpu.memref_slice %arg3[%multiple_of3A_86] : memref<10240000xi32, #tpu.memory_space<hbm>> -> memref<3200xi32, #tpu.memory_space<hbm>>
      %dma_start3A_93 = arith.constant 0 : i32
      %dma_start3A_94 = tpu.memref_slice %arg9[%dma_start3A_87, %dma_start3A_88, %dma_start3A_93] : memref<2x2x3200xi32, #tpu.memory_space<vmem>> -> memref<1x1x3200xi32, #tpu.memory_space<vmem>>
      %dma_start3A_95 = tpu.memref_squeeze %dma_start3A_94 : memref<1x1x3200xi32, #tpu.memory_space<vmem>> -> memref<3200xi32, #tpu.memory_space<vmem>>
      %dma_start3A_96 = tpu.memref_slice %arg3[%multiple_of3A_86] : memref<10240000xi32, #tpu.memory_space<hbm>> -> memref<3200xi32, #tpu.memory_space<hbm>>
      tpu.enqueue_dma source(%dma_start3A_96 : memref<3200xi32, #tpu.memory_space<hbm>>) target(%dma_start3A_95 : memref<3200xi32, #tpu.memory_space<vmem>>) target_semaphore(%arg11 : memref<!tpu.dma_semaphore, #tpu.memory_space<semaphore_mem>>)
      %add3A_97 = arith.constant 160000 : i32
      %add3A_98 = arith.addi %multiple_of3A_5, %add3A_97 : i32
      %add3A_99 = arith.addi %add3A_98, %multiple_of3A_71 : i32
      %multiple_of3A_100 = tpu.assume_multiple %add3A_99, 8 : i32
      %dma_start3A_101 = arith.constant 1 : i32
      %dma_start3A_102 = arith.constant 1 : i32
      %dma_start3A_103 = arith.constant 0 : i32
      %dma_start3A_104 = tpu.memref_slice %arg9[%dma_start3A_101, %dma_start3A_102, %dma_start3A_103] : memref<2x2x3200xi32, #tpu.memory_space<vmem>> -> memref<1x1x3200xi32, #tpu.memory_space<vmem>>
      %dma_start3A_105 = tpu.memref_squeeze %dma_start3A_104 : memref<1x1x3200xi32, #tpu.memory_space<vmem>> -> memref<3200xi32, #tpu.memory_space<vmem>>
      %dma_start3A_106 = tpu.memref_slice %arg3[%multiple_of3A_100] : memref<10240000xi32, #tpu.memory_space<hbm>> -> memref<3200xi32, #tpu.memory_space<hbm>>
      %dma_start3A_107 = arith.constant 0 : i32
      %dma_start3A_108 = tpu.memref_slice %arg9[%dma_start3A_101, %dma_start3A_102, %dma_start3A_107] : memref<2x2x3200xi32, #tpu.memory_space<vmem>> -> memref<1x1x3200xi32, #tpu.memory_space<vmem>>
      %dma_start3A_109 = tpu.memref_squeeze %dma_start3A_108 : memref<1x1x3200xi32, #tpu.memory_space<vmem>> -> memref<3200xi32, #tpu.memory_space<vmem>>
      %dma_start3A_110 = tpu.memref_slice %arg3[%multiple_of3A_100] : memref<10240000xi32, #tpu.memory_space<hbm>> -> memref<3200xi32, #tpu.memory_space<hbm>>
      tpu.enqueue_dma source(%dma_start3A_110 : memref<3200xi32, #tpu.memory_space<hbm>>) target(%dma_start3A_109 : memref<3200xi32, #tpu.memory_space<vmem>>) target_semaphore(%arg11 : memref<!tpu.dma_semaphore, #tpu.memory_space<semaphore_mem>>)
      %dma_wait3A = arith.constant 0 : i32
      %dma_wait3A_111 = arith.constant 0 : i32
      %dma_wait3A_112 = tpu.memref_slice %arg8[%dma_wait3A, %dma_wait3A_111] : memref<2x3200xi32, #tpu.memory_space<vmem>> -> memref<1x3200xi32, #tpu.memory_space<vmem>>
      %dma_wait3A_113 = tpu.memref_squeeze %dma_wait3A_112 : memref<1x3200xi32, #tpu.memory_space<vmem>> -> memref<3200xi32, #tpu.memory_space<vmem>>
      %dma_wait3A_114 = arith.constant 0 : i32
      %dma_wait3A_115 = tpu.memref_slice %arg4[%dma_wait3A_114] : memref<320000xi32, #tpu.memory_space<hbm>> -> memref<3200xi32, #tpu.memory_space<hbm>>
      %dma_wait3A_116 = arith.constant 0 : i32
      %dma_wait3A_117 = tpu.memref_slice %arg8[%dma_wait3A, %dma_wait3A_116] : memref<2x3200xi32, #tpu.memory_space<vmem>> -> memref<1x3200xi32, #tpu.memory_space<vmem>>
      %dma_wait3A_118 = tpu.memref_squeeze %dma_wait3A_117 : memref<1x3200xi32, #tpu.memory_space<vmem>> -> memref<3200xi32, #tpu.memory_space<vmem>>
      %dma_wait3A_119 = arith.constant 0 : i32
      %dma_wait3A_120 = tpu.memref_slice %arg4[%dma_wait3A_119] : memref<320000xi32, #tpu.memory_space<hbm>> -> memref<3200xi32, #tpu.memory_space<hbm>>
      tpu.wait_dma2 semaphore(%arg10 : memref<!tpu.dma_semaphore, #tpu.memory_space<semaphore_mem>>) src(%dma_wait3A_120 : memref<3200xi32, #tpu.memory_space<hbm>>) dst(%dma_wait3A_118 : memref<3200xi32, #tpu.memory_space<vmem>>)
      %dma_wait3A_121 = arith.constant 0 : i32
      %dma_wait3A_122 = arith.constant 0 : i32
      %dma_wait3A_123 = arith.constant 0 : i32
      %dma_wait3A_124 = tpu.memref_slice %arg9[%dma_wait3A_121, %dma_wait3A_122, %dma_wait3A_123] : memref<2x2x3200xi32, #tpu.memory_space<vmem>> -> memref<1x1x3200xi32, #tpu.memory_space<vmem>>
      %dma_wait3A_125 = tpu.memref_squeeze %dma_wait3A_124 : memref<1x1x3200xi32, #tpu.memory_space<vmem>> -> memref<3200xi32, #tpu.memory_space<vmem>>
      %dma_wait3A_126 = arith.constant 0 : i32
      %dma_wait3A_127 = tpu.memref_slice %arg3[%dma_wait3A_126] : memref<10240000xi32, #tpu.memory_space<hbm>> -> memref<3200xi32, #tpu.memory_space<hbm>>
      %dma_wait3A_128 = arith.constant 0 : i32
      %dma_wait3A_129 = tpu.memref_slice %arg9[%dma_wait3A_121, %dma_wait3A_122, %dma_wait3A_128] : memref<2x2x3200xi32, #tpu.memory_space<vmem>> -> memref<1x1x3200xi32, #tpu.memory_space<vmem>>
      %dma_wait3A_130 = tpu.memref_squeeze %dma_wait3A_129 : memref<1x1x3200xi32, #tpu.memory_space<vmem>> -> memref<3200xi32, #tpu.memory_space<vmem>>
      %dma_wait3A_131 = arith.constant 0 : i32
      %dma_wait3A_132 = tpu.memref_slice %arg3[%dma_wait3A_131] : memref<10240000xi32, #tpu.memory_space<hbm>> -> memref<3200xi32, #tpu.memory_space<hbm>>
      tpu.wait_dma2 semaphore(%arg10 : memref<!tpu.dma_semaphore, #tpu.memory_space<semaphore_mem>>) src(%dma_wait3A_132 : memref<3200xi32, #tpu.memory_space<hbm>>) dst(%dma_wait3A_130 : memref<3200xi32, #tpu.memory_space<vmem>>)
      %dma_wait3A_133 = arith.constant 0 : i32
      %dma_wait3A_134 = arith.constant 1 : i32
      %dma_wait3A_135 = arith.constant 0 : i32
      %dma_wait3A_136 = tpu.memref_slice %arg9[%dma_wait3A_133, %dma_wait3A_134, %dma_wait3A_135] : memref<2x2x3200xi32, #tpu.memory_space<vmem>> -> memref<1x1x3200xi32, #tpu.memory_space<vmem>>
      %dma_wait3A_137 = tpu.memref_squeeze %dma_wait3A_136 : memref<1x1x3200xi32, #tpu.memory_space<vmem>> -> memref<3200xi32, #tpu.memory_space<vmem>>
      %dma_wait3A_138 = arith.constant 0 : i32
      %dma_wait3A_139 = tpu.memref_slice %arg3[%dma_wait3A_138] : memref<10240000xi32, #tpu.memory_space<hbm>> -> memref<3200xi32, #tpu.memory_space<hbm>>
      %dma_wait3A_140 = arith.constant 0 : i32
      %dma_wait3A_141 = tpu.memref_slice %arg9[%dma_wait3A_133, %dma_wait3A_134, %dma_wait3A_140] : memref<2x2x3200xi32, #tpu.memory_space<vmem>> -> memref<1x1x3200xi32, #tpu.memory_space<vmem>>
      %dma_wait3A_142 = tpu.memref_squeeze %dma_wait3A_141 : memref<1x1x3200xi32, #tpu.memory_space<vmem>> -> memref<3200xi32, #tpu.memory_space<vmem>>
      %dma_wait3A_143 = arith.constant 0 : i32
      %dma_wait3A_144 = tpu.memref_slice %arg3[%dma_wait3A_143] : memref<10240000xi32, #tpu.memory_space<hbm>> -> memref<3200xi32, #tpu.memory_space<hbm>>
      tpu.wait_dma2 semaphore(%arg10 : memref<!tpu.dma_semaphore, #tpu.memory_space<semaphore_mem>>) src(%dma_wait3A_144 : memref<3200xi32, #tpu.memory_space<hbm>>) dst(%dma_wait3A_142 : memref<3200xi32, #tpu.memory_space<vmem>>)
      %parallel_loop3A_145 = arith.constant 0 : i32
      %parallel_loop3A_146 = arith.constant 3200 : i32
      %parallel_loop3A_147 = arith.constant 16 : i32
      scf.for %parallel_loop3A_190 = %parallel_loop3A_145 to %parallel_loop3A_146 step %parallel_loop3A_147  : i32 {
        %parallel_loop3A_191 = arith.constant 0 : i32
        %parallel_loop3A_192 = arith.index_cast %parallel_loop3A_191 : i32 to index
        %parallel_loop3A_193 = arith.index_cast %parallel_loop3A_190 : i32 to index
        %parallel_loop3A_194 = tpu.vector_load %arg8[%parallel_loop3A_192, %parallel_loop3A_193] {strides = array<i32>} : memref<2x3200xi32, #tpu.memory_space<vmem>>, vector<16xi32>,
        %parallel_loop3A_195 = arith.constant 16383 : i32
        %parallel_loop3A_196 = vector.broadcast %parallel_loop3A_195 : i32 to vector<16xi32>
        %parallel_loop3A_197 = arith.andi %parallel_loop3A_194, %parallel_loop3A_196 : vector<16xi32>
        %parallel_loop3A_198 = arith.constant 14 : i32
        %parallel_loop3A_199 = vector.broadcast %parallel_loop3A_198 : i32 to vector<16xi32>
        %parallel_loop3A_200 = arith.shrsi %parallel_loop3A_194, %parallel_loop3A_199 : vector<16xi32>
        %parallel_loop3A_201 = arith.constant 16383 : i32
        %parallel_loop3A_202 = vector.broadcast %parallel_loop3A_201 : i32 to vector<16xi32>
        %parallel_loop3A_203 = arith.andi %parallel_loop3A_200, %parallel_loop3A_202 : vector<16xi32>
        %parallel_loop3A_204 = arith.constant 0 : i32
        %parallel_loop3A_205 = arith.constant 0 : i32
        %parallel_loop3A_206 = arith.index_cast %parallel_loop3A_204 : i32 to index
        %parallel_loop3A_207 = arith.index_cast %parallel_loop3A_205 : i32 to index
        %parallel_loop3A_208 = arith.index_cast %parallel_loop3A_190 : i32 to index
        %parallel_loop3A_209 = tpu.vector_load %arg9[%parallel_loop3A_206, %parallel_loop3A_207, %parallel_loop3A_208] {strides = array<i32>} : memref<2x2x3200xi32, #tpu.memory_space<vmem>>, vector<16xi32>,
        %parallel_loop3A_210 = arith.constant 16 : i32
        %parallel_loop3A_211 = vector.broadcast %parallel_loop3A_210 : i32 to vector<16xi32>
        %parallel_loop3A_212 = arith.shli %parallel_loop3A_209, %parallel_loop3A_211 : vector<16xi32>
        %parallel_loop3A_213 = vector.bitcast %parallel_loop3A_212 : vector<16xi32> to vector<16xf32>
        %parallel_loop3A_214 = arith.constant -65536 : i32
        %parallel_loop3A_215 = vector.broadcast %parallel_loop3A_214 : i32 to vector<16xi32>
        %parallel_loop3A_216 = arith.andi %parallel_loop3A_209, %parallel_loop3A_215 : vector<16xi32>
        %parallel_loop3A_217 = vector.bitcast %parallel_loop3A_216 : vector<16xi32> to vector<16xf32>
        %parallel_loop3A_218 = arith.constant 0 : i32
        %parallel_loop3A_219 = vector.broadcast %parallel_loop3A_218 : i32 to vector<16xi32>
        %parallel_loop3A_220 = arith.addi %parallel_loop3A_197, %parallel_loop3A_219 : vector<16xi32>
        %parallel_loop3A_221 = tpu.vector_load_idx %arg6[%parallel_loop3A_220] : memref<40000xf32, #tpu.memory_space<vmem>>[vector<16xi32>], vector<16xf32>,
        %parallel_loop3A_222 = arith.constant 0 : i32
        %parallel_loop3A_223 = vector.broadcast %parallel_loop3A_222 : i32 to vector<16xi32>
        %parallel_loop3A_224 = arith.addi %parallel_loop3A_203, %parallel_loop3A_223 : vector<16xi32>
        %parallel_loop3A_225 = arith.mulf %parallel_loop3A_213, %parallel_loop3A_221 : vector<16xf32>
        tpu.vector_store_idx %arg7[%parallel_loop3A_224], %parallel_loop3A_225 {add = true} : memref<40000xf32, #tpu.memory_space<vmem>>[vector<16xi32>], vector<16xf32>,
        %parallel_loop3A_226 = arith.constant 10000 : i32
        %parallel_loop3A_227 = vector.broadcast %parallel_loop3A_226 : i32 to vector<16xi32>
        %parallel_loop3A_228 = arith.addi %parallel_loop3A_197, %parallel_loop3A_227 : vector<16xi32>
        %parallel_loop3A_229 = tpu.vector_load_idx %arg6[%parallel_loop3A_228] : memref<40000xf32, #tpu.memory_space<vmem>>[vector<16xi32>], vector<16xf32>,
        %parallel_loop3A_230 = arith.constant 10000 : i32
        %parallel_loop3A_231 = vector.broadcast %parallel_loop3A_230 : i32 to vector<16xi32>
        %parallel_loop3A_232 = arith.addi %parallel_loop3A_203, %parallel_loop3A_231 : vector<16xi32>
        %parallel_loop3A_233 = arith.mulf %parallel_loop3A_217, %parallel_loop3A_229 : vector<16xf32>
        tpu.vector_store_idx %arg7[%parallel_loop3A_232], %parallel_loop3A_233 {add = true} : memref<40000xf32, #tpu.memory_space<vmem>>[vector<16xi32>], vector<16xf32>,
        %parallel_loop3A_234 = arith.constant 0 : i32
        %parallel_loop3A_235 = arith.constant 1 : i32
        %parallel_loop3A_236 = arith.index_cast %parallel_loop3A_234 : i32 to index
        %parallel_loop3A_237 = arith.index_cast %parallel_loop3A_235 : i32 to index
        %parallel_loop3A_238 = arith.index_cast %parallel_loop3A_190 : i32 to index
        %parallel_loop3A_239 = tpu.vector_load %arg9[%parallel_loop3A_236, %parallel_loop3A_237, %parallel_loop3A_238] {strides = array<i32>} : memref<2x2x3200xi32, #tpu.memory_space<vmem>>, vector<16xi32>,
        %parallel_loop3A_240 = arith.constant 16 : i32
        %parallel_loop3A_241 = vector.broadcast %parallel_loop3A_240 : i32 to vector<16xi32>
        %parallel_loop3A_242 = arith.shli %parallel_loop3A_239, %parallel_loop3A_241 : vector<16xi32>
        %parallel_loop3A_243 = vector.bitcast %parallel_loop3A_242 : vector<16xi32> to vector<16xf32>
        %parallel_loop3A_244 = arith.constant -65536 : i32
        %parallel_loop3A_245 = vector.broadcast %parallel_loop3A_244 : i32 to vector<16xi32>
        %parallel_loop3A_246 = arith.andi %parallel_loop3A_239, %parallel_loop3A_245 : vector<16xi32>
        %parallel_loop3A_247 = vector.bitcast %parallel_loop3A_246 : vector<16xi32> to vector<16xf32>
        %parallel_loop3A_248 = arith.constant 20000 : i32
        %parallel_loop3A_249 = vector.broadcast %parallel_loop3A_248 : i32 to vector<16xi32>
        %parallel_loop3A_250 = arith.addi %parallel_loop3A_197, %parallel_loop3A_249 : vector<16xi32>
        %parallel_loop3A_251 = tpu.vector_load_idx %arg6[%parallel_loop3A_250] : memref<40000xf32, #tpu.memory_space<vmem>>[vector<16xi32>], vector<16xf32>,
        %parallel_loop3A_252 = arith.constant 20000 : i32
        %parallel_loop3A_253 = vector.broadcast %parallel_loop3A_252 : i32 to vector<16xi32>
        %parallel_loop3A_254 = arith.addi %parallel_loop3A_203, %parallel_loop3A_253 : vector<16xi32>
        %parallel_loop3A_255 = arith.mulf %parallel_loop3A_243, %parallel_loop3A_251 : vector<16xf32>
        tpu.vector_store_idx %arg7[%parallel_loop3A_254], %parallel_loop3A_255 {add = true} : memref<40000xf32, #tpu.memory_space<vmem>>[vector<16xi32>], vector<16xf32>,
        %parallel_loop3A_256 = arith.constant 30000 : i32
        %parallel_loop3A_257 = vector.broadcast %parallel_loop3A_256 : i32 to vector<16xi32>
        %parallel_loop3A_258 = arith.addi %parallel_loop3A_197, %parallel_loop3A_257 : vector<16xi32>
        %parallel_loop3A_259 = tpu.vector_load_idx %arg6[%parallel_loop3A_258] : memref<40000xf32, #tpu.memory_space<vmem>>[vector<16xi32>], vector<16xf32>,
        %parallel_loop3A_260 = arith.constant 30000 : i32
        %parallel_loop3A_261 = vector.broadcast %parallel_loop3A_260 : i32 to vector<16xi32>
        %parallel_loop3A_262 = arith.addi %parallel_loop3A_203, %parallel_loop3A_261 : vector<16xi32>
        %parallel_loop3A_263 = arith.mulf %parallel_loop3A_247, %parallel_loop3A_259 : vector<16xf32>
        tpu.vector_store_idx %arg7[%parallel_loop3A_262], %parallel_loop3A_263 {add = true} : memref<40000xf32, #tpu.memory_space<vmem>>[vector<16xi32>], vector<16xf32>,
      } {sc.loop_unroll_factor = 4 : i64, sc.parallel_access}
      %add3A_148 = arith.constant 2 : i32
      %add3A_149 = arith.addi %mul3A_61, %add3A_148 : i32
      %lt3A = arith.constant 50 : i32
      %lt3A_150 = arith.cmpi slt, %add3A_149, %lt3A : i32
      %convert_element_type3A = arith.extui %lt3A_150 : i1 to i32
      %cond3A = arith.constant 0 : i32
      %cond3A_151 = arith.cmpi ne, %convert_element_type3A, %cond3A : i32
      scf.if %cond3A_151 {
        %add3A_190 = arith.constant 2 : i32
        %add3A_191 = arith.addi %mul3A_61, %add3A_190 : i32
        %mul3A_192 = arith.constant 8 : i32
        %mul3A_193 = arith.muli %add3A, %mul3A_192 : i32
        %add3A_194 = arith.addi %add3A_191, %mul3A_193 : i32
        %rem3A_195 = arith.constant 50 : i32
        %rem3A_196 = arith.remsi %add3A_194, %rem3A_195 : i32
        %mul3A_197 = arith.constant 3200 : i32
        %mul3A_198 = arith.muli %rem3A_196, %mul3A_197 : i32
        %multiple_of3A_199 = tpu.assume_multiple %mul3A_198, 3200 : i32
        %add3A_200 = arith.constant 0 : i32
        %add3A_201 = arith.addi %multiple_of3A_199, %add3A_200 : i32
        %dma_start3A_202 = arith.constant 0 : i32
        %dma_start3A_203 = arith.constant 0 : i32
        %dma_start3A_204 = tpu.memref_slice %arg8[%dma_start3A_202, %dma_start3A_203] : memref<2x3200xi32, #tpu.memory_space<vmem>> -> memref<1x3200xi32, #tpu.memory_space<vmem>>
        %dma_start3A_205 = tpu.memref_squeeze %dma_start3A_204 : memref<1x3200xi32, #tpu.memory_space<vmem>> -> memref<3200xi32, #tpu.memory_space<vmem>>
        %dma_start3A_206 = tpu.memref_slice %arg4[%add3A_201] : memref<320000xi32, #tpu.memory_space<hbm>> -> memref<3200xi32, #tpu.memory_space<hbm>>
        %dma_start3A_207 = arith.constant 0 : i32
        %dma_start3A_208 = tpu.memref_slice %arg8[%dma_start3A_202, %dma_start3A_207] : memref<2x3200xi32, #tpu.memory_space<vmem>> -> memref<1x3200xi32, #tpu.memory_space<vmem>>
        %dma_start3A_209 = tpu.memref_squeeze %dma_start3A_208 : memref<1x3200xi32, #tpu.memory_space<vmem>> -> memref<3200xi32, #tpu.memory_space<vmem>>
        %dma_start3A_210 = tpu.memref_slice %arg4[%add3A_201] : memref<320000xi32, #tpu.memory_space<hbm>> -> memref<3200xi32, #tpu.memory_space<hbm>>
        tpu.enqueue_dma source(%dma_start3A_210 : memref<3200xi32, #tpu.memory_space<hbm>>) target(%dma_start3A_209 : memref<3200xi32, #tpu.memory_space<vmem>>) target_semaphore(%arg10 : memref<!tpu.dma_semaphore, #tpu.memory_space<semaphore_mem>>)
        %add3A_211 = arith.constant 0 : i32
        %add3A_212 = arith.addi %multiple_of3A_5, %add3A_211 : i32
        %add3A_213 = arith.addi %add3A_212, %multiple_of3A_199 : i32
        %multiple_of3A_214 = tpu.assume_multiple %add3A_213, 8 : i32
        %dma_start3A_215 = arith.constant 0 : i32
        %dma_start3A_216 = arith.constant 0 : i32
        %dma_start3A_217 = arith.constant 0 : i32
        %dma_start3A_218 = tpu.memref_slice %arg9[%dma_start3A_215, %dma_start3A_216, %dma_start3A_217] : memref<2x2x3200xi32, #tpu.memory_space<vmem>> -> memref<1x1x3200xi32, #tpu.memory_space<vmem>>
        %dma_start3A_219 = tpu.memref_squeeze %dma_start3A_218 : memref<1x1x3200xi32, #tpu.memory_space<vmem>> -> memref<3200xi32, #tpu.memory_space<vmem>>
        %dma_start3A_220 = tpu.memref_slice %arg3[%multiple_of3A_214] : memref<10240000xi32, #tpu.memory_space<hbm>> -> memref<3200xi32, #tpu.memory_space<hbm>>
        %dma_start3A_221 = arith.constant 0 : i32
        %dma_start3A_222 = tpu.memref_slice %arg9[%dma_start3A_215, %dma_start3A_216, %dma_start3A_221] : memref<2x2x3200xi32, #tpu.memory_space<vmem>> -> memref<1x1x3200xi32, #tpu.memory_space<vmem>>
        %dma_start3A_223 = tpu.memref_squeeze %dma_start3A_222 : memref<1x1x3200xi32, #tpu.memory_space<vmem>> -> memref<3200xi32, #tpu.memory_space<vmem>>
        %dma_start3A_224 = tpu.memref_slice %arg3[%multiple_of3A_214] : memref<10240000xi32, #tpu.memory_space<hbm>> -> memref<3200xi32, #tpu.memory_space<hbm>>
        tpu.enqueue_dma source(%dma_start3A_224 : memref<3200xi32, #tpu.memory_space<hbm>>) target(%dma_start3A_223 : memref<3200xi32, #tpu.memory_space<vmem>>) target_semaphore(%arg10 : memref<!tpu.dma_semaphore, #tpu.memory_space<semaphore_mem>>)
        %add3A_225 = arith.constant 160000 : i32
        %add3A_226 = arith.addi %multiple_of3A_5, %add3A_225 : i32
        %add3A_227 = arith.addi %add3A_226, %multiple_of3A_199 : i32
        %multiple_of3A_228 = tpu.assume_multiple %add3A_227, 8 : i32
        %dma_start3A_229 = arith.constant 0 : i32
        %dma_start3A_230 = arith.constant 1 : i32
        %dma_start3A_231 = arith.constant 0 : i32
        %dma_start3A_232 = tpu.memref_slice %arg9[%dma_start3A_229, %dma_start3A_230, %dma_start3A_231] : memref<2x2x3200xi32, #tpu.memory_space<vmem>> -> memref<1x1x3200xi32, #tpu.memory_space<vmem>>
        %dma_start3A_233 = tpu.memref_squeeze %dma_start3A_232 : memref<1x1x3200xi32, #tpu.memory_space<vmem>> -> memref<3200xi32, #tpu.memory_space<vmem>>
        %dma_start3A_234 = tpu.memref_slice %arg3[%multiple_of3A_228] : memref<10240000xi32, #tpu.memory_space<hbm>> -> memref<3200xi32, #tpu.memory_space<hbm>>
        %dma_start3A_235 = arith.constant 0 : i32
        %dma_start3A_236 = tpu.memref_slice %arg9[%dma_start3A_229, %dma_start3A_230, %dma_start3A_235] : memref<2x2x3200xi32, #tpu.memory_space<vmem>> -> memref<1x1x3200xi32, #tpu.memory_space<vmem>>
        %dma_start3A_237 = tpu.memref_squeeze %dma_start3A_236 : memref<1x1x3200xi32, #tpu.memory_space<vmem>> -> memref<3200xi32, #tpu.memory_space<vmem>>
        %dma_start3A_238 = tpu.memref_slice %arg3[%multiple_of3A_228] : memref<10240000xi32, #tpu.memory_space<hbm>> -> memref<3200xi32, #tpu.memory_space<hbm>>
        tpu.enqueue_dma source(%dma_start3A_238 : memref<3200xi32, #tpu.memory_space<hbm>>) target(%dma_start3A_237 : memref<3200xi32, #tpu.memory_space<vmem>>) target_semaphore(%arg10 : memref<!tpu.dma_semaphore, #tpu.memory_space<semaphore_mem>>)
      } else {
      }
      %dma_wait3A_152 = arith.constant 1 : i32
      %dma_wait3A_153 = arith.constant 0 : i32
      %dma_wait3A_154 = tpu.memref_slice %arg8[%dma_wait3A_152, %dma_wait3A_153] : memref<2x3200xi32, #tpu.memory_space<vmem>> -> memref<1x3200xi32, #tpu.memory_space<vmem>>
      %dma_wait3A_155 = tpu.memref_squeeze %dma_wait3A_154 : memref<1x3200xi32, #tpu.memory_space<vmem>> -> memref<3200xi32, #tpu.memory_space<vmem>>
      %dma_wait3A_156 = arith.constant 0 : i32
      %dma_wait3A_157 = tpu.memref_slice %arg4[%dma_wait3A_156] : memref<320000xi32, #tpu.memory_space<hbm>> -> memref<3200xi32, #tpu.memory_space<hbm>>
      %dma_wait3A_158 = arith.constant 0 : i32
      %dma_wait3A_159 = tpu.memref_slice %arg8[%dma_wait3A_152, %dma_wait3A_158] : memref<2x3200xi32, #tpu.memory_space<vmem>> -> memref<1x3200xi32, #tpu.memory_space<vmem>>
      %dma_wait3A_160 = tpu.memref_squeeze %dma_wait3A_159 : memref<1x3200xi32, #tpu.memory_space<vmem>> -> memref<3200xi32, #tpu.memory_space<vmem>>
      %dma_wait3A_161 = arith.constant 0 : i32
      %dma_wait3A_162 = tpu.memref_slice %arg4[%dma_wait3A_161] : memref<320000xi32, #tpu.memory_space<hbm>> -> memref<3200xi32, #tpu.memory_space<hbm>>
      tpu.wait_dma2 semaphore(%arg11 : memref<!tpu.dma_semaphore, #tpu.memory_space<semaphore_mem>>) src(%dma_wait3A_162 : memref<3200xi32, #tpu.memory_space<hbm>>) dst(%dma_wait3A_160 : memref<3200xi32, #tpu.memory_space<vmem>>)
      %dma_wait3A_163 = arith.constant 1 : i32
      %dma_wait3A_164 = arith.constant 0 : i32
      %dma_wait3A_165 = arith.constant 0 : i32
      %dma_wait3A_166 = tpu.memref_slice %arg9[%dma_wait3A_163, %dma_wait3A_164, %dma_wait3A_165] : memref<2x2x3200xi32, #tpu.memory_space<vmem>> -> memref<1x1x3200xi32, #tpu.memory_space<vmem>>
      %dma_wait3A_167 = tpu.memref_squeeze %dma_wait3A_166 : memref<1x1x3200xi32, #tpu.memory_space<vmem>> -> memref<3200xi32, #tpu.memory_space<vmem>>
      %dma_wait3A_168 = arith.constant 0 : i32
      %dma_wait3A_169 = tpu.memref_slice %arg3[%dma_wait3A_168] : memref<10240000xi32, #tpu.memory_space<hbm>> -> memref<3200xi32, #tpu.memory_space<hbm>>
      %dma_wait3A_170 = arith.constant 0 : i32
      %dma_wait3A_171 = tpu.memref_slice %arg9[%dma_wait3A_163, %dma_wait3A_164, %dma_wait3A_170] : memref<2x2x3200xi32, #tpu.memory_space<vmem>> -> memref<1x1x3200xi32, #tpu.memory_space<vmem>>
      %dma_wait3A_172 = tpu.memref_squeeze %dma_wait3A_171 : memref<1x1x3200xi32, #tpu.memory_space<vmem>> -> memref<3200xi32, #tpu.memory_space<vmem>>
      %dma_wait3A_173 = arith.constant 0 : i32
      %dma_wait3A_174 = tpu.memref_slice %arg3[%dma_wait3A_173] : memref<10240000xi32, #tpu.memory_space<hbm>> -> memref<3200xi32, #tpu.memory_space<hbm>>
      tpu.wait_dma2 semaphore(%arg11 : memref<!tpu.dma_semaphore, #tpu.memory_space<semaphore_mem>>) src(%dma_wait3A_174 : memref<3200xi32, #tpu.memory_space<hbm>>) dst(%dma_wait3A_172 : memref<3200xi32, #tpu.memory_space<vmem>>)
      %dma_wait3A_175 = arith.constant 1 : i32
      %dma_wait3A_176 = arith.constant 1 : i32
      %dma_wait3A_177 = arith.constant 0 : i32
      %dma_wait3A_178 = tpu.memref_slice %arg9[%dma_wait3A_175, %dma_wait3A_176, %dma_wait3A_177] : memref<2x2x3200xi32, #tpu.memory_space<vmem>> -> memref<1x1x3200xi32, #tpu.memory_space<vmem>>
      %dma_wait3A_179 = tpu.memref_squeeze %dma_wait3A_178 : memref<1x1x3200xi32, #tpu.memory_space<vmem>> -> memref<3200xi32, #tpu.memory_space<vmem>>
      %dma_wait3A_180 = arith.constant 0 : i32
      %dma_wait3A_181 = tpu.memref_slice %arg3[%dma_wait3A_180] : memref<10240000xi32, #tpu.memory_space<hbm>> -> memref<3200xi32, #tpu.memory_space<hbm>>
      %dma_wait3A_182 = arith.constant 0 : i32
      %dma_wait3A_183 = tpu.memref_slice %arg9[%dma_wait3A_175, %dma_wait3A_176, %dma_wait3A_182] : memref<2x2x3200xi32, #tpu.memory_space<vmem>> -> memref<1x1x3200xi32, #tpu.memory_space<vmem>>
      %dma_wait3A_184 = tpu.memref_squeeze %dma_wait3A_183 : memref<1x1x3200xi32, #tpu.memory_space<vmem>> -> memref<3200xi32, #tpu.memory_space<vmem>>
      %dma_wait3A_185 = arith.constant 0 : i32
      %dma_wait3A_186 = tpu.memref_slice %arg3[%dma_wait3A_185] : memref<10240000xi32, #tpu.memory_space<hbm>> -> memref<3200xi32, #tpu.memory_space<hbm>>
      tpu.wait_dma2 semaphore(%arg11 : memref<!tpu.dma_semaphore, #tpu.memory_space<semaphore_mem>>) src(%dma_wait3A_186 : memref<3200xi32, #tpu.memory_space<hbm>>) dst(%dma_wait3A_184 : memref<3200xi32, #tpu.memory_space<vmem>>)
      %parallel_loop3A_187 = arith.constant 0 : i32
      %parallel_loop3A_188 = arith.constant 3200 : i32
      %parallel_loop3A_189 = arith.constant 16 : i32
      scf.for %parallel_loop3A_190 = %parallel_loop3A_187 to %parallel_loop3A_188 step %parallel_loop3A_189  : i32 {
        %parallel_loop3A_191 = arith.constant 1 : i32
        %parallel_loop3A_192 = arith.index_cast %parallel_loop3A_191 : i32 to index
        %parallel_loop3A_193 = arith.index_cast %parallel_loop3A_190 : i32 to index
        %parallel_loop3A_194 = tpu.vector_load %arg8[%parallel_loop3A_192, %parallel_loop3A_193] {strides = array<i32>} : memref<2x3200xi32, #tpu.memory_space<vmem>>, vector<16xi32>,
        %parallel_loop3A_195 = arith.constant 16383 : i32
        %parallel_loop3A_196 = vector.broadcast %parallel_loop3A_195 : i32 to vector<16xi32>
        %parallel_loop3A_197 = arith.andi %parallel_loop3A_194, %parallel_loop3A_196 : vector<16xi32>
        %parallel_loop3A_198 = arith.constant 14 : i32
        %parallel_loop3A_199 = vector.broadcast %parallel_loop3A_198 : i32 to vector<16xi32>
        %parallel_loop3A_200 = arith.shrsi %parallel_loop3A_194, %parallel_loop3A_199 : vector<16xi32>
        %parallel_loop3A_201 = arith.constant 16383 : i32
        %parallel_loop3A_202 = vector.broadcast %parallel_loop3A_201 : i32 to vector<16xi32>
        %parallel_loop3A_203 = arith.andi %parallel_loop3A_200, %parallel_loop3A_202 : vector<16xi32>
        %parallel_loop3A_204 = arith.constant 1 : i32
        %parallel_loop3A_205 = arith.constant 0 : i32
        %parallel_loop3A_206 = arith.index_cast %parallel_loop3A_204 : i32 to index
        %parallel_loop3A_207 = arith.index_cast %parallel_loop3A_205 : i32 to index
        %parallel_loop3A_208 = arith.index_cast %parallel_loop3A_190 : i32 to index
        %parallel_loop3A_209 = tpu.vector_load %arg9[%parallel_loop3A_206, %parallel_loop3A_207, %parallel_loop3A_208] {strides = array<i32>} : memref<2x2x3200xi32, #tpu.memory_space<vmem>>, vector<16xi32>,
        %parallel_loop3A_210 = arith.constant 16 : i32
        %parallel_loop3A_211 = vector.broadcast %parallel_loop3A_210 : i32 to vector<16xi32>
        %parallel_loop3A_212 = arith.shli %parallel_loop3A_209, %parallel_loop3A_211 : vector<16xi32>
        %parallel_loop3A_213 = vector.bitcast %parallel_loop3A_212 : vector<16xi32> to vector<16xf32>
        %parallel_loop3A_214 = arith.constant -65536 : i32
        %parallel_loop3A_215 = vector.broadcast %parallel_loop3A_214 : i32 to vector<16xi32>
        %parallel_loop3A_216 = arith.andi %parallel_loop3A_209, %parallel_loop3A_215 : vector<16xi32>
        %parallel_loop3A_217 = vector.bitcast %parallel_loop3A_216 : vector<16xi32> to vector<16xf32>
        %parallel_loop3A_218 = arith.constant 0 : i32
        %parallel_loop3A_219 = vector.broadcast %parallel_loop3A_218 : i32 to vector<16xi32>
        %parallel_loop3A_220 = arith.addi %parallel_loop3A_197, %parallel_loop3A_219 : vector<16xi32>
        %parallel_loop3A_221 = tpu.vector_load_idx %arg6[%parallel_loop3A_220] : memref<40000xf32, #tpu.memory_space<vmem>>[vector<16xi32>], vector<16xf32>,
        %parallel_loop3A_222 = arith.constant 0 : i32
        %parallel_loop3A_223 = vector.broadcast %parallel_loop3A_222 : i32 to vector<16xi32>
        %parallel_loop3A_224 = arith.addi %parallel_loop3A_203, %parallel_loop3A_223 : vector<16xi32>
        %parallel_loop3A_225 = arith.mulf %parallel_loop3A_213, %parallel_loop3A_221 : vector<16xf32>
        tpu.vector_store_idx %arg7[%parallel_loop3A_224], %parallel_loop3A_225 {add = true} : memref<40000xf32, #tpu.memory_space<vmem>>[vector<16xi32>], vector<16xf32>,
        %parallel_loop3A_226 = arith.constant 10000 : i32
        %parallel_loop3A_227 = vector.broadcast %parallel_loop3A_226 : i32 to vector<16xi32>
        %parallel_loop3A_228 = arith.addi %parallel_loop3A_197, %parallel_loop3A_227 : vector<16xi32>
        %parallel_loop3A_229 = tpu.vector_load_idx %arg6[%parallel_loop3A_228] : memref<40000xf32, #tpu.memory_space<vmem>>[vector<16xi32>], vector<16xf32>,
        %parallel_loop3A_230 = arith.constant 10000 : i32
        %parallel_loop3A_231 = vector.broadcast %parallel_loop3A_230 : i32 to vector<16xi32>
        %parallel_loop3A_232 = arith.addi %parallel_loop3A_203, %parallel_loop3A_231 : vector<16xi32>
        %parallel_loop3A_233 = arith.mulf %parallel_loop3A_217, %parallel_loop3A_229 : vector<16xf32>
        tpu.vector_store_idx %arg7[%parallel_loop3A_232], %parallel_loop3A_233 {add = true} : memref<40000xf32, #tpu.memory_space<vmem>>[vector<16xi32>], vector<16xf32>,
        %parallel_loop3A_234 = arith.constant 1 : i32
        %parallel_loop3A_235 = arith.constant 1 : i32
        %parallel_loop3A_236 = arith.index_cast %parallel_loop3A_234 : i32 to index
        %parallel_loop3A_237 = arith.index_cast %parallel_loop3A_235 : i32 to index
        %parallel_loop3A_238 = arith.index_cast %parallel_loop3A_190 : i32 to index
        %parallel_loop3A_239 = tpu.vector_load %arg9[%parallel_loop3A_236, %parallel_loop3A_237, %parallel_loop3A_238] {strides = array<i32>} : memref<2x2x3200xi32, #tpu.memory_space<vmem>>, vector<16xi32>,
        %parallel_loop3A_240 = arith.constant 16 : i32
        %parallel_loop3A_241 = vector.broadcast %parallel_loop3A_240 : i32 to vector<16xi32>
        %parallel_loop3A_242 = arith.shli %parallel_loop3A_239, %parallel_loop3A_241 : vector<16xi32>
        %parallel_loop3A_243 = vector.bitcast %parallel_loop3A_242 : vector<16xi32> to vector<16xf32>
        %parallel_loop3A_244 = arith.constant -65536 : i32
        %parallel_loop3A_245 = vector.broadcast %parallel_loop3A_244 : i32 to vector<16xi32>
        %parallel_loop3A_246 = arith.andi %parallel_loop3A_239, %parallel_loop3A_245 : vector<16xi32>
        %parallel_loop3A_247 = vector.bitcast %parallel_loop3A_246 : vector<16xi32> to vector<16xf32>
        %parallel_loop3A_248 = arith.constant 20000 : i32
        %parallel_loop3A_249 = vector.broadcast %parallel_loop3A_248 : i32 to vector<16xi32>
        %parallel_loop3A_250 = arith.addi %parallel_loop3A_197, %parallel_loop3A_249 : vector<16xi32>
        %parallel_loop3A_251 = tpu.vector_load_idx %arg6[%parallel_loop3A_250] : memref<40000xf32, #tpu.memory_space<vmem>>[vector<16xi32>], vector<16xf32>,
        %parallel_loop3A_252 = arith.constant 20000 : i32
        %parallel_loop3A_253 = vector.broadcast %parallel_loop3A_252 : i32 to vector<16xi32>
        %parallel_loop3A_254 = arith.addi %parallel_loop3A_203, %parallel_loop3A_253 : vector<16xi32>
        %parallel_loop3A_255 = arith.mulf %parallel_loop3A_243, %parallel_loop3A_251 : vector<16xf32>
        tpu.vector_store_idx %arg7[%parallel_loop3A_254], %parallel_loop3A_255 {add = true} : memref<40000xf32, #tpu.memory_space<vmem>>[vector<16xi32>], vector<16xf32>,
        %parallel_loop3A_256 = arith.constant 30000 : i32
        %parallel_loop3A_257 = vector.broadcast %parallel_loop3A_256 : i32 to vector<16xi32>
        %parallel_loop3A_258 = arith.addi %parallel_loop3A_197, %parallel_loop3A_257 : vector<16xi32>
        %parallel_loop3A_259 = tpu.vector_load_idx %arg6[%parallel_loop3A_258] : memref<40000xf32, #tpu.memory_space<vmem>>[vector<16xi32>], vector<16xf32>,
        %parallel_loop3A_260 = arith.constant 30000 : i32
        %parallel_loop3A_261 = vector.broadcast %parallel_loop3A_260 : i32 to vector<16xi32>
        %parallel_loop3A_262 = arith.addi %parallel_loop3A_203, %parallel_loop3A_261 : vector<16xi32>
        %parallel_loop3A_263 = arith.mulf %parallel_loop3A_247, %parallel_loop3A_259 : vector<16xf32>
        tpu.vector_store_idx %arg7[%parallel_loop3A_262], %parallel_loop3A_263 {add = true} : memref<40000xf32, #tpu.memory_space<vmem>>[vector<16xi32>], vector<16xf32>,
      } {sc.loop_unroll_factor = 4 : i64, sc.parallel_access}
    }
    %scan3A_58 = arith.constant 25 : i32
    "tpu.region"() ({
      %run_scoped3A = tpu.sem_alloc : memref<!tpu.dma_semaphore, #tpu.memory_space<semaphore_mem>>
      %dma_start3A_59 = tpu.memref_slice %arg5[%multiple_of3A] : memref<1280000xf32, #tpu.memory_space<hbm>> -> memref<40000xf32, #tpu.memory_space<hbm>>
      %dma_start3A_60 = tpu.memref_slice %arg5[%multiple_of3A] : memref<1280000xf32, #tpu.memory_space<hbm>> -> memref<40000xf32, #tpu.memory_space<hbm>>
      tpu.enqueue_dma source(%arg7 : memref<40000xf32, #tpu.memory_space<vmem>>) target(%dma_start3A_60 : memref<40000xf32, #tpu.memory_space<hbm>>) target_semaphore(%run_scoped3A : memref<!tpu.dma_semaphore, #tpu.memory_space<semaphore_mem>>)
      %dma_wait3A = tpu.memref_slice %arg5[%multiple_of3A] : memref<1280000xf32, #tpu.memory_space<hbm>> -> memref<40000xf32, #tpu.memory_space<hbm>>
      %dma_wait3A_61 = tpu.memref_slice %arg5[%multiple_of3A] : memref<1280000xf32, #tpu.memory_space<hbm>> -> memref<40000xf32, #tpu.memory_space<hbm>>
      tpu.wait_dma2 semaphore(%run_scoped3A : memref<!tpu.dma_semaphore, #tpu.memory_space<semaphore_mem>>) src(%arg7 : memref<40000xf32, #tpu.memory_space<vmem>>) dst(%dma_wait3A_61 : memref<40000xf32, #tpu.memory_space<hbm>>)
      tpu.yield
    }) : () -> ()
    return
  }
}

module attributes {stable_mosaic.version = 14 : i64} {
  func.func @_ht_body(%arg0: memref<10000x128xf32, #tpu.memory_space<vmem>>, %arg1: memref<128x128xf32, #tpu.memory_space<vmem>>, %arg2: memref<1x128xf32, #tpu.memory_space<vmem>>, %arg3: memref<128x128xf32, #tpu.memory_space<vmem>>, %arg4: memref<128x10000xf32, #tpu.memory_space<vmem>>) attributes {dimension_semantics = [], scalar_prefetch = 0 : i64, scratch_operands = 0 : i64, tpu.core_type = #tpu.core_type<tc>} {
    %get3A = arith.constant 0 : index
    %get3A_0 = arith.constant 0 : index
    %get3A_1 = vector.load %arg0[%get3A, %get3A_0] : memref<10000x128xf32, #tpu.memory_space<vmem>>, vector<10000x128xf32>
    %get3A_2 = arith.constant 0 : index
    %get3A_3 = arith.constant 0 : index
    %get3A_4 = vector.load %arg1[%get3A_2, %get3A_3] : memref<128x128xf32, #tpu.memory_space<vmem>>, vector<128x128xf32>
    %dot_general3A = arith.constant dense<0.000000e+00> : vector<10000x128xf32>
    %dot_general3A_5 = tpu.matmul %get3A_1, %get3A_4, %dot_general3A {dimension_numbers = #tpu.dot_dimension_numbers<[1], [1], [0], [0], [0, 0, 1, 0], [], []>, transpose_lhs_hint = false} : vector<10000x128xf32>, vector<128x128xf32>, vector<10000x128xf32> -> vector<10000x128xf32>
    %get3A_6 = arith.constant 0 : index
    %get3A_7 = arith.constant 0 : index
    %get3A_8 = vector.load %arg2[%get3A_6, %get3A_7] : memref<1x128xf32, #tpu.memory_space<vmem>>, vector<1x128xf32>
    %add3A = vector.broadcast %get3A_8 : vector<1x128xf32> to vector<10000x128xf32>
    %add3A_9 = arith.addf %dot_general3A_5, %add3A : vector<10000x128xf32>
    %get3A_10 = arith.constant 0 : index
    %get3A_11 = arith.constant 0 : index
    %get3A_12 = vector.load %arg3[%get3A_10, %get3A_11] : memref<128x128xf32, #tpu.memory_space<vmem>>, vector<128x128xf32>
    %dot_general3A_13 = arith.constant dense<0.000000e+00> : vector<128x10000xf32>
    %dot_general3A_14 = tpu.matmul %get3A_12, %add3A_9, %dot_general3A_13 {dimension_numbers = #tpu.dot_dimension_numbers<[1], [1], [0], [0], [0, 0, 1, 0], [], []>, transpose_lhs_hint = false} : vector<128x128xf32>, vector<10000x128xf32>, vector<128x10000xf32> -> vector<128x10000xf32>
    %swap3A = arith.constant 0 : index
    %swap3A_15 = arith.constant 0 : index
    %swap3A_16 = vector.load %arg4[%swap3A, %swap3A_15] : memref<128x10000xf32, #tpu.memory_space<vmem>>, vector<128x10000xf32>
    tpu.vector_store %arg4[%swap3A, %swap3A_15], %dot_general3A_14 {strides = array<i32>} : memref<128x10000xf32, #tpu.memory_space<vmem>>, vector<128x10000xf32>,
    return
  }
}

module attributes {stable_mosaic.version = 14 : i64} {
  func.func @_wt_body(%arg0: i32, %arg1: memref<50x16000xf32, #tpu.memory_space<vmem>>, %arg2: memref<1x16000xf32, #tpu.memory_space<vmem>>, %arg3: memref<128x50xbf16, #tpu.memory_space<vmem>>, %arg4: memref<1x128xf32, #tpu.memory_space<vmem>>, %arg5: memref<64x128xbf16, #tpu.memory_space<vmem>>, %arg6: memref<64x128xbf16, #tpu.memory_space<vmem>>, %arg7: memref<64x1xf32, #tpu.memory_space<vmem>>, %arg8: memref<64x1xf32, #tpu.memory_space<vmem>>, %arg9: memref<64x16000xi32, #tpu.memory_space<vmem>>) attributes {dimension_semantics = [#tpu.dimension_semantics<arbitrary>], iteration_bounds = array<i64: 10>, scalar_prefetch = 0 : i64, scratch_operands = 0 : i64, tpu.core_type = #tpu.core_type<tc>, window_params = [{transform_indices = @transform_0, window_bounds = array<i64: 50, 16000>}, {transform_indices = @transform_1, window_bounds = array<i64: 1, 16000>}, {pipeline_mode = #tpu.pipeline_mode<synchronous>, transform_indices = @transform_2, window_bounds = array<i64: 128, 50>}, {pipeline_mode = #tpu.pipeline_mode<synchronous>, transform_indices = @transform_3, window_bounds = array<i64: 1, 128>}, {pipeline_mode = #tpu.pipeline_mode<synchronous>, transform_indices = @transform_4, window_bounds = array<i64: 64, 128>}, {pipeline_mode = #tpu.pipeline_mode<synchronous>, transform_indices = @transform_5, window_bounds = array<i64: 64, 128>}, {pipeline_mode = #tpu.pipeline_mode<synchronous>, transform_indices = @transform_6, window_bounds = array<i64: 64, 1>}, {pipeline_mode = #tpu.pipeline_mode<synchronous>, transform_indices = @transform_7, window_bounds = array<i64: 64, 1>}, {transform_indices = @transform_8, window_bounds = array<i64: 64, 16000>}]} {
    %get3A = arith.constant 0 : index
    %get3A_0 = arith.constant 0 : index
    %get3A_1 = vector.load %arg1[%get3A, %get3A_0] : memref<50x16000xf32, #tpu.memory_space<vmem>>, vector<50x16000xf32>
    %convert_element_type3A = arith.truncf %get3A_1 : vector<50x16000xf32> to vector<50x16000xbf16>
    %get3A_2 = arith.constant 0 : index
    %get3A_3 = arith.constant 0 : index
    %get3A_4 = vector.load %arg3[%get3A_2, %get3A_3] : memref<128x50xbf16, #tpu.memory_space<vmem>>, vector<128x50xbf16>
    %dot_general3A = arith.constant dense<0.000000e+00> : vector<16000x128xf32>
    %dot_general3A_5 = tpu.matmul %convert_element_type3A, %get3A_4, %dot_general3A {dimension_numbers = #tpu.dot_dimension_numbers<[0], [1], [1], [0], [0, 1, 1, 0], [], []>, transpose_lhs_hint = false} : vector<50x16000xbf16>, vector<128x50xbf16>, vector<16000x128xf32> -> vector<16000x128xf32>
    %get3A_6 = arith.constant 0 : index
    %get3A_7 = arith.constant 0 : index
    %get3A_8 = vector.load %arg4[%get3A_6, %get3A_7] : memref<1x128xf32, #tpu.memory_space<vmem>>, vector<1x128xf32>
    %add3A = vector.broadcast %get3A_8 : vector<1x128xf32> to vector<16000x128xf32>
    %add3A_9 = arith.addf %dot_general3A_5, %add3A : vector<16000x128xf32>
    %max3A = arith.constant 0.000000e+00 : f32
    %max3A_10 = vector.broadcast %max3A : f32 to vector<16000x128xf32>
    %max3A_11 = arith.maximumf %add3A_9, %max3A_10 : vector<16000x128xf32>
    %abs3A = math.absf %add3A_9 : vector<16000x128xf32>
    %neg3A = arith.constant 0.000000e+00 : f32
    %neg3A_12 = vector.broadcast %neg3A : f32 to vector<16000x128xf32>
    %neg3A_13 = arith.subf %neg3A_12, %abs3A : vector<16000x128xf32>
    %exp3A = math.exp %neg3A_13 : vector<16000x128xf32>
    %log1p3A = math.log1p %exp3A : vector<16000x128xf32>
    %add3A_14 = arith.addf %max3A_11, %log1p3A : vector<16000x128xf32>
    %sub3A = arith.constant 0.693147182 : f32
    %sub3A_15 = vector.broadcast %sub3A : f32 to vector<16000x128xf32>
    %sub3A_16 = arith.subf %add3A_14, %sub3A_15 : vector<16000x128xf32>
    %convert_element_type3A_17 = arith.truncf %sub3A_16 : vector<16000x128xf32> to vector<16000x128xbf16>
    %get3A_18 = arith.constant 0 : index
    %get3A_19 = arith.constant 0 : index
    %get3A_20 = vector.load %arg2[%get3A_18, %get3A_19] : memref<1x16000xf32, #tpu.memory_space<vmem>>, vector<1x16000xf32>
    %mul3A = arith.constant 0.314159274 : f32
    %mul3A_21 = vector.broadcast %mul3A : f32 to vector<1x16000xf32>
    %mul3A_22 = arith.mulf %get3A_20, %mul3A_21 : vector<1x16000xf32>
    %cos3A = math.cos %mul3A_22 : vector<1x16000xf32>
    %add3A_23 = arith.constant 1.000000e+00 : f32
    %add3A_24 = vector.broadcast %add3A_23 : f32 to vector<1x16000xf32>
    %add3A_25 = arith.addf %cos3A, %add3A_24 : vector<1x16000xf32>
    %mul3A_26 = arith.constant 5.000000e-01 : f32
    %mul3A_27 = vector.broadcast %mul3A_26 : f32 to vector<1x16000xf32>
    %mul3A_28 = arith.mulf %mul3A_27, %add3A_25 : vector<1x16000xf32>
    %get3A_29 = arith.constant 0 : index
    %get3A_30 = arith.constant 0 : index
    %get3A_31 = vector.load %arg5[%get3A_29, %get3A_30] : memref<64x128xbf16, #tpu.memory_space<vmem>>, vector<64x128xbf16>
    %dot_general3A_32 = arith.constant dense<0.000000e+00> : vector<64x16000xf32>
    %dot_general3A_33 = tpu.matmul %get3A_31, %convert_element_type3A_17, %dot_general3A_32 {dimension_numbers = #tpu.dot_dimension_numbers<[1], [1], [0], [0], [0, 0, 1, 0], [], []>, transpose_lhs_hint = false} : vector<64x128xbf16>, vector<16000x128xbf16>, vector<64x16000xf32> -> vector<64x16000xf32>
    %get3A_34 = arith.constant 0 : index
    %get3A_35 = arith.constant 0 : index
    %get3A_36 = vector.load %arg7[%get3A_34, %get3A_35] : memref<64x1xf32, #tpu.memory_space<vmem>>, vector<64x1xf32>
    %add3A_37 = vector.broadcast %get3A_36 : vector<64x1xf32> to vector<64x16000xf32>
    %add3A_38 = arith.addf %dot_general3A_33, %add3A_37 : vector<64x16000xf32>
    %mul3A_39 = vector.broadcast %mul3A_28 : vector<1x16000xf32> to vector<64x16000xf32>
    %mul3A_40 = arith.mulf %add3A_38, %mul3A_39 : vector<64x16000xf32>
    %get3A_41 = arith.constant 0 : index
    %get3A_42 = arith.constant 0 : index
    %get3A_43 = vector.load %arg6[%get3A_41, %get3A_42] : memref<64x128xbf16, #tpu.memory_space<vmem>>, vector<64x128xbf16>
    %dot_general3A_44 = arith.constant dense<0.000000e+00> : vector<64x16000xf32>
    %dot_general3A_45 = tpu.matmul %get3A_43, %convert_element_type3A_17, %dot_general3A_44 {dimension_numbers = #tpu.dot_dimension_numbers<[1], [1], [0], [0], [0, 0, 1, 0], [], []>, transpose_lhs_hint = false} : vector<64x128xbf16>, vector<16000x128xbf16>, vector<64x16000xf32> -> vector<64x16000xf32>
    %get3A_46 = arith.constant 0 : index
    %get3A_47 = arith.constant 0 : index
    %get3A_48 = vector.load %arg8[%get3A_46, %get3A_47] : memref<64x1xf32, #tpu.memory_space<vmem>>, vector<64x1xf32>
    %add3A_49 = vector.broadcast %get3A_48 : vector<64x1xf32> to vector<64x16000xf32>
    %add3A_50 = arith.addf %dot_general3A_45, %add3A_49 : vector<64x16000xf32>
    %mul3A_51 = vector.broadcast %mul3A_28 : vector<1x16000xf32> to vector<64x16000xf32>
    %mul3A_52 = arith.mulf %add3A_50, %mul3A_51 : vector<64x16000xf32>
    %convert_element_type3A_53 = arith.truncf %mul3A_40 : vector<64x16000xf32> to vector<64x16000xbf16>
    %bitcast_convert_type3A = tpu.bitcast %convert_element_type3A_53 : vector<64x16000xbf16> -> vector<64x16000xi16>
    %convert_element_type3A_54 = arith.extui %bitcast_convert_type3A : vector<64x16000xi16> to vector<64x16000xi32>
    %convert_element_type3A_55 = arith.truncf %mul3A_52 : vector<64x16000xf32> to vector<64x16000xbf16>
    %bitcast_convert_type3A_56 = tpu.bitcast %convert_element_type3A_55 : vector<64x16000xbf16> -> vector<64x16000xi16>
    %convert_element_type3A_57 = arith.extui %bitcast_convert_type3A_56 : vector<64x16000xi16> to vector<64x16000xi32>
    %shift_left3A = arith.constant 16 : i32
    %shift_left3A_58 = vector.broadcast %shift_left3A : i32 to vector<64x16000xi32>
    %shift_left3A_59 = arith.shli %convert_element_type3A_57, %shift_left3A_58 : vector<64x16000xi32>
    %or3A = arith.ori %convert_element_type3A_54, %shift_left3A_59 : vector<64x16000xi32>
    %bitcast_convert_type3A_60 = tpu.bitcast %or3A : vector<64x16000xi32> -> vector<64x16000xi32>
    %swap3A = arith.constant 0 : index
    %swap3A_61 = arith.constant 0 : index
    %swap3A_62 = vector.load %arg9[%swap3A, %swap3A_61] : memref<64x16000xi32, #tpu.memory_space<vmem>>, vector<64x16000xi32>
    tpu.vector_store %arg9[%swap3A, %swap3A_61], %bitcast_convert_type3A_60 {strides = array<i32>} : memref<64x16000xi32, #tpu.memory_space<vmem>>, vector<64x16000xi32>,
    return
  }
  func.func @transform_0(%arg0: i32) -> (i32, i32) {
    %add3A = arith.constant 10 : i32
    %add3A_0 = arith.addi %arg0, %add3A : i32
    %c0_i32 = arith.constant 0 : i32
    %c0_i32_1 = arith.constant 0 : i32
    return %c0_i32, %add3A_0 : i32, i32
  }
  func.func @transform_1(%arg0: i32) -> (i32, i32) {
    %add3A = arith.constant 10 : i32
    %add3A_0 = arith.addi %arg0, %add3A : i32
    %c0_i32 = arith.constant 0 : i32
    %c0_i32_1 = arith.constant 0 : i32
    return %c0_i32, %add3A_0 : i32, i32
  }
  func.func @transform_2(%arg0: i32) -> (i32, i32) {
    %c0_i32 = arith.constant 0 : i32
    %c0_i32_0 = arith.constant 0 : i32
    %c0_i32_1 = arith.constant 0 : i32
    return %c0_i32, %c0_i32_0 : i32, i32
  }
  func.func @transform_3(%arg0: i32) -> (i32, i32) {
    %c0_i32 = arith.constant 0 : i32
    %c0_i32_0 = arith.constant 0 : i32
    %c0_i32_1 = arith.constant 0 : i32
    return %c0_i32, %c0_i32_0 : i32, i32
  }
  func.func @transform_4(%arg0: i32) -> (i32, i32) {
    %c0_i32 = arith.constant 0 : i32
    %c0_i32_0 = arith.constant 0 : i32
    %c0_i32_1 = arith.constant 0 : i32
    return %c0_i32, %c0_i32_0 : i32, i32
  }
  func.func @transform_5(%arg0: i32) -> (i32, i32) {
    %c0_i32 = arith.constant 0 : i32
    %c0_i32_0 = arith.constant 0 : i32
    %c0_i32_1 = arith.constant 0 : i32
    return %c0_i32, %c0_i32_0 : i32, i32
  }
  func.func @transform_6(%arg0: i32) -> (i32, i32) {
    %c0_i32 = arith.constant 0 : i32
    %c0_i32_0 = arith.constant 0 : i32
    %c0_i32_1 = arith.constant 0 : i32
    return %c0_i32, %c0_i32_0 : i32, i32
  }
  func.func @transform_7(%arg0: i32) -> (i32, i32) {
    %c0_i32 = arith.constant 0 : i32
    %c0_i32_0 = arith.constant 0 : i32
    %c0_i32_1 = arith.constant 0 : i32
    return %c0_i32, %c0_i32_0 : i32, i32
  }
  func.func @transform_8(%arg0: i32) -> (i32, i32) {
    %c0_i32 = arith.constant 0 : i32
    %c0_i32_0 = arith.constant 0 : i32
    return %c0_i32, %arg0 : i32, i32
  }
}

module attributes {stable_mosaic.version = 14 : i64} {
  func.func @_wt_body(%arg0: i32, %arg1: memref<50x16000xf32, #tpu.memory_space<vmem>>, %arg2: memref<1x16000xf32, #tpu.memory_space<vmem>>, %arg3: memref<128x50xbf16, #tpu.memory_space<vmem>>, %arg4: memref<1x128xf32, #tpu.memory_space<vmem>>, %arg5: memref<64x128xbf16, #tpu.memory_space<vmem>>, %arg6: memref<64x128xbf16, #tpu.memory_space<vmem>>, %arg7: memref<64x1xf32, #tpu.memory_space<vmem>>, %arg8: memref<64x1xf32, #tpu.memory_space<vmem>>, %arg9: memref<64x16000xi32, #tpu.memory_space<vmem>>) attributes {dimension_semantics = [#tpu.dimension_semantics<arbitrary>], iteration_bounds = array<i64: 10>, scalar_prefetch = 0 : i64, scratch_operands = 0 : i64, tpu.core_type = #tpu.core_type<tc>, window_params = [{transform_indices = @transform_0, window_bounds = array<i64: 50, 16000>}, {transform_indices = @transform_1, window_bounds = array<i64: 1, 16000>}, {pipeline_mode = #tpu.pipeline_mode<synchronous>, transform_indices = @transform_2, window_bounds = array<i64: 128, 50>}, {pipeline_mode = #tpu.pipeline_mode<synchronous>, transform_indices = @transform_3, window_bounds = array<i64: 1, 128>}, {pipeline_mode = #tpu.pipeline_mode<synchronous>, transform_indices = @transform_4, window_bounds = array<i64: 64, 128>}, {pipeline_mode = #tpu.pipeline_mode<synchronous>, transform_indices = @transform_5, window_bounds = array<i64: 64, 128>}, {pipeline_mode = #tpu.pipeline_mode<synchronous>, transform_indices = @transform_6, window_bounds = array<i64: 64, 1>}, {pipeline_mode = #tpu.pipeline_mode<synchronous>, transform_indices = @transform_7, window_bounds = array<i64: 64, 1>}, {transform_indices = @transform_8, window_bounds = array<i64: 64, 16000>}]} {
    %get3A = arith.constant 0 : index
    %get3A_0 = arith.constant 0 : index
    %get3A_1 = vector.load %arg1[%get3A, %get3A_0] : memref<50x16000xf32, #tpu.memory_space<vmem>>, vector<50x16000xf32>
    %convert_element_type3A = arith.truncf %get3A_1 : vector<50x16000xf32> to vector<50x16000xbf16>
    %get3A_2 = arith.constant 0 : index
    %get3A_3 = arith.constant 0 : index
    %get3A_4 = vector.load %arg3[%get3A_2, %get3A_3] : memref<128x50xbf16, #tpu.memory_space<vmem>>, vector<128x50xbf16>
    %dot_general3A = arith.constant dense<0.000000e+00> : vector<16000x128xf32>
    %dot_general3A_5 = tpu.matmul %convert_element_type3A, %get3A_4, %dot_general3A {dimension_numbers = #tpu.dot_dimension_numbers<[0], [1], [1], [0], [0, 1, 1, 0], [], []>, transpose_lhs_hint = false} : vector<50x16000xbf16>, vector<128x50xbf16>, vector<16000x128xf32> -> vector<16000x128xf32>
    %get3A_6 = arith.constant 0 : index
    %get3A_7 = arith.constant 0 : index
    %get3A_8 = vector.load %arg4[%get3A_6, %get3A_7] : memref<1x128xf32, #tpu.memory_space<vmem>>, vector<1x128xf32>
    %add3A = vector.broadcast %get3A_8 : vector<1x128xf32> to vector<16000x128xf32>
    %add3A_9 = arith.addf %dot_general3A_5, %add3A : vector<16000x128xf32>
    %max3A = arith.constant 0.000000e+00 : f32
    %max3A_10 = vector.broadcast %max3A : f32 to vector<16000x128xf32>
    %max3A_11 = arith.maximumf %add3A_9, %max3A_10 : vector<16000x128xf32>
    %abs3A = math.absf %add3A_9 : vector<16000x128xf32>
    %neg3A = arith.constant 0.000000e+00 : f32
    %neg3A_12 = vector.broadcast %neg3A : f32 to vector<16000x128xf32>
    %neg3A_13 = arith.subf %neg3A_12, %abs3A : vector<16000x128xf32>
    %exp3A = math.exp %neg3A_13 : vector<16000x128xf32>
    %log1p3A = math.log1p %exp3A : vector<16000x128xf32>
    %add3A_14 = arith.addf %max3A_11, %log1p3A : vector<16000x128xf32>
    %sub3A = arith.constant 0.693147182 : f32
    %sub3A_15 = vector.broadcast %sub3A : f32 to vector<16000x128xf32>
    %sub3A_16 = arith.subf %add3A_14, %sub3A_15 : vector<16000x128xf32>
    %convert_element_type3A_17 = arith.truncf %sub3A_16 : vector<16000x128xf32> to vector<16000x128xbf16>
    %get3A_18 = arith.constant 0 : index
    %get3A_19 = arith.constant 0 : index
    %get3A_20 = vector.load %arg2[%get3A_18, %get3A_19] : memref<1x16000xf32, #tpu.memory_space<vmem>>, vector<1x16000xf32>
    %mul3A = arith.constant 0.314159274 : f32
    %mul3A_21 = vector.broadcast %mul3A : f32 to vector<1x16000xf32>
    %mul3A_22 = arith.mulf %get3A_20, %mul3A_21 : vector<1x16000xf32>
    %cos3A = math.cos %mul3A_22 : vector<1x16000xf32>
    %add3A_23 = arith.constant 1.000000e+00 : f32
    %add3A_24 = vector.broadcast %add3A_23 : f32 to vector<1x16000xf32>
    %add3A_25 = arith.addf %cos3A, %add3A_24 : vector<1x16000xf32>
    %mul3A_26 = arith.constant 5.000000e-01 : f32
    %mul3A_27 = vector.broadcast %mul3A_26 : f32 to vector<1x16000xf32>
    %mul3A_28 = arith.mulf %mul3A_27, %add3A_25 : vector<1x16000xf32>
    %get3A_29 = arith.constant 0 : index
    %get3A_30 = arith.constant 0 : index
    %get3A_31 = vector.load %arg5[%get3A_29, %get3A_30] : memref<64x128xbf16, #tpu.memory_space<vmem>>, vector<64x128xbf16>
    %dot_general3A_32 = arith.constant dense<0.000000e+00> : vector<64x16000xf32>
    %dot_general3A_33 = tpu.matmul %get3A_31, %convert_element_type3A_17, %dot_general3A_32 {dimension_numbers = #tpu.dot_dimension_numbers<[1], [1], [0], [0], [0, 0, 1, 0], [], []>, transpose_lhs_hint = false} : vector<64x128xbf16>, vector<16000x128xbf16>, vector<64x16000xf32> -> vector<64x16000xf32>
    %get3A_34 = arith.constant 0 : index
    %get3A_35 = arith.constant 0 : index
    %get3A_36 = vector.load %arg7[%get3A_34, %get3A_35] : memref<64x1xf32, #tpu.memory_space<vmem>>, vector<64x1xf32>
    %add3A_37 = vector.broadcast %get3A_36 : vector<64x1xf32> to vector<64x16000xf32>
    %add3A_38 = arith.addf %dot_general3A_33, %add3A_37 : vector<64x16000xf32>
    %mul3A_39 = vector.broadcast %mul3A_28 : vector<1x16000xf32> to vector<64x16000xf32>
    %mul3A_40 = arith.mulf %add3A_38, %mul3A_39 : vector<64x16000xf32>
    %get3A_41 = arith.constant 0 : index
    %get3A_42 = arith.constant 0 : index
    %get3A_43 = vector.load %arg6[%get3A_41, %get3A_42] : memref<64x128xbf16, #tpu.memory_space<vmem>>, vector<64x128xbf16>
    %dot_general3A_44 = arith.constant dense<0.000000e+00> : vector<64x16000xf32>
    %dot_general3A_45 = tpu.matmul %get3A_43, %convert_element_type3A_17, %dot_general3A_44 {dimension_numbers = #tpu.dot_dimension_numbers<[1], [1], [0], [0], [0, 0, 1, 0], [], []>, transpose_lhs_hint = false} : vector<64x128xbf16>, vector<16000x128xbf16>, vector<64x16000xf32> -> vector<64x16000xf32>
    %get3A_46 = arith.constant 0 : index
    %get3A_47 = arith.constant 0 : index
    %get3A_48 = vector.load %arg8[%get3A_46, %get3A_47] : memref<64x1xf32, #tpu.memory_space<vmem>>, vector<64x1xf32>
    %add3A_49 = vector.broadcast %get3A_48 : vector<64x1xf32> to vector<64x16000xf32>
    %add3A_50 = arith.addf %dot_general3A_45, %add3A_49 : vector<64x16000xf32>
    %mul3A_51 = vector.broadcast %mul3A_28 : vector<1x16000xf32> to vector<64x16000xf32>
    %mul3A_52 = arith.mulf %add3A_50, %mul3A_51 : vector<64x16000xf32>
    %convert_element_type3A_53 = arith.truncf %mul3A_40 : vector<64x16000xf32> to vector<64x16000xbf16>
    %bitcast_convert_type3A = tpu.bitcast %convert_element_type3A_53 : vector<64x16000xbf16> -> vector<64x16000xi16>
    %convert_element_type3A_54 = arith.extui %bitcast_convert_type3A : vector<64x16000xi16> to vector<64x16000xi32>
    %convert_element_type3A_55 = arith.truncf %mul3A_52 : vector<64x16000xf32> to vector<64x16000xbf16>
    %bitcast_convert_type3A_56 = tpu.bitcast %convert_element_type3A_55 : vector<64x16000xbf16> -> vector<64x16000xi16>
    %convert_element_type3A_57 = arith.extui %bitcast_convert_type3A_56 : vector<64x16000xi16> to vector<64x16000xi32>
    %shift_left3A = arith.constant 16 : i32
    %shift_left3A_58 = vector.broadcast %shift_left3A : i32 to vector<64x16000xi32>
    %shift_left3A_59 = arith.shli %convert_element_type3A_57, %shift_left3A_58 : vector<64x16000xi32>
    %or3A = arith.ori %convert_element_type3A_54, %shift_left3A_59 : vector<64x16000xi32>
    %bitcast_convert_type3A_60 = tpu.bitcast %or3A : vector<64x16000xi32> -> vector<64x16000xi32>
    %swap3A = arith.constant 0 : index
    %swap3A_61 = arith.constant 0 : index
    %swap3A_62 = vector.load %arg9[%swap3A, %swap3A_61] : memref<64x16000xi32, #tpu.memory_space<vmem>>, vector<64x16000xi32>
    tpu.vector_store %arg9[%swap3A, %swap3A_61], %bitcast_convert_type3A_60 {strides = array<i32>} : memref<64x16000xi32, #tpu.memory_space<vmem>>, vector<64x16000xi32>,
    return
  }
  func.func @transform_0(%arg0: i32) -> (i32, i32) {
    %add3A = arith.constant 0 : i32
    %add3A_0 = arith.addi %arg0, %add3A : i32
    %c0_i32 = arith.constant 0 : i32
    %c0_i32_1 = arith.constant 0 : i32
    return %c0_i32, %add3A_0 : i32, i32
  }
  func.func @transform_1(%arg0: i32) -> (i32, i32) {
    %add3A = arith.constant 0 : i32
    %add3A_0 = arith.addi %arg0, %add3A : i32
    %c0_i32 = arith.constant 0 : i32
    %c0_i32_1 = arith.constant 0 : i32
    return %c0_i32, %add3A_0 : i32, i32
  }
  func.func @transform_2(%arg0: i32) -> (i32, i32) {
    %c0_i32 = arith.constant 0 : i32
    %c0_i32_0 = arith.constant 0 : i32
    %c0_i32_1 = arith.constant 0 : i32
    return %c0_i32, %c0_i32_0 : i32, i32
  }
  func.func @transform_3(%arg0: i32) -> (i32, i32) {
    %c0_i32 = arith.constant 0 : i32
    %c0_i32_0 = arith.constant 0 : i32
    %c0_i32_1 = arith.constant 0 : i32
    return %c0_i32, %c0_i32_0 : i32, i32
  }
  func.func @transform_4(%arg0: i32) -> (i32, i32) {
    %c0_i32 = arith.constant 0 : i32
    %c0_i32_0 = arith.constant 0 : i32
    %c0_i32_1 = arith.constant 0 : i32
    return %c0_i32, %c0_i32_0 : i32, i32
  }
  func.func @transform_5(%arg0: i32) -> (i32, i32) {
    %c0_i32 = arith.constant 0 : i32
    %c0_i32_0 = arith.constant 0 : i32
    %c0_i32_1 = arith.constant 0 : i32
    return %c0_i32, %c0_i32_0 : i32, i32
  }
  func.func @transform_6(%arg0: i32) -> (i32, i32) {
    %c0_i32 = arith.constant 0 : i32
    %c0_i32_0 = arith.constant 0 : i32
    %c0_i32_1 = arith.constant 0 : i32
    return %c0_i32, %c0_i32_0 : i32, i32
  }
  func.func @transform_7(%arg0: i32) -> (i32, i32) {
    %c0_i32 = arith.constant 0 : i32
    %c0_i32_0 = arith.constant 0 : i32
    %c0_i32_1 = arith.constant 0 : i32
    return %c0_i32, %c0_i32_0 : i32, i32
  }
  func.func @transform_8(%arg0: i32) -> (i32, i32) {
    %c0_i32 = arith.constant 0 : i32
    %c0_i32_0 = arith.constant 0 : i32
    return %c0_i32, %arg0 : i32, i32
  }
}

module attributes {stable_mosaic.version = 14 : i64} {
  func.func @_out_body(%arg0: memref<10000x128xf32, #tpu.memory_space<vmem>>, %arg1: memref<128x10000xf32, #tpu.memory_space<vmem>>, %arg2: memref<128x10000xf32, #tpu.memory_space<vmem>>, %arg3: memref<128x128xf32, #tpu.memory_space<vmem>>, %arg4: memref<1x128xf32, #tpu.memory_space<vmem>>, %arg5: memref<128x128xf32, #tpu.memory_space<vmem>>, %arg6: memref<1x128xf32, #tpu.memory_space<vmem>>, %arg7: memref<10000x128xf32, #tpu.memory_space<vmem>>) attributes {dimension_semantics = [], scalar_prefetch = 0 : i64, scratch_operands = 0 : i64, tpu.core_type = #tpu.core_type<tc>} {
    %get3A = arith.constant 0 : index
    %get3A_0 = arith.constant 0 : index
    %get3A_1 = vector.load %arg1[%get3A, %get3A_0] : memref<128x10000xf32, #tpu.memory_space<vmem>>, vector<128x10000xf32>
    %get3A_2 = arith.constant 0 : index
    %get3A_3 = arith.constant 0 : index
    %get3A_4 = vector.load %arg2[%get3A_2, %get3A_3] : memref<128x10000xf32, #tpu.memory_space<vmem>>, vector<128x10000xf32>
    %add3A = arith.addf %get3A_1, %get3A_4 : vector<128x10000xf32>
    %get3A_5 = arith.constant 0 : index
    %get3A_6 = arith.constant 0 : index
    %get3A_7 = vector.load %arg3[%get3A_5, %get3A_6] : memref<128x128xf32, #tpu.memory_space<vmem>>, vector<128x128xf32>
    %dot_general3A = arith.constant dense<0.000000e+00> : vector<10000x128xf32>
    %dot_general3A_8 = tpu.matmul %add3A, %get3A_7, %dot_general3A {dimension_numbers = #tpu.dot_dimension_numbers<[0], [1], [1], [0], [0, 1, 1, 0], [], []>, transpose_lhs_hint = false} : vector<128x10000xf32>, vector<128x128xf32>, vector<10000x128xf32> -> vector<10000x128xf32>
    %get3A_9 = arith.constant 0 : index
    %get3A_10 = arith.constant 0 : index
    %get3A_11 = vector.load %arg4[%get3A_9, %get3A_10] : memref<1x128xf32, #tpu.memory_space<vmem>>, vector<1x128xf32>
    %add3A_12 = vector.broadcast %get3A_11 : vector<1x128xf32> to vector<10000x128xf32>
    %add3A_13 = arith.addf %dot_general3A_8, %add3A_12 : vector<10000x128xf32>
    %max3A = arith.constant 0.000000e+00 : f32
    %max3A_14 = vector.broadcast %max3A : f32 to vector<10000x128xf32>
    %max3A_15 = arith.maximumf %add3A_13, %max3A_14 : vector<10000x128xf32>
    %abs3A = math.absf %add3A_13 : vector<10000x128xf32>
    %neg3A = arith.constant 0.000000e+00 : f32
    %neg3A_16 = vector.broadcast %neg3A : f32 to vector<10000x128xf32>
    %neg3A_17 = arith.subf %neg3A_16, %abs3A : vector<10000x128xf32>
    %exp3A = math.exp %neg3A_17 : vector<10000x128xf32>
    %log1p3A = math.log1p %exp3A : vector<10000x128xf32>
    %add3A_18 = arith.addf %max3A_15, %log1p3A : vector<10000x128xf32>
    %sub3A = arith.constant 0.693147182 : f32
    %sub3A_19 = vector.broadcast %sub3A : f32 to vector<10000x128xf32>
    %sub3A_20 = arith.subf %add3A_18, %sub3A_19 : vector<10000x128xf32>
    %get3A_21 = arith.constant 0 : index
    %get3A_22 = arith.constant 0 : index
    %get3A_23 = vector.load %arg5[%get3A_21, %get3A_22] : memref<128x128xf32, #tpu.memory_space<vmem>>, vector<128x128xf32>
    %dot_general3A_24 = arith.constant dense<0.000000e+00> : vector<10000x128xf32>
    %dot_general3A_25 = tpu.matmul %sub3A_20, %get3A_23, %dot_general3A_24 {dimension_numbers = #tpu.dot_dimension_numbers<[1], [1], [0], [0], [0, 0, 1, 0], [], []>, transpose_lhs_hint = false} : vector<10000x128xf32>, vector<128x128xf32>, vector<10000x128xf32> -> vector<10000x128xf32>
    %get3A_26 = arith.constant 0 : index
    %get3A_27 = arith.constant 0 : index
    %get3A_28 = vector.load %arg6[%get3A_26, %get3A_27] : memref<1x128xf32, #tpu.memory_space<vmem>>, vector<1x128xf32>
    %add3A_29 = vector.broadcast %get3A_28 : vector<1x128xf32> to vector<10000x128xf32>
    %add3A_30 = arith.addf %dot_general3A_25, %add3A_29 : vector<10000x128xf32>
    %get3A_31 = arith.constant 0 : index
    %get3A_32 = arith.constant 0 : index
    %get3A_33 = vector.load %arg0[%get3A_31, %get3A_32] : memref<10000x128xf32, #tpu.memory_space<vmem>>, vector<10000x128xf32>
    %add3A_34 = arith.addf %add3A_30, %get3A_33 : vector<10000x128xf32>
    %swap3A = arith.constant 0 : index
    %swap3A_35 = arith.constant 0 : index
    %swap3A_36 = vector.load %arg7[%swap3A, %swap3A_35] : memref<10000x128xf32, #tpu.memory_space<vmem>>, vector<10000x128xf32>
    tpu.vector_store %arg7[%swap3A, %swap3A_35], %add3A_34 {strides = array<i32>} : memref<10000x128xf32, #tpu.memory_space<vmem>>, vector<10000x128xf32>,
    return
  }
}

</mosaic_0001>

<sc_bundles>
// kernel: kernel.11.cloned.1.call-start
scs
__scs_entry_jumppad:
0x0: {  	(pc) =	sbr.rel $0x88, $3  }
0x1: {  	(tag) =	ssettag $0x0;
	lr =	simm.s32 $0x1  }
0x2: {  	[smem:$0x3F92] =	sst lr;
	_ =	strace $0xD0000000  }
0x3: {  	_ = 	snop  }
0x4: {  	_ = 	snop  }
0x5: {  	_ = 	snop  }
0x6: {  	_ = 	snop  }
0x7: {  	_ = 	snop  }
__scs_overlays_trampoline_lowered:
0x8: {  	[smem:$0x3FA1] =	sst s0  }
0x9: {  	[smem:$0x3FA2] =	sst s1  }
0xa: {  	[smem:$0x3FA3] =	sst s2  }
0xb: {  	[smem:$0x3FA4] =	sst s3  }
0xc: {  	[smem:$0x3FA5] =	sst s4  }
0xd: {  	[smem:$0x3FA6] =	sst s5  }
0xe: {  	[smem:$0x3FA7] =	sst s6  }
0xf: {  	[smem:$0x3FA8] =	sst s7  }
0x10: {  	[smem:$0x3FA9] =	sst s8  }
0x11: {  	[smem:$0x3FAA] =	sst s9;
	s0 =	simm.s32 @!p0 $0x0  }
0x12: {  	s1 =	sld [smem:$0x3F90];
	s0 =	simm.s32 @p0 $0x1  }
0x13: {  	[smem:$0x3FAB] =	sst s0;
	s0 =	simm.s32 @!p1 $0x0  }
0x14: {  	s2 =	sld [smem:$0x3F8F];
	s0 =	simm.s32 @p1 $0x1  }
0x15: {  	[smem:$0x3FAC] =	sst s0;
	s0 =	simm.s32 @!p2 $0x0  }
0x16: {  	s3 =	sld [smem:$0x3FDB];
	s0 =	simm.s32 @p2 $0x1  }
0x17: {  	s4 =	simm.s32 $0x1BF5;
	[smem:$0x3FAE] =	sst s0  }
0x18: {  	s0 =	sld [smem:$0x3F91];
	_ =	swait.ge [sflag:s4], $0x0  }
0x19: {  	s7 =	sld [smem:$0x3F92]  }
0x1a: {  	s8 =	sadd.s32 $0xFFFFE003, lr  }
0x1b: {  	s9 =	sadd.s32 $0xFFFFFEF7, lr;
	s5 =	simm.s32 $0xFFFFFFFF;
	p2 =	slt.u32 s8, $0xFFFFF086  }
0x1c: {  	p1 =	slt.u32 s9, $0xF7A;
	s5 =	simm.s32 @!p2 $0x0  }
0x1d: {  	s5 =	simm.s32 @p1 $0x1;
	p0 =	seq.s32 s7, s2  }
0x1e: {  	s7 =	smul.u32 @!p0 $0xF7A, s2;
	p2 =	seq.s32 @!p0 s5, $0x0  }
0x1f: {  	s9 =	smul.u32 $0xF7A, s1;
	s8 =	simm.s32 @!p0 $0x1BF5;
	p2 =	por !p2, p0  }
0x20: {  	[sflag:s8] =	ssyncset.s32 @!p0 $0xFFFFF086;
	s6 =	sadd.s32 @!p0 s3, s7;
	s7 =	simm.s32 @!p0 $0x108  }
0x21: {  	s3 =	sadd.s32 s3, s9;
	s6 =	sadd.s32 @!p0 $0x88, s6;
	s7 =	simm.s32 @p2 $0x1082  }
0x22: {  	[simem:s7], [sflag:s8] =	dma.local @!p0 [hbm:s6], $0xF7A  }
0x23: {  	s9 =	sor.u32 $0xD0000000, s2;
	s6 =	simm.s32 $0x108;
	_ =	swait.ge @!p0 [sflag:s8], $0x0  }
0x24: {  	s3 =	sadd.s32 $0x88, s3;
	s6 =	simm.s32 @!p1 $0x1082;
	[sflag:s4] =	ssyncset.s32 $0xFFFFF086  }
0x25: {  	[simem:s6], [sflag:s4] =	dma.local [hbm:s3], $0xF7A  }
0x26: {  	[smem:$0x3F92] =	sst s1;
	(tag) =	ssettag s2;
	_ =	strace s9  }
0x27: {  	s1 =	sld [smem:$0x3FA2]  }
0x28: {  	s2 =	sld [smem:$0x3FA3]  }
0x29: {  	s4 =	sld [smem:$0x3FA5]  }
0x2a: {  	p0 =	seq.s32 s5, $0x0;
	s5 =	sld [smem:$0x3FA6]  }
0x2b: {  	s6 =	sld [smem:$0x3FA7]  }
0x2c: {  	s7 =	sld [smem:$0x3FA8]  }
0x2d: {  	s3 =	simm.s32 $0x108;
	s8 =	sld [smem:$0x3FA9]  }
0x2e: {  	s3 =	simm.s32 @!p0 $0x1082;
	s9 =	sld [smem:$0x3FAA]  }
0x2f: {  	lr =	sadd.s32 s0, s3;
	s0 =	sld [smem:$0x3FA1]  }
0x30: {  	s3 =	sld [smem:$0x3FA4]  }
0x31: {  	[smem:$0x3FAD] =	sst s10  }
0x32: {  	s10 =	sld [smem:$0x3FAB];
	_ =	sdelay $0x3  }
0x33: {  	p0 =	seq.s32 s10, $0x1;
	s10 =	sld [smem:$0x3FAD];
	_ =	sdelay $0x3  }
0x34: {  	[smem:$0x3FAD] =	sst s10  }
0x35: {  	s10 =	sld [smem:$0x3FAC];
	_ =	sdelay $0x3  }
0x36: {  	p1 =	seq.s32 s10, $0x1;
	s10 =	sld [smem:$0x3FAD];
	_ =	sdelay $0x3  }
0x37: {  	[smem:$0x3FAD] =	sst s10  }
0x38: {  	s10 =	sld [smem:$0x3FAE]  }
0x39: {  	_ = 	snop;
	(pc) =	sbr.ind lr, $3  }
0x3a: {  	_ = 	snop  }
0x3b: {  	_ = 	snop  }
0x3c: {  	p2 =	seq.s32 s10, $0x1;
	s10 =	sld [smem:$0x3FAD]  }
0x3d: {  	_ =	shalt  }
0x3e: {  	_ =	shalt  }
0x3f: {  	_ =	shalt  }
0x40: {  	_ =	shalt  }
0x41: {  	_ =	shalt  }
0x42: {  	_ =	shalt  }
0x43: {  	_ =	shalt  }
0x44: {  	_ =	shalt  }
0x45: {  	_ =	shalt  }
0x46: {  	_ =	shalt  }
0x47: {  	_ =	shalt  }
0x48: {  	_ =	shalt  }
0x49: {  	_ =	shalt  }
0x4a: {  	_ =	shalt  }
0x4b: {  	_ =	shalt  }
0x4c: {  	_ =	shalt  }
0x4d: {  	_ =	shalt  }
0x4e: {  	_ =	shalt  }
0x4f: {  	_ =	shalt  }
0x50: {  	_ =	shalt  }
0x51: {  	_ =	shalt  }
0x52: {  	_ =	shalt  }
0x53: {  	_ =	shalt  }
0x54: {  	_ =	shalt  }
0x55: {  	_ =	shalt  }
0x56: {  	_ =	shalt  }
0x57: {  	_ =	shalt  }
0x58: {  	_ =	shalt  }
0x59: {  	_ =	shalt  }
0x5a: {  	_ =	shalt  }
0x5b: {  	_ =	shalt  }
0x5c: {  	_ =	shalt  }
0x5d: {  	_ =	shalt  }
0x5e: {  	_ =	shalt  }
0x5f: {  	_ =	shalt  }
0x60: {  	_ =	shalt  }
0x61: {  	_ =	shalt  }
0x62: {  	_ =	shalt  }
0x63: {  	_ =	shalt  }
0x64: {  	_ =	shalt  }
0x65: {  	_ =	shalt  }
0x66: {  	_ =	shalt  }
0x67: {  	_ =	shalt  }
0x68: {  	_ =	shalt  }
0x69: {  	_ =	shalt  }
0x6a: {  	_ =	shalt  }
0x6b: {  	_ =	shalt  }
0x6c: {  	_ =	shalt  }
0x6d: {  	_ =	shalt  }
0x6e: {  	_ =	shalt  }
0x6f: {  	_ =	shalt  }
0x70: {  	_ =	shalt  }
0x71: {  	_ =	shalt  }
0x72: {  	_ =	shalt  }
0x73: {  	_ =	shalt  }
0x74: {  	_ =	shalt  }
0x75: {  	_ =	shalt  }
0x76: {  	_ =	shalt  }
0x77: {  	_ =	shalt  }
0x78: {  	_ =	shalt  }
0x79: {  	_ =	shalt  }
0x7a: {  	_ =	shalt  }
0x7b: {  	_ =	shalt  }
0x7c: {  	_ =	shalt  }
0x7d: {  	_ =	shalt  }
0x7e: {  	_ =	shalt  }
0x7f: {  	_ =	shalt  }
0x80: {  	_ =	shalt  }
0x81: {  	_ =	shalt  }
0x82: {  	_ =	shalt  }
0x83: {  	_ =	shalt  }
0x84: {  	_ =	shalt  }
0x85: {  	_ =	shalt  }
0x86: {  	_ =	shalt  }
0x87: {  	_ =	shalt  }
.Lfunc_end0:
.L_simem_size_0:
called_computation.1_lowered:
.L_overlay_start_0:
0x88: {  	s2 =	sld [smem:$0x3FD9]  }
0x89: {  	s3 =	sld [smem:$0x3FFE];
	_ =	sdelay $0x1  }
0x8a: {  	s1 =	srdreg.scid  }
0x8b: {  	s0 =	sand.u32 $0x1, s1  }
0x8c: {  	s17 =	sshll.u32 s0, $0xA;
	s2 =	sadd.s32 s3, s2  }
0x8d: {  	s2 =	sadd.s32 s2, s17  }
0x8e: {  	[smem:$0x3FB9] =	sst s2  }
0x8f: {  	_ = 	snop  }
0x90: {  	s2 =	sld [smem:$0x3FD0];
	(tm) =	ssettm $0x1  }
0x91: {  	s18 =	sld [smem:$0x3FFB];
	_ =	sdelay $0x3  }
0x92: {  	_ =	strace s18  }
0x93: {  	s3 =	sld [smem:$0x3FFC];
	_ =	sdelay $0x3  }
0x94: {  	_ =	strace s3  }
0x95: {  	s3 =	sld [smem:$0x3FFD];
	_ =	sdelay $0x3  }
0x96: {  	_ =	strace s3  }
0x97: {  	_ =	strace $0x8FFFFFFF  }
0x98: {  	s19 =	sld [smem:$0x3FDB];
	_ =	sdelay $0x1  }
0x99: {  	s4 =	simm.s32 $_scs_section_size  }
0x9a: {  	s5 =	simm.s32 $_size__tile_overlayer_lowered;
	s6 =	simm.s32 $_tile_overlayer_lowered  }
0x9b: {  	s22 =	simm.s32 $0x1BFF;
	s21 =	sshll.u32 s6, $0x1;
	s3 =	sadd.s32 s4, s19  }
0x9c: {  	s7 =	simm.s32 $0x0;
	s20 =	sshll.u32 s5, $0x1;
	s5 =	sadd.s32 s21, s3  }
0x9d: {  	[timem:s7], [sflag:s22] =	dma.local [hbm:s5], s20  }
0x9e: {  	_ =	swait.ge [sflag:s22], s20  }
0x9f: {  	s4 =	ssub.s32 $0x0, s20;
	[sflag:s22] =	ssyncset.done $0x0  }
0xa0: {  	[sflag:s22] =	ssyncadd.s32 s4;
	_ =	sdelay $0x1  }
0xa1: {  	s23 =	simm.s32 $0x1B8B  }
0xa2: {  	_ =	swait.ge [sflag:s23], $0x1  }
0xa3: {  	[sflag:s23] =	ssyncset.done $0x0  }
0xa4: {  	s25 =	simm.s32 $0x1B8E;
	s24 =	sld [smem:$0x3FFE];
	[sflag:s23] =	ssyncadd.s32 $0xFFFFFFFF  }
0xa5: {  	s26 =	simm.s32 $execute0_lowered;
	[smem:$0x3FD2] =	sst s25  }
0xa6: {  	s5 =	sshll.u32 s26, $0x1;
	_ =	strace $0x80000046;
	[dreg:$0x1] =	wrdreg $0xFFFFFFFF  }
0xa7: {  	s28 =	simm.s32 $_size_execute0_lowered;
	s3 =	sadd.s32 s3, s5;
	[dreg:$0x0] =	wrdreg $0x0  }
0xa8: {  	s5 =	sshll.u32 s28, $0x1;
	[dreg:$0x2] =	wrdreg s3  }
0xa9: {  	[dreg:$0x3] =	wrdreg s5  }
0xaa: {  	[dreg:$0x4] =	wrdreg $0xC0  }
0xab: {  	_ =	task [dreg:s7], $0x5FFFF  }
0xac: {  	[dreg:$0x1] =	wrdreg $0xFFFFFFFF  }
0xad: {  	[dreg:$0x0] =	wrdreg $0x60  }
0xae: {  	[dreg:$0x2] =	wrdreg s2  }
0xaf: {  	[dreg:$0x3] =	wrdreg s24  }
0xb0: {  	[dreg:$0x4] =	wrdreg $0xA  }
0xb1: {  	_ =	task.clear_ibuf [dreg:s7], $0x5FFFF;
	_ =	strace $0x90000046  }
0xb2: {  	s29 =	simm.s32 $0xA;
	_ =	strace $0x80000048  }
0xb3: {  	_ =	swait.ge [sflag:s29], $0x1  }
0xb4: {  	[sflag:s29] =	ssyncadd.s32 $0xFFFFFFFF  }
0xb5: {  	_ =	strace $0x90000048  }
0xb6: {  	_ =	sfence  }
0xb7: {  	s30 =	sld [smem:$0x0];
	_ =	sdelay $0x2  }
0xb8: {  	s31 =	sshll.u32 s1, $0xD;
	s1 =	sshrl.u32 s1, $0x2  }
0xb9: {  	s3 =	sand.u32 $0x4000, s31;
	s1 =	sadd.s32 s1, s30  }
0xba: {  	s0 =	sor.u32 s3, s0;
	s1 =	sshll.u32 s1, $0x11  }
0xbb: {  	s0 =	sor.u32 s1, s0  }
0xbc: {  	s0 =	sadd.s32 $0x8F2B, s0  }
0xbd: {  	[sflag:s0] =	ssyncadd.remote.s32 $0x1  }
0xbe: {  	_ =	sfence.sel $0xFFFF  }
0xbf: {  	[dreg:$0x0] =	wrdreg $0xFFFFFFFF;
	(pc) =	sbr.abs _section_cstart, $3  }
0xc0: {  	[dreg:$0x1] =	wrdreg $0xFFFFFFFF  }
0xc1: {  	_ =	task.clear_ibuf [dreg:s7], $0x2FFFF;
	_ =	strace $0x9FFFFFFF  }
0xc2: {  	(tm) =	ssettm $0x7FFFFFFF  }
0xc3: {  	_ =	shalt  }
tec
execute0_lowered:
.L_overlay_start_1:
0x0: {  	(tag) =	ssettag $0x1  }
0x1: {  	s1 =	srdreg.scid;
	s0 =	stileid.u32  }
0x2: {  	s5 =	sand.u32 $0x1, s1;
	s26 =	sshll.u32 s0, $0x1  }
0x3: {  	s10 =	rddreg [dreg:$0x0];
	s3 =	sor.u32 s5, s26  }
0x4: {  	s6 =	rddreg [dreg:$0x1];
	s2 =	simm.s32 $0x0;
	s1 =	smul.u32 $0x148, s3  }
0x5: {  	s16 =	simm.s32 $0x1;
	s17 =	simm.s32 $0x9C80;
	s18 =	simm.s32 $0x2  }
0x6: {  	s19 =	simm.s32 $0x0;
	[smem:$0x7FF] =	sst s2;
	s1 =	sshrl.u32 s1, $0xB  }
0x7: {  	_ =	strace $0x80000047;
	s8 =	ssub.s32 $0x2, s5;
	s4 =	smul.u32 $0x32, s1  }
0x8: {  	s5 =	sadd.s32 $0x1E00, s6;
	s12 =	sshll.u32 s3, $0x3;
	s11 =	smul.u32 $0x1388, s3  }
0x9: {  	s3 =	smul.u32 $0x4E200, s3;
	s28 =	sshrl.u32 s8, $0x1;
	s4 =	ssub.s32 s12, s4  }
0xa: {  	s14 =	ssub.s32 s8, s28;
	s13 =	sadd.s32 s11, s6;
	s7 =	sand.u32 $0xFE, s4  }
0xb: {  	s10 =	sadd.s32 s10, s11;
	s11 =	sor.u32 $0x1, s12;
	s7 =	smul.u32 $0xC80, s7  }
0xc: {  	s14 =	smax.u32 s14, $0x1;
	s13 =	sadd.s32 $0xBC00, s13;
	s12 =	sor.u32 $0x2, s12  }
0xd: {  	s4 =	sadd.s32 $0x144400, s6;
	s6 =	sadd.s32 $0x27100, s3;
	s29 =	sshrl.u32 s7, $0x3  }
0xe: {  	s9 =	sadd.s32 s3, s7;
	s15 =	sadd.s32 s6, s7;
	s8 =	sadd.s32 s5, s29  }
0xf: {  	s30 =	sshrl.u32 s9, $0x3;
	s31 =	sshrl.u32 s15, $0x3;
	s15 =	simm.s32 $0x3  }
0x10: {  	v0 =	vimm.f32 $0.0e+00;
	s7 =	sadd.s32 $0x4E20, s8;
	s8 =	sadd.s32 s4, s30;
	s9 =	sadd.s32 s4, s31  }
.LBB2_1:
0x11: {  	s20 =	simm.s32 $0x13900  }
0x12: {  	s21 =	simm.s32 $0x10;
	s23 =	sadd.s32 $0x0, s7;
	s22 =	simm.s32 $0x13A00  }
.LBB2_2:
0x13: {  	[tilespmem:s20], [sflag:$0x1] =	stream.linear.gather [hbm4b:s23+s2], $0x80, $0x38;
	[tilespmem:$0x18400] =	vst v63  }
0x14: {  	s23 =	smov.u32 s21;
	s20 =	smov.u32 s22;
	p0 =	sne.s32 s21, $0x180  }
.Ltmp0:
0x15: {  	s21 =	sadd.s32 $0x10, s21;
	(pc) =	sbr.rel @p0 .LBB2_2-.Ltmp0, $2  }
0x16: {  	_ =	sdelay $0x2  }
0x17: {  	s22 =	sadd.s32 $0x100, s22;
	s23 =	sadd.s32 s23, s7  }
0x18: {  	[tilespmem:s20], [sflag:$0x1] =	stream.linear.gather [hbm4b:s23+s2], $0x80, $0x38;
	[tilespmem:$0x18400] =	vst v63  }
0x19: {  	s20 =	simm.s32 $0x15200  }
0x1a: {  	s21 =	simm.s32 $0x10;
	s23 =	sadd.s32 $0x0, s8;
	s22 =	simm.s32 $0x15300  }
.LBB2_4:
0x1b: {  	[tilespmem:s20], [sflag:$0x1] =	stream.linear.gather [hbm4b:s23+s2], $0x80, $0x38;
	[tilespmem:$0x18400] =	vst v63  }
0x1c: {  	s23 =	smov.u32 s21;
	s20 =	smov.u32 s22;
	p0 =	sne.s32 s21, $0x180  }
.Ltmp1:
0x1d: {  	s21 =	sadd.s32 $0x10, s21;
	(pc) =	sbr.rel @p0 .LBB2_4-.Ltmp1, $2  }
0x1e: {  	_ =	sdelay $0x2  }
0x1f: {  	s22 =	sadd.s32 $0x100, s22;
	s23 =	sadd.s32 s23, s8  }
0x20: {  	[tilespmem:s20], [sflag:$0x1] =	stream.linear.gather [hbm4b:s23+s2], $0x80, $0x38;
	[tilespmem:$0x18400] =	vst v63  }
0x21: {  	s20 =	simm.s32 $0x15280  }
0x22: {  	s21 =	simm.s32 $0x10;
	s23 =	sadd.s32 $0x0, s9;
	s22 =	simm.s32 $0x15380  }
.LBB2_6:
0x23: {  	[tilespmem:s20], [sflag:$0x1] =	stream.linear.gather [hbm4b:s23+s2], $0x80, $0x38;
	[tilespmem:$0x18400] =	vst v63  }
0x24: {  	s23 =	smov.u32 s21;
	s20 =	smov.u32 s22;
	p0 =	sne.s32 s21, $0x180  }
.Ltmp2:
0x25: {  	s21 =	sadd.s32 $0x10, s21;
	(pc) =	sbr.rel @p0 .LBB2_6-.Ltmp2, $2  }
0x26: {  	_ =	sdelay $0x2  }
0x27: {  	s22 =	sadd.s32 $0x100, s22;
	s23 =	sadd.s32 s23, s9  }
0x28: {  	[tilespmem:s20], [sflag:$0x1] =	stream.linear.gather [hbm4b:s23+s2], $0x80, $0x38;
	[tilespmem:$0x18400] =	vst v63  }
0x29: {  	_ = 	snop  }
0x2a: {  	[tilespmem:s2], [sflag:$0x3] =	stream.linear.gather [hbm4b:s10+s2], $0x9C40, $0x38;
	[tilespmem:$0x18400] =	vst v63  }
0x2b: {  	_ =	swait.ge [sflag:s15], $0x9C40  }
0x2c: {  	[sflag:s15] =	ssyncset.done $0x0  }
0x2d: {  	s20 =	simm.s32 $0x9CC0;
	[sflag:s15] =	ssyncadd.s32 $0xFFFF63C0  }
0x2e: {  	[tilespmem:s20+$0xFFFFFFC0] =	vst v0  }
0x2f: {  	[tilespmem:s20+$0x30] =	vst v0  }
0x30: {  	[tilespmem:s20+$0x20] =	vst v0  }
0x31: {  	[tilespmem:s20+$0x10] =	vst v0  }
0x32: {  	[tilespmem:s20+$0x0] =	vst v0  }
0x33: {  	[tilespmem:s20+$0xFFFFFFF0] =	vst v0  }
0x34: {  	s23 =	simm.s32 $0x0;
	s21 =	simm.s32 $0x13880;
	[tilespmem:s20+$0xFFFFFFE0] =	vst v0  }
.LBB2_8:
0x35: {  	s23 =	sadd.s32 $0x80, s23;
	[tilespmem:s20+$0xFFFFFFD0] =	vst v0;
	s20 =	sadd.s32 $0x80, s20;
	s22 =	simm.s32 $0x9BF0  }
0x36: {  	[tilespmem:s20+$0xFFFFFFC0] =	vst v0;
	p0 =	slt.u32 s23, $0x9B80  }
0x37: {  	[tilespmem:s20+$0x30] =	vst v0  }
.Ltmp3:
0x38: {  	[tilespmem:s20+$0x20] =	vst v0;
	(pc) =	sbr.rel @p0 .LBB2_8-.Ltmp3, $4  }
0x39: {  	[tilespmem:s20+$0x10] =	vst v0  }
0x3a: {  	[tilespmem:s20+$0x0] =	vst v0  }
0x3b: {  	[tilespmem:s20+$0xFFFFFFF0] =	vst v0  }
0x3c: {  	[tilespmem:s20+$0xFFFFFFE0] =	vst v0  }
0x3d: {  	[tilespmem:s20+$0xFFFFFFD0] =	vst v0  }
.LBB2_10:
0x3e: {  	s22 =	sadd.s32 $0x10, s22  }
0x3f: {  	p0 =	slt.u32 s22, $0x9C30  }
.Ltmp4:
0x40: {  	_ = 	snop;
	(pc) =	sbr.rel @p0 .LBB2_10-.Ltmp4, $2  }
0x41: {  	_ =	sdelay $0x2  }
0x42: {  	[tilespmem:s21+$0x0] =	vst v0;
	s21 =	sadd.s32 $0x10, s21;
	s20 =	simm.s32 $0x0  }
.LBB2_11:
0x43: {  	s21 =	sshll.u32 s20, $0x1  }
0x44: {  	s22 =	sadd.s32 s21, s11  }
0x45: {  	s23 =	smulhi.u32 $0x51EB851F, s22;
	_ =	sdelay $0x1  }
0x46: {  	s23 =	sshrl.u32 s23, $0x4  }
0x47: {  	s23 =	smul.u32 $0x32, s23;
	_ =	sdelay $0x1  }
0x48: {  	s22 =	ssub.s32 s22, s23  }
0x49: {  	s22 =	smul.u32 $0xC80, s22;
	_ =	sdelay $0x1  }
0x4a: {  	s31 =	sshrl.u32 s22, $0x3  }
0x4b: {  	s23 =	sadd.s32 s5, s31  }
0x4c: {  	s24 =	simm.s32 $0x13980;
	s23 =	sadd.s32 $0x4E20, s23  }
0x4d: {  	s25 =	simm.s32 $0x10;
	s26 =	simm.s32 $0x13A80;
	s28 =	sadd.s32 $0x0, s23  }
.LBB2_12:
0x4e: {  	[tilespmem:s24], [sflag:$0x2] =	stream.linear.gather [hbm4b:s28+s2], $0x80, $0x38;
	[tilespmem:$0x18400] =	vst v63  }
0x4f: {  	s28 =	smov.u32 s25;
	s24 =	smov.u32 s26;
	p0 =	sne.s32 s25, $0x180  }
.Ltmp5:
0x50: {  	s25 =	sadd.s32 $0x10, s25;
	(pc) =	sbr.rel @p0 .LBB2_12-.Ltmp5, $2  }
0x51: {  	_ =	sdelay $0x2  }
0x52: {  	s26 =	sadd.s32 $0x100, s26;
	s28 =	sadd.s32 s28, s23  }
0x53: {  	[tilespmem:s24], [sflag:$0x2] =	stream.linear.gather [hbm4b:s28+s2], $0x80, $0x38;
	[tilespmem:$0x18400] =	vst v63  }
0x54: {  	s23 =	sadd.s32 s3, s22  }
0x55: {  	s23 =	sshrl.u32 s23, $0x3  }
0x56: {  	s24 =	simm.s32 $0x16B00;
	s23 =	sadd.s32 s4, s23  }
0x57: {  	s25 =	simm.s32 $0x10;
	s26 =	simm.s32 $0x16C00;
	s28 =	sadd.s32 $0x0, s23  }
.LBB2_14:
0x58: {  	[tilespmem:s24], [sflag:$0x2] =	stream.linear.gather [hbm4b:s28+s2], $0x80, $0x38;
	[tilespmem:$0x18400] =	vst v63  }
0x59: {  	s28 =	smov.u32 s25;
	s24 =	smov.u32 s26;
	p0 =	sne.s32 s25, $0x180  }
.Ltmp6:
0x5a: {  	s25 =	sadd.s32 $0x10, s25;
	(pc) =	sbr.rel @p0 .LBB2_14-.Ltmp6, $2  }
0x5b: {  	_ =	sdelay $0x2  }
0x5c: {  	s26 =	sadd.s32 $0x100, s26;
	s28 =	sadd.s32 s28, s23  }
0x5d: {  	[tilespmem:s24], [sflag:$0x2] =	stream.linear.gather [hbm4b:s28+s2], $0x80, $0x38;
	[tilespmem:$0x18400] =	vst v63  }
0x5e: {  	s22 =	sadd.s32 s6, s22  }
0x5f: {  	s22 =	sshrl.u32 s22, $0x3  }
0x60: {  	s23 =	simm.s32 $0x16B80;
	s22 =	sadd.s32 s4, s22  }
0x61: {  	s24 =	simm.s32 $0x10;
	s25 =	simm.s32 $0x16C80;
	s26 =	sadd.s32 $0x0, s22  }
.LBB2_16:
0x62: {  	[tilespmem:s23], [sflag:$0x2] =	stream.linear.gather [hbm4b:s26+s2], $0x80, $0x38;
	[tilespmem:$0x18400] =	vst v63  }
0x63: {  	s26 =	smov.u32 s24;
	s23 =	smov.u32 s25;
	p0 =	sne.s32 s24, $0x180  }
.Ltmp7:
0x64: {  	s24 =	sadd.s32 $0x10, s24;
	(pc) =	sbr.rel @p0 .LBB2_16-.Ltmp7, $2  }
0x65: {  	_ =	sdelay $0x2  }
0x66: {  	s25 =	sadd.s32 $0x100, s25;
	s26 =	sadd.s32 s26, s22  }
0x67: {  	[tilespmem:s23], [sflag:$0x2] =	stream.linear.gather [hbm4b:s26+s2], $0x80, $0x38;
	[tilespmem:$0x18400] =	vst v63  }
0x68: {  	_ =	swait.ge [sflag:s16], $0xC80  }
0x69: {  	[sflag:s16] =	ssyncset.done $0x0  }
0x6a: {  	[sflag:s16] =	ssyncadd.s32 $0xFFFFF380  }
0x6b: {  	_ =	swait.ge [sflag:s16], $0xC80  }
0x6c: {  	[sflag:s16] =	ssyncset.done $0x0  }
0x6d: {  	[sflag:s16] =	ssyncadd.s32 $0xFFFFF380  }
0x6e: {  	s22 =	simm.s32 $0x0;
	s24 =	simm.s32 $0x0;
	_ =	swait.ge [sflag:s16], $0xC80  }
0x6f: {  	s23 =	sand.u32 $0x40, s24;
	s22 =	sand.u32 $0x1F00, s22;
	[sflag:s16] =	ssyncset.done $0x0  }
0x70: {  	s22 =	sor.u32 s23, s22;
	[sflag:s16] =	ssyncadd.s32 $0xFFFFF380  }
0x71: {  	v1 =	vld [tilespmem:s22+$0x13930]  }
0x72: {  	v2 =	vld [tilespmem:s22+$0x13900];
	_ =	sdelay $0x1  }
0x73: {  	v3 =	vld [tilespmem:s22+$0x13910]  }
0x74: {  	v6 =	vld [tilespmem:s22+$0x13920]  }
0x75: {  	v7 =	vand.u32 $0x3FFF, v1  }
0x76: {  	v9 =	vand.u32 $0x3FFF, v2  }
0x77: {  	v8 =	vld [tilespmem:s22+$0x15200]  }
0x78: {  	v10 =	vld [tilespmem:s22+$0x15210];
	v11 =	vand.u32 $0x3FFF, v3  }
0x79: {  	v12 =	vld [tilespmem:s22+$0x15230];
	v5 =	vand.u32 $0x3FFF, v6  }
0x7a: {  	v13 =	vld.idx.msk [tilespmem:v7+s2+$0x0], $0xffff  }
0x7b: {  	v1 =	vshrl.u32 v1, $0xE;
	v15 =	vld.idx.msk [tilespmem:v9+s2+$0x0], $0xffff  }
0x7c: {  	v14 =	vld [tilespmem:s22+$0x15220];
	v16 =	vand.u32 $0x3FFF, v1;
	v1 =	vshrl.u32 v2, $0xE  }
0x7d: {  	v6 =	vshrl.u32 v6, $0xE;
	v4 =	vand.u32 $0x3FFF, v1;
	v17 =	vld.idx.msk [tilespmem:v11+s2+$0x0], $0xffff  }
0x7e: {  	v18 =	vadd.s32 $0x2710, v7;
	v2 =	vshll.u32 v12, $0x10;
	v1 =	vshrl.u32 v3, $0xE;
	v3 =	vld.idx.msk [tilespmem:v5+s2+$0x0], $0xffff  }
0x7f: {  	v19 =	vshll.u32 v8, $0x10;
	v1 =	vand.u32 $0x3FFF, v1;
	v13 =	vmul.f32 v2, v13  }
0x80: {  	v2 =	vand.u32 $0x3FFF, v6;
	v15 =	vmul.f32 v19, v15  }
0x81: {  	v20 =	vshll.u32 v10, $0x10;
	v6 =	vadd.s32 $0x2710, v9;
	[tilespmem:v16+s17+$0x0] =	vst.idx.add.f32.msk $0xffff, v13  }
0x82: {  	v19 =	vshll.u32 v14, $0x10;
	v17 =	vmul.f32 v20, v17;
	v13 =	vadd.s32 $0x2710, v11;
	[tilespmem:v4+s17+$0x0] =	vst.idx.add.f32.msk $0xffff, v15  }
0x83: {  	v3 =	vmul.f32 v19, v3;
	v18 =	vld.idx.msk [tilespmem:v18+s2+$0x0], $0xffff  }
0x84: {  	v20 =	vadd.s32 $0x2710, v5;
	[tilespmem:v1+s17+$0x0] =	vst.idx.add.f32.msk $0xffff, v17  }
0x85: {  	p0 =	por $0x0, $0x0;
	s22 =	simm.s32 $0x1;
	v15 =	vadd.s32 $0x2710, v16;
	[tilespmem:v2+s17+$0x0] =	vst.idx.add.f32.msk $0xffff, v3  }
0x86: {  	s22 =	simm.s32 @!p0 $0x0;
	v3 =	vld.idx.msk [tilespmem:v6+s2+$0x0], $0xffff  }
0x87: {  	s22 =	sshll.u32 s22, $0x6;
	v6 =	vand.u32 $0xFFFF0000, v12;
	v12 =	vadd.s32 $0x4E20, v7;
	v13 =	vld.idx.msk [tilespmem:v13+s2+$0x0], $0xffff  }
0x88: {  	s22 =	sadd.s32 $0x0, s22;
	v17 =	vadd.s32 $0x2710, v4;
	v6 =	vmul.f32 v6, v18  }
0x89: {  	s25 =	sadd.s32 $0x30, s22;
	v19 =	vadd.s32 $0x2710, v1;
	v18 =	vld.idx.msk [tilespmem:v20+s2+$0x0], $0xffff  }
0x8a: {  	s23 =	sor.u32 $0x80, s25;
	[tilespmem:v15+s17+$0x0] =	vst.idx.add.f32.msk $0xffff, v6;
	v6 =	vand.u32 $0xFFFF0000, v8  }
0x8b: {  	v10 =	vand.u32 $0xFFFF0000, v10;
	v8 =	vadd.s32 $0x2710, v2;
	v15 =	vld [tilespmem:s23+$0x15200];
	v3 =	vmul.f32 v6, v3  }
0x8c: {  	v6 =	vld.idx.msk [tilespmem:v12+s2+$0x0], $0xffff;
	v10 =	vmul.f32 v10, v13  }
0x8d: {  	v12 =	vand.u32 $0xFFFF0000, v14;
	v14 =	vadd.s32 $0x4E20, v5;
	[tilespmem:v17+s17+$0x0] =	vst.idx.add.f32.msk $0xffff, v3  }
0x8e: {  	s24 =	sor.u32 $0x80, s22;
	v3 =	vmul.f32 v12, v18;
	v12 =	vadd.s32 $0x4E20, v16;
	[tilespmem:v19+s17+$0x0] =	vst.idx.add.f32.msk $0xffff, v10  }
0x8f: {  	s26 =	sadd.s32 $0x10, s22;
	v7 =	vadd.s32 $0x7530, v7;
	v10 =	vld [tilespmem:s24+$0x15200]  }
0x90: {  	s23 =	sor.u32 $0x80, s26;
	[tilespmem:v8+s17+$0x0] =	vst.idx.add.f32.msk $0xffff, v3;
	v3 =	vshll.u32 v15, $0x10  }
0x91: {  	v8 =	vadd.s32 $0x4E20, v9;
	v13 =	vld [tilespmem:s23+$0x15200];
	v3 =	vmul.f32 v3, v6  }
0x92: {  	v14 =	vld.idx.msk [tilespmem:v14+s2+$0x0], $0xffff;
	v6 =	vadd.s32 $0x4E20, v11  }
0x93: {  	s22 =	sadd.s32 $0x20, s22;
	[tilespmem:v12+s17+$0x0] =	vst.idx.add.f32.msk $0xffff, v3  }
0x94: {  	s22 =	sor.u32 $0x80, s22;
	v3 =	vld.idx.msk [tilespmem:v7+s2+$0x0], $0xffff  }
0x95: {  	s23 =	simm.s32 $0x80;
	v7 =	vld [tilespmem:s22+$0x15200];
	s22 =	simm.s32 $0x40  }
0x96: {  	s25 =	sand.u32 $0x1F00, s23;
	v8 =	vld.idx.msk [tilespmem:v8+s2+$0x0], $0xffff;
	s28 =	sand.u32 $0x40, s22  }
0x97: {  	v12 =	vadd.s32 $0x7530, v16;
	v6 =	vld.idx.msk [tilespmem:v6+s2+$0x0], $0xffff;
	s24 =	sor.u32 s28, s25  }
0x98: {  	v16 =	vld [tilespmem:s24+$0x13930]  }
0x99: {  	v15 =	vand.u32 $0xFFFF0000, v15;
	v17 =	vld [tilespmem:s24+$0x13920]  }
0x9a: {  	v3 =	vmul.f32 v15, v3;
	v15 =	vld [tilespmem:s24+$0x13900]  }
0x9b: {  	v26 =	vadd.s32 $0x4E20, v2;
	v19 =	vld [tilespmem:s24+$0x15200]  }
0x9c: {  	[tilespmem:v12+s17+$0x0] =	vst.idx.add.f32.msk $0xffff, v3;
	v3 =	vadd.s32 $0x4E20, v4  }
0x9d: {  	v28 =	vshll.u32 v7, $0x10;
	v12 =	vld [tilespmem:s24+$0x13910]  }
0x9e: {  	v18 =	vshll.u32 v10, $0x10;
	v22 =	vld [tilespmem:s24+$0x15210];
	v14 =	vmul.f32 v28, v14;
	v20 =	vand.u32 $0x3FFF, v16  }
0x9f: {  	v23 =	vld [tilespmem:s24+$0x15220];
	v8 =	vmul.f32 v18, v8;
	v21 =	vand.u32 $0x3FFF, v15  }
0xa0: {  	v18 =	vadd.s32 $0x4E20, v1;
	[tilespmem:v26+s17+$0x0] =	vst.idx.add.f32.msk $0xffff, v14  }
0xa1: {  	v25 =	vand.u32 $0x3FFF, v17;
	[tilespmem:v3+s17+$0x0] =	vst.idx.add.f32.msk $0xffff, v8  }
0xa2: {  	v24 =	vand.u32 $0x3FFF, v12;
	v3 =	vshll.u32 v13, $0x10;
	v8 =	vld [tilespmem:s24+$0x15230]  }
0xa3: {  	v5 =	vadd.s32 $0x7530, v5;
	v3 =	vmul.f32 v3, v6;
	v6 =	vld.idx.msk [tilespmem:v20+s2+$0x0], $0xffff  }
0xa4: {  	v9 =	vadd.s32 $0x7530, v9;
	v27 =	vld.idx.msk [tilespmem:v21+s2+$0x0], $0xffff  }
0xa5: {  	v11 =	vadd.s32 $0x7530, v11;
	v16 =	vshrl.u32 v16, $0xE;
	[tilespmem:v18+s17+$0x0] =	vst.idx.add.f32.msk $0xffff, v3  }
0xa6: {  	v3 =	vand.u32 $0x3FFF, v16;
	v16 =	vld.idx.msk [tilespmem:v25+s2+$0x0], $0xffff  }
0xa7: {  	v60 =	vadd.s32 $0x2710, v20;
	v15 =	vshrl.u32 v15, $0xE;
	v18 =	vld.idx.msk [tilespmem:v24+s2+$0x0], $0xffff  }
0xa8: {  	v14 =	vshrl.u32 v17, $0xE;
	v63 =	vld.idx.msk [tilespmem:v5+s2+$0x0], $0xffff;
	v15 =	vand.u32 $0x3FFF, v15;
	v29 =	vshll.u32 v8, $0x10  }
0xa9: {  	v26 =	vand.u32 $0x3FFF, v14;
	v12 =	vshrl.u32 v12, $0xE;
	v9 =	vld.idx.msk [tilespmem:v9+s2+$0x0], $0xffff;
	v6 =	vmul.f32 v29, v6  }
0xaa: {  	v17 =	vshll.u32 v19, $0x10;
	v14 =	vshll.u32 v22, $0x10;
	v12 =	vand.u32 $0x3FFF, v12;
	v61 =	vld.idx.msk [tilespmem:v11+s2+$0x0], $0xffff  }
0xab: {  	v11 =	vadd.s32 $0x2710, v21;
	v17 =	vmul.f32 v17, v27;
	[tilespmem:v3+s17+$0x0] =	vst.idx.add.f32.msk $0xffff, v6;
	v27 =	vshll.u32 v23, $0x10  }
0xac: {  	v6 =	vadd.s32 $0x2710, v24;
	v16 =	vmul.f32 v27, v16;
	v14 =	vmul.f32 v14, v18;
	v18 =	vld.idx.msk [tilespmem:v60+s2+$0x0], $0xffff  }
0xad: {  	v4 =	vadd.s32 $0x7530, v4;
	[tilespmem:v15+s17+$0x0] =	vst.idx.add.f32.msk $0xffff, v17  }
0xae: {  	v62 =	vadd.s32 $0x2710, v25;
	[tilespmem:v26+s17+$0x0] =	vst.idx.add.f32.msk $0xffff, v16  }
0xaf: {  	p0 =	por !p0, !p0;
	v5 =	vand.u32 $0xFFFF0000, v10;
	s24 =	simm.s32 $0x1;
	[tilespmem:v12+s17+$0x0] =	vst.idx.add.f32.msk $0xffff, v14;
	v14 =	vadd.s32 $0x2710, v3  }
0xb0: {  	s24 =	simm.s32 @!p0 $0x0;
	v5 =	vmul.f32 v5, v9;
	v11 =	vld.idx.msk [tilespmem:v11+s2+$0x0], $0xffff  }
0xb1: {  	s24 =	sshll.u32 s24, $0x6;
	v8 =	vand.u32 $0xFFFF0000, v8;
	v16 =	vadd.s32 $0x4E20, v20;
	v6 =	vld.idx.msk [tilespmem:v6+s2+$0x0], $0xffff  }
0xb2: {  	s24 =	sadd.s32 $0x80, s24;
	[tilespmem:v4+s17+$0x0] =	vst.idx.add.f32.msk $0xffff, v5;
	v27 =	vadd.s32 $0x2710, v15;
	v8 =	vmul.f32 v8, v18  }
0xb3: {  	v10 =	vadd.s32 $0x2710, v12;
	s29 =	sadd.s32 $0x30, s24;
	v17 =	vld.idx.msk [tilespmem:v62+s2+$0x0], $0xffff  }
0xb4: {  	s25 =	sor.u32 $0x80, s29;
	[tilespmem:v14+s17+$0x0] =	vst.idx.add.f32.msk $0xffff, v8;
	v8 =	vand.u32 $0xFFFF0000, v19  }
0xb5: {  	v9 =	vand.u32 $0xFFFF0000, v22;
	v18 =	vld [tilespmem:s25+$0x15200];
	v8 =	vmul.f32 v8, v11  }
0xb6: {  	v14 =	vadd.s32 $0x2710, v26;
	v11 =	vld.idx.msk [tilespmem:v16+s2+$0x0], $0xffff;
	v6 =	vmul.f32 v9, v6  }
0xb7: {  	[tilespmem:v27+s17+$0x0] =	vst.idx.add.f32.msk $0xffff, v8  }
0xb8: {  	s30 =	sadd.s32 $0x10, s24;
	s31 =	sor.u32 $0x80, s24;
	v16 =	vand.u32 $0xFFFF0000, v23;
	[tilespmem:v10+s17+$0x0] =	vst.idx.add.f32.msk $0xffff, v6  }
0xb9: {  	v2 =	vadd.s32 $0x7530, v2;
	s25 =	sor.u32 $0x80, s30;
	v4 =	vmul.f32 v16, v17;
	v16 =	vadd.s32 $0x4E20, v3;
	v27 =	vld [tilespmem:s31+$0x15200]  }
0xba: {  	v1 =	vadd.s32 $0x7530, v1;
	v13 =	vand.u32 $0xFFFF0000, v13;
	v23 =	vadd.s32 $0x4E20, v21;
	v31 =	vld [tilespmem:s25+$0x15200]  }
0xbb: {  	v30 =	vadd.s32 $0x4E20, v24;
	s24 =	sadd.s32 $0x20, s24;
	v19 =	vadd.s32 $0x7530, v20;
	[tilespmem:v14+s17+$0x0] =	vst.idx.add.f32.msk $0xffff, v4;
	v4 =	vshll.u32 v18, $0x10  }
0xbc: {  	s24 =	sor.u32 $0x80, s24;
	v5 =	vadd.s32 $0x7530, v24;
	v20 =	vand.u32 $0xFFFF0000, v7;
	v7 =	vmul.f32 v4, v11  }
0xbd: {  	v9 =	vadd.s32 $0x4E20, v12;
	v20 =	vmul.f32 v20, v63;
	v17 =	vadd.s32 $0x4E20, v25;
	v11 =	vld [tilespmem:s24+$0x15200]  }
0xbe: {  	v10 =	vadd.s32 $0x4E20, v15;
	v6 =	vadd.s32 $0x4E20, v26;
	v8 =	vadd.s32 $0x7530, v21;
	[tilespmem:v16+s17+$0x0] =	vst.idx.add.f32.msk $0xffff, v7  }
0xbf: {  	v14 =	vadd.s32 $0x7530, v12;
	v4 =	vadd.s32 $0x7530, v15;
	v15 =	vadd.s32 $0x7530, v26;
	v16 =	vld.idx.msk [tilespmem:v23+s2+$0x0], $0xffff  }
0xc0: {  	v7 =	vadd.s32 $0x7530, v25;
	v22 =	vshll.u32 v27, $0x10;
	v23 =	vshll.u32 v31, $0x10;
	v21 =	vld.idx.msk [tilespmem:v19+s2+$0x0], $0xffff  }
0xc1: {  	v24 =	vld.idx.msk [tilespmem:v30+s2+$0x0], $0xffff;
	v12 =	vand.u32 $0xFFFF0000, v31;
	v19 =	vmul.f32 v13, v61;
	v13 =	vand.u32 $0xFFFF0000, v27  }
.LBB2_18:
0xc2: {  	s22 =	sadd.s32 $0x40, s22;
	v25 =	vshll.u32 v11, $0x10;
	v11 =	vand.u32 $0xFFFF0000, v11;
	v17 =	vld.idx.msk [tilespmem:v17+s2+$0x0], $0xffff;
	v3 =	vadd.s32 $0x7530, v3;
	s23 =	sadd.s32 $0x80, s23  }
0xc3: {  	s24 =	sand.u32 $0x40, s22;
	s25 =	sand.u32 $0x1F00, s23;
	p1 =	slt.u32 s22, $0xC40;
	[tilespmem:v1+s17+$0x0] =	vst.idx.add.f32.msk $0xffff, v19;
	v1 =	vmov v14  }
0xc4: {  	v14 =	vand.u32 $0xFFFF0000, v18;
	s24 =	sor.u32 s24, s25;
	[tilespmem:v2+s17+$0x0] =	vst.idx.add.f32.msk $0xffff, v20;
	v2 =	vmov v15  }
0xc5: {  	v14 =	vmul.f32 v14, v21;
	v15 =	vld [tilespmem:s24+$0x13930]  }
0xc6: {  	v19 =	vmul.f32 v22, v16;
	v18 =	vld [tilespmem:s24+$0x13900]  }
0xc7: {  	v20 =	vmul.f32 v23, v24;
	[tilespmem:v3+s17+$0x0] =	vst.idx.add.f32.msk $0xffff, v14  }
0xc8: {  	v14 =	vmul.f32 v25, v17;
	v3 =	vld [tilespmem:s24+$0x13910]  }
0xc9: {  	v17 =	vld [tilespmem:s24+$0x13920]  }
0xca: {  	v21 =	vld [tilespmem:s24+$0x15200];
	v22 =	vand.u32 $0x3FFF, v15  }
0xcb: {  	v23 =	vand.u32 $0x3FFF, v18;
	v16 =	vshrl.u32 v18, $0xE;
	v18 =	vld [tilespmem:s24+$0x15210]  }
0xcc: {  	v24 =	vand.u32 $0x3FFF, v16;
	v25 =	vadd.s32 $0x2710, v23;
	v16 =	vadd.s32 $0x4E20, v23;
	v26 =	vld [tilespmem:s24+$0x15220]  }
0xcd: {  	v27 =	vadd.s32 $0x2710, v24;
	v28 =	vand.u32 $0x3FFF, v3;
	v3 =	vshrl.u32 v3, $0xE;
	[tilespmem:v10+s17+$0x0] =	vst.idx.add.f32.msk $0xffff, v19  }
0xce: {  	v19 =	vand.u32 $0x3FFF, v3;
	v29 =	vand.u32 $0x3FFF, v17;
	v3 =	vshrl.u32 v17, $0xE;
	v30 =	vld [tilespmem:s24+$0x15230]  }
0xcf: {  	v32 =	vadd.s32 $0x2710, v28;
	v31 =	vshll.u32 v21, $0x10;
	v33 =	vand.u32 $0x3FFF, v3;
	v34 =	vld.idx.msk [tilespmem:v22+s2+$0x0], $0xffff  }
0xd0: {  	v21 =	vand.u32 $0xFFFF0000, v21;
	v37 =	vadd.s32 $0x2710, v29;
	v35 =	vld.idx.msk [tilespmem:v23+s2+$0x0], $0xffff;
	v36 =	vshll.u32 v18, $0x10  }
0xd1: {  	v3 =	vshrl.u32 v15, $0xE;
	v38 =	vand.u32 $0xFFFF0000, v18;
	v18 =	vshll.u32 v26, $0x10;
	[tilespmem:v9+s17+$0x0] =	vst.idx.add.f32.msk $0xffff, v20  }
0xd2: {  	v3 =	vand.u32 $0x3FFF, v3;
	v20 =	vadd.s32 $0x2710, v19;
	v26 =	vand.u32 $0xFFFF0000, v26;
	v15 =	vld.idx.msk [tilespmem:v28+s2+$0x0], $0xffff  }
0xd3: {  	v42 =	vadd.s32 $0x2710, v22;
	v39 =	vadd.s32 $0x4E20, v28;
	v41 =	vadd.s32 $0x2710, v33;
	v40 =	vld.idx.msk [tilespmem:v29+s2+$0x0], $0xffff  }
0xd4: {  	v10 =	vadd.s32 $0x4E20, v24;
	v17 =	vadd.s32 $0x4E20, v29;
	v43 =	vshll.u32 v30, $0x10;
	[tilespmem:v6+s17+$0x0] =	vst.idx.add.f32.msk $0xffff, v14  }
0xd5: {  	v9 =	vadd.s32 $0x4E20, v19;
	v6 =	vadd.s32 $0x4E20, v33;
	v34 =	vmul.f32 v43, v34;
	v43 =	vld.idx.msk [tilespmem:v8+s2+$0x0], $0xffff  }
0xd6: {  	v31 =	vmul.f32 v31, v35;
	v8 =	vadd.s32 $0x7530, v23;
	v23 =	vld.idx.msk [tilespmem:v5+s2+$0x0], $0xffff;
	v5 =	vadd.s32 $0x7530, v28  }
0xd7: {  	v29 =	vadd.s32 $0x7530, v29;
	v14 =	vadd.s32 $0x7530, v19;
	v28 =	vadd.s32 $0x7530, v24;
	[tilespmem:v3+s17+$0x0] =	vst.idx.add.f32.msk $0xffff, v34  }
0xd8: {  	v34 =	vmul.f32 v36, v15;
	v15 =	vadd.s32 $0x7530, v33;
	v35 =	vld.idx.msk [tilespmem:v42+s2+$0x0], $0xffff  }
0xd9: {  	v18 =	vmul.f32 v18, v40;
	[tilespmem:v24+s17+$0x0] =	vst.idx.add.f32.msk $0xffff, v31  }
0xda: {  	[tilespmem:v19+s17+$0x0] =	vst.idx.add.f32.msk $0xffff, v34  }
0xdb: {  	p0 =	por !p0, !p0;
	s24 =	simm.s32 $0x1;
	v13 =	vmul.f32 v13, v43;
	[tilespmem:v33+s17+$0x0] =	vst.idx.add.f32.msk $0xffff, v18;
	v18 =	vadd.s32 $0x2710, v3  }
0xdc: {  	s24 =	simm.s32 @!p0 $0x0;
	v19 =	vmul.f32 v12, v23;
	v24 =	vld.idx.msk [tilespmem:v25+s2+$0x0], $0xffff  }
0xdd: {  	s24 =	sshll.u32 s24, $0x6;
	v23 =	vand.u32 $0xFFFF0000, v30;
	v25 =	vadd.s32 $0x4E20, v22;
	v12 =	vld.idx.msk [tilespmem:v32+s2+$0x0], $0xffff  }
0xde: {  	s24 =	sadd.s32 s24, s23;
	v23 =	vmul.f32 v23, v35;
	v30 =	vld.idx.msk [tilespmem:v37+s2+$0x0], $0xffff  }
0xdf: {  	s25 =	sadd.s32 $0x10, s24;
	s26 =	sadd.s32 $0x20, s24;
	s28 =	sadd.s32 $0x30, s24;
	v31 =	vld.idx.msk [tilespmem:v7+s2+$0x0], $0xffff;
	v7 =	vmov v29  }
0xe0: {  	s25 =	sor.u32 $0x80, s25;
	s26 =	sor.u32 $0x80, s26;
	s28 =	sor.u32 $0x80, s28;
	[tilespmem:v18+s17+$0x0] =	vst.idx.add.f32.msk $0xffff, v23  }
0xe1: {  	s24 =	sor.u32 $0x80, s24;
	v18 =	vld [tilespmem:s28+$0x15200]  }
0xe2: {  	v21 =	vmul.f32 v21, v24;
	v23 =	vld.idx.msk [tilespmem:v25+s2+$0x0], $0xffff  }
0xe3: {  	v12 =	vmul.f32 v38, v12;
	[tilespmem:v4+s17+$0x0] =	vst.idx.add.f32.msk $0xffff, v13;
	v4 =	vmov v28  }
0xe4: {  	v13 =	vmul.f32 v26, v30;
	[tilespmem:v27+s17+$0x0] =	vst.idx.add.f32.msk $0xffff, v21  }
0xe5: {  	[tilespmem:v20+s17+$0x0] =	vst.idx.add.f32.msk $0xffff, v12;
	v12 =	vadd.s32 $0x4E20, v3;
	v20 =	vmul.f32 v11, v31  }
0xe6: {  	[tilespmem:v41+s17+$0x0] =	vst.idx.add.f32.msk $0xffff, v13;
	v13 =	vadd.s32 $0x7530, v22  }
0xe7: {  	v11 =	vshll.u32 v18, $0x10;
	v24 =	vld [tilespmem:s24+$0x15200]  }
0xe8: {  	v21 =	vmul.f32 v11, v23;
	v25 =	vld [tilespmem:s25+$0x15200]  }
.Ltmp8:
0xe9: {  	v11 =	vld [tilespmem:s26+$0x15200];
	(pc) =	sbr.rel @p1 .LBB2_18-.Ltmp8, $4  }
0xea: {  	[tilespmem:v12+s17+$0x0] =	vst.idx.add.f32.msk $0xffff, v21  }
0xeb: {  	v21 =	vld.idx.msk [tilespmem:v13+s2+$0x0], $0xffff  }
0xec: {  	v22 =	vshll.u32 v24, $0x10;
	v13 =	vand.u32 $0xFFFF0000, v24;
	v16 =	vld.idx.msk [tilespmem:v16+s2+$0x0], $0xffff  }
0xed: {  	v23 =	vshll.u32 v25, $0x10;
	v12 =	vand.u32 $0xFFFF0000, v25;
	v24 =	vld.idx.msk [tilespmem:v39+s2+$0x0], $0xffff  }
0xee: {  	_ =	sdelay $0x3  }
0xef: {  	v17 =	vld.idx.msk [tilespmem:v17+s2+$0x0], $0xffff;
	_ =	sdelay $0x1  }
0xf0: {  	v16 =	vmul.f32 v22, v16  }
0xf1: {  	v23 =	vmul.f32 v23, v24  }
0xf2: {  	v60 =	vshll.u32 v11, $0x10;
	[tilespmem:v10+s17+$0x0] =	vst.idx.add.f32.msk $0xffff, v16  }
0xf3: {  	v17 =	vmul.f32 v60, v17;
	[tilespmem:v9+s17+$0x0] =	vst.idx.add.f32.msk $0xffff, v23  }
0xf4: {  	v61 =	vld.idx.msk [tilespmem:v8+s2+$0x0], $0xffff  }
0xf5: {  	[tilespmem:v6+s17+$0x0] =	vst.idx.add.f32.msk $0xffff, v17  }
0xf6: {  	v3 =	vadd.s32 $0x7530, v3;
	v5 =	vld.idx.msk [tilespmem:v5+s2+$0x0], $0xffff  }
0xf7: {  	v7 =	vld.idx.msk [tilespmem:v7+s2+$0x0], $0xffff  }
0xf8: {  	v62 =	vand.u32 $0xFFFF0000, v18  }
0xf9: {  	[tilespmem:v1+s17+$0x0] =	vst.idx.add.f32.msk $0xffff, v19;
	p0 =	seq.s32 s20, $0x18;
	v1 =	vmul.f32 v62, v21  }
.Ltmp9:
0xfa: {  	[tilespmem:v2+s17+$0x0] =	vst.idx.add.f32.msk $0xffff, v20;
	v2 =	vmul.f32 v13, v61;
	(pc) =	sbr.rel @p0 .LBB2_27-.Ltmp9, $4  }
0xfb: {  	v63 =	vand.u32 $0xFFFF0000, v11;
	[tilespmem:v3+s17+$0x0] =	vst.idx.add.f32.msk $0xffff, v1;
	v1 =	vmul.f32 v12, v5  }
0xfc: {  	[tilespmem:v4+s17+$0x0] =	vst.idx.add.f32.msk $0xffff, v2;
	v2 =	vmul.f32 v63, v7  }
0xfd: {  	[tilespmem:v14+s17+$0x0] =	vst.idx.add.f32.msk $0xffff, v1  }
0xfe: {  	[tilespmem:v15+s17+$0x0] =	vst.idx.add.f32.msk $0xffff, v2  }
0xff: {  	s21 =	sadd.s32 s21, s12  }
0x100: {  	s22 =	smulhi.u32 $0x51EB851F, s21;
	_ =	sdelay $0x1  }
0x101: {  	s22 =	sshrl.u32 s22, $0x4  }
0x102: {  	s22 =	smul.u32 $0x32, s22;
	_ =	sdelay $0x1  }
0x103: {  	s21 =	ssub.s32 s21, s22  }
0x104: {  	s21 =	smul.u32 $0xC80, s21;
	_ =	sdelay $0x1  }
0x105: {  	s31 =	sshrl.u32 s21, $0x3  }
0x106: {  	s22 =	sadd.s32 s5, s31  }
0x107: {  	s23 =	simm.s32 $0x13900;
	s22 =	sadd.s32 $0x4E20, s22  }
0x108: {  	s24 =	simm.s32 $0x10;
	s25 =	simm.s32 $0x13A00;
	s26 =	sadd.s32 $0x0, s22  }
.LBB2_21:
0x109: {  	[tilespmem:s23], [sflag:$0x1] =	stream.linear.gather [hbm4b:s26+s2], $0x80, $0x38;
	[tilespmem:$0x18400] =	vst v63  }
0x10a: {  	s26 =	smov.u32 s24;
	s23 =	smov.u32 s25;
	p0 =	sne.s32 s24, $0x180  }
.Ltmp10:
0x10b: {  	s24 =	sadd.s32 $0x10, s24;
	(pc) =	sbr.rel @p0 .LBB2_21-.Ltmp10, $2  }
0x10c: {  	_ =	sdelay $0x2  }
0x10d: {  	s25 =	sadd.s32 $0x100, s25;
	s26 =	sadd.s32 s26, s22  }
0x10e: {  	[tilespmem:s23], [sflag:$0x1] =	stream.linear.gather [hbm4b:s26+s2], $0x80, $0x38;
	[tilespmem:$0x18400] =	vst v63  }
0x10f: {  	s22 =	sadd.s32 s3, s21  }
0x110: {  	s22 =	sshrl.u32 s22, $0x3  }
0x111: {  	s23 =	simm.s32 $0x15200;
	s22 =	sadd.s32 s4, s22  }
0x112: {  	s24 =	simm.s32 $0x10;
	s25 =	simm.s32 $0x15300;
	s26 =	sadd.s32 $0x0, s22  }
.LBB2_23:
0x113: {  	[tilespmem:s23], [sflag:$0x1] =	stream.linear.gather [hbm4b:s26+s2], $0x80, $0x38;
	[tilespmem:$0x18400] =	vst v63  }
0x114: {  	s26 =	smov.u32 s24;
	s23 =	smov.u32 s25;
	p0 =	sne.s32 s24, $0x180  }
.Ltmp11:
0x115: {  	s24 =	sadd.s32 $0x10, s24;
	(pc) =	sbr.rel @p0 .LBB2_23-.Ltmp11, $2  }
0x116: {  	_ =	sdelay $0x2  }
0x117: {  	s25 =	sadd.s32 $0x100, s25;
	s26 =	sadd.s32 s26, s22  }
0x118: {  	[tilespmem:s23], [sflag:$0x1] =	stream.linear.gather [hbm4b:s26+s2], $0x80, $0x38;
	[tilespmem:$0x18400] =	vst v63  }
0x119: {  	s21 =	sadd.s32 s6, s21  }
0x11a: {  	s21 =	sshrl.u32 s21, $0x3  }
0x11b: {  	s22 =	simm.s32 $0x15280;
	s21 =	sadd.s32 s4, s21  }
0x11c: {  	s23 =	simm.s32 $0x10;
	s24 =	simm.s32 $0x15380;
	s25 =	sadd.s32 $0x0, s21  }
.LBB2_25:
0x11d: {  	[tilespmem:s22], [sflag:$0x1] =	stream.linear.gather [hbm4b:s25+s2], $0x80, $0x38;
	[tilespmem:$0x18400] =	vst v63  }
0x11e: {  	s25 =	smov.u32 s23;
	s22 =	smov.u32 s24;
	p0 =	sne.s32 s23, $0x180  }
.Ltmp12:
0x11f: {  	s23 =	sadd.s32 $0x10, s23;
	(pc) =	sbr.rel @p0 .LBB2_25-.Ltmp12, $2  }
0x120: {  	_ =	sdelay $0x2  }
0x121: {  	s24 =	sadd.s32 $0x100, s24;
	s25 =	sadd.s32 s25, s21  }
0x122: {  	[tilespmem:s22], [sflag:$0x1] =	stream.linear.gather [hbm4b:s25+s2], $0x80, $0x38;
	[tilespmem:$0x18400] =	vst v63  }
.LBB2_27:
0x123: {  	_ =	swait.ge [sflag:s18], $0xC80  }
0x124: {  	[sflag:s18] =	ssyncset.done $0x0  }
0x125: {  	[sflag:s18] =	ssyncadd.s32 $0xFFFFF380  }
0x126: {  	p0 =	por $0x0, $0x0;
	s21 =	simm.s32 $0x1;
	_ =	swait.ge [sflag:s18], $0xC80  }
0x127: {  	s21 =	simm.s32 @!p0 $0x0;
	[sflag:s18] =	ssyncset.done $0x0  }
0x128: {  	s21 =	sshll.u32 s21, $0x6;
	[sflag:s18] =	ssyncadd.s32 $0xFFFFF380  }
0x129: {  	s24 =	sadd.s32 $0x0, s21;
	_ =	swait.ge [sflag:s18], $0xC80  }
0x12a: {  	s21 =	sadd.s32 $0x30, s24;
	[sflag:s18] =	ssyncset.done $0x0  }
0x12b: {  	s21 =	sor.u32 $0x80, s21;
	[sflag:s18] =	ssyncadd.s32 $0xFFFFF380  }
0x12c: {  	v1 =	vld [tilespmem:s21+$0x13900];
	_ =	sdelay $0x1  }
0x12d: {  	s22 =	sadd.s32 $0x20, s24  }
0x12e: {  	s30 =	sadd.s32 $0x10, s24;
	s22 =	sor.u32 $0x80, s22  }
0x12f: {  	s21 =	sor.u32 $0x80, s30;
	v3 =	vld [tilespmem:s22+$0x13900]  }
0x130: {  	s22 =	simm.s32 $0x0;
	v2 =	vld [tilespmem:s21+$0x13900];
	s21 =	simm.s32 $0x0;
	v4 =	vand.u32 $0x3FFF, v1  }
0x131: {  	s23 =	sand.u32 $0x40, s22;
	s26 =	sand.u32 $0x1F00, s21  }
0x132: {  	s24 =	sor.u32 $0x80, s24;
	s29 =	sor.u32 $0x30, s23;
	s28 =	sadd.s32 $0x16B00, s26  }
0x133: {  	v5 =	vld [tilespmem:s24+$0x13900];
	s31 =	sor.u32 s29, s28  }
0x134: {  	v7 =	vld [tilespmem:s31+$0x0];
	v15 =	vand.u32 $0x3FFF, v3  }
0x135: {  	s25 =	sor.u32 $0x10, s23;
	v8 =	vand.u32 $0x3FFF, v2;
	v9 =	vld.idx.msk [tilespmem:v4+s2+$0x0], $0xffff  }
0x136: {  	s1 =	sor.u32 $0x20, s23;
	s30 =	sor.u32 s25, s28;
	v1 =	vshrl.u32 v1, $0xE  }
0x137: {  	s31 =	sor.u32 s1, s28;
	v10 =	vld [tilespmem:s30+$0x0];
	v6 =	vand.u32 $0x3FFF, v1  }
0x138: {  	v1 =	vld [tilespmem:s31+$0x0];
	v11 =	vadd.s32 $0x2710, v4  }
0x139: {  	v13 =	vshll.u32 v7, $0x10;
	v14 =	vld.idx.msk [tilespmem:v15+s2+$0x0], $0xffff  }
0x13a: {  	v19 =	vand.u32 $0x3FFF, v5;
	v3 =	vshrl.u32 v3, $0xE;
	v12 =	vld.idx.msk [tilespmem:v8+s2+$0x0], $0xffff;
	v9 =	vmul.f32 v13, v9  }
0x13b: {  	v2 =	vshrl.u32 v2, $0xE;
	v3 =	vand.u32 $0x3FFF, v3  }
0x13c: {  	v2 =	vand.u32 $0x3FFF, v2;
	[tilespmem:v6+s17+$0x0] =	vst.idx.add.f32.msk $0xffff, v9  }
0x13d: {  	s28 =	sor.u32 s23, s28;
	v17 =	vshll.u32 v1, $0x10;
	v9 =	vadd.s32 $0x2710, v8;
	v11 =	vld.idx.msk [tilespmem:v11+s2+$0x0], $0xffff  }
0x13e: {  	v16 =	vadd.s32 $0x2710, v15;
	v20 =	vld [tilespmem:s28+$0x0];
	v13 =	vshll.u32 v10, $0x10;
	v14 =	vmul.f32 v17, v14  }
0x13f: {  	v17 =	vadd.s32 $0x2710, v6;
	v12 =	vmul.f32 v13, v12;
	v13 =	vld.idx.msk [tilespmem:v19+s2+$0x0], $0xffff  }
0x140: {  	[tilespmem:v3+s17+$0x0] =	vst.idx.add.f32.msk $0xffff, v14  }
0x141: {  	v5 =	vshrl.u32 v5, $0xE;
	v7 =	vand.u32 $0xFFFF0000, v7;
	[tilespmem:v2+s17+$0x0] =	vst.idx.add.f32.msk $0xffff, v12;
	v12 =	vadd.s32 $0x4E20, v4  }
0x142: {  	v21 =	vand.u32 $0x3FFF, v5;
	v5 =	vld.idx.msk [tilespmem:v9+s2+$0x0], $0xffff;
	v7 =	vmul.f32 v7, v11  }
0x143: {  	s26 =	sadd.s32 $0x16B80, s26;
	v9 =	vadd.s32 $0x2710, v19;
	v11 =	vld.idx.msk [tilespmem:v16+s2+$0x0], $0xffff  }
0x144: {  	s31 =	sor.u32 s29, s26;
	v18 =	vadd.s32 $0x2710, v2;
	v14 =	vshll.u32 v20, $0x10;
	[tilespmem:v17+s17+$0x0] =	vst.idx.add.f32.msk $0xffff, v7  }
0x145: {  	v13 =	vmul.f32 v14, v13;
	v7 =	vadd.s32 $0x2710, v3;
	v16 =	vld [tilespmem:s31+$0x0]  }
0x146: {  	v10 =	vand.u32 $0xFFFF0000, v10;
	v22 =	vld.idx.msk [tilespmem:v12+s2+$0x0], $0xffff  }
0x147: {  	v1 =	vand.u32 $0xFFFF0000, v1;
	[tilespmem:v21+s17+$0x0] =	vst.idx.add.f32.msk $0xffff, v13;
	v5 =	vmul.f32 v10, v5  }
0x148: {  	v24 =	vadd.s32 $0x4E20, v6;
	v23 =	vld.idx.msk [tilespmem:v9+s2+$0x0], $0xffff;
	v1 =	vmul.f32 v1, v11  }
0x149: {  	v25 =	vadd.s32 $0x7530, v4;
	v4 =	vadd.s32 $0x7530, v15;
	v14 =	vadd.s32 $0x2710, v21;
	[tilespmem:v18+s17+$0x0] =	vst.idx.add.f32.msk $0xffff, v5  }
0x14a: {  	s25 =	sor.u32 s25, s26;
	v13 =	vadd.s32 $0x4E20, v15;
	v15 =	vand.u32 $0xFFFF0000, v20;
	[tilespmem:v7+s17+$0x0] =	vst.idx.add.f32.msk $0xffff, v1;
	v1 =	vshll.u32 v16, $0x10  }
0x14b: {  	s24 =	sor.u32 s1, s26;
	v12 =	vadd.s32 $0x4E20, v19;
	v9 =	vadd.s32 $0x4E20, v2;
	v17 =	vld [tilespmem:s25+$0x0];
	v1 =	vmul.f32 v1, v22  }
0x14c: {  	v10 =	vadd.s32 $0x4E20, v3;
	v2 =	vadd.s32 $0x7530, v2;
	v3 =	vadd.s32 $0x7530, v3;
	v18 =	vld [tilespmem:s24+$0x0]  }
0x14d: {  	v11 =	vadd.s32 $0x4E20, v8;
	v8 =	vadd.s32 $0x7530, v8;
	v5 =	vadd.s32 $0x7530, v19;
	[tilespmem:v24+s17+$0x0] =	vst.idx.add.f32.msk $0xffff, v1  }
0x14e: {  	p0 =	por !p0, !p0;
	s23 =	sor.u32 s23, s26;
	v7 =	vadd.s32 $0x4E20, v21;
	v19 =	vmul.f32 v15, v23;
	v1 =	vadd.s32 $0x7530, v21;
	v15 =	vld.idx.msk [tilespmem:v25+s2+$0x0], $0xffff  }
.LBB2_28:
0x14f: {  	s24 =	simm.s32 $0x1  }
0x150: {  	[tilespmem:v14+s17+$0x0] =	vst.idx.add.f32.msk $0xffff, v19;
	s24 =	simm.s32 @!p0 $0x0  }
0x151: {  	s21 =	sadd.s32 $0x80, s21;
	v19 =	vshll.u32 v17, $0x10;
	v17 =	vand.u32 $0xFFFF0000, v17;
	s24 =	sshll.u32 s24, $0x6;
	v14 =	vld [tilespmem:s23+$0x0]  }
0x152: {  	v6 =	vadd.s32 $0x7530, v6;
	v20 =	vshll.u32 v18, $0x10;
	v18 =	vand.u32 $0xFFFF0000, v18;
	s23 =	sadd.s32 s24, s21;
	v11 =	vld.idx.msk [tilespmem:v11+s2+$0x0], $0xffff  }
0x153: {  	s24 =	sadd.s32 $0x10, s23;
	s25 =	sadd.s32 $0x20, s23;
	s26 =	sadd.s32 $0x30, s23;
	v13 =	vld.idx.msk [tilespmem:v13+s2+$0x0], $0xffff  }
0x154: {  	v16 =	vand.u32 $0xFFFF0000, v16;
	s24 =	sor.u32 $0x80, s24;
	s25 =	sor.u32 $0x80, s25;
	s26 =	sor.u32 $0x80, s26;
	v12 =	vld.idx.msk [tilespmem:v12+s2+$0x0], $0xffff  }
0x155: {  	s23 =	sor.u32 $0x80, s23;
	v15 =	vmul.f32 v16, v15;
	v21 =	vld [tilespmem:s26+$0x13900]  }
0x156: {  	v16 =	vld [tilespmem:s24+$0x13900];
	v22 =	vshll.u32 v14, $0x10;
	v23 =	vand.u32 $0xFFFF0000, v14  }
0x157: {  	[tilespmem:v6+s17+$0x0] =	vst.idx.add.f32.msk $0xffff, v15  }
0x158: {  	v11 =	vmul.f32 v19, v11;
	v6 =	vld [tilespmem:s25+$0x13900]  }
0x159: {  	v13 =	vmul.f32 v20, v13;
	v14 =	vld [tilespmem:s23+$0x13900]  }
0x15a: {  	s22 =	sadd.s32 $0x40, s22;
	v12 =	vmul.f32 v22, v12;
	v15 =	vand.u32 $0x3FFF, v21;
	[tilespmem:v9+s17+$0x0] =	vst.idx.add.f32.msk $0xffff, v11  }
0x15b: {  	p1 =	slt.u32 s22, $0xC40;
	s24 =	sand.u32 $0x1F00, s21;
	s23 =	sand.u32 $0x40, s22;
	v19 =	vand.u32 $0x3FFF, v16;
	v9 =	vshrl.u32 v16, $0xE;
	[tilespmem:v10+s17+$0x0] =	vst.idx.add.f32.msk $0xffff, v13  }
0x15c: {  	s29 =	sadd.s32 $0x16B00, s24;
	s25 =	sor.u32 $0x10, s23;
	s26 =	sor.u32 $0x30, s23;
	v16 =	vand.u32 $0x3FFF, v9;
	v20 =	vadd.s32 $0x2710, v19;
	v11 =	vadd.s32 $0x4E20, v19;
	[tilespmem:v7+s17+$0x0] =	vst.idx.add.f32.msk $0xffff, v12  }
0x15d: {  	s28 =	sor.u32 $0x20, s23;
	s30 =	sor.u32 s25, s29;
	s31 =	sor.u32 s26, s29;
	v22 =	vadd.s32 $0x2710, v16;
	v24 =	vand.u32 $0x3FFF, v6;
	v6 =	vshrl.u32 v6, $0xE;
	v25 =	vld.idx.msk [tilespmem:v8+s2+$0x0], $0xffff  }
0x15e: {  	s1 =	sor.u32 s23, s29;
	s29 =	sor.u32 s28, s29;
	v26 =	vand.u32 $0x3FFF, v14;
	v7 =	vshrl.u32 v14, $0xE;
	v27 =	vand.u32 $0x3FFF, v6;
	v28 =	vld [tilespmem:s31+$0x0]  }
0x15f: {  	v31 =	vadd.s32 $0x2710, v24;
	v29 =	vand.u32 $0x3FFF, v7;
	v30 =	vadd.s32 $0x2710, v26;
	v32 =	vld.idx.msk [tilespmem:v15+s2+$0x0], $0xffff  }
0x160: {  	v13 =	vadd.s32 $0x4E20, v24;
	v34 =	vadd.s32 $0x2710, v27;
	v14 =	vadd.s32 $0x2710, v29;
	v33 =	vld [tilespmem:s30+$0x0]  }
0x161: {  	v9 =	vadd.s32 $0x4E20, v16;
	v6 =	vshrl.u32 v21, $0xE;
	v12 =	vadd.s32 $0x4E20, v26;
	v35 =	vld [tilespmem:s29+$0x0]  }
0x162: {  	v10 =	vadd.s32 $0x4E20, v27;
	v6 =	vand.u32 $0x3FFF, v6;
	v7 =	vadd.s32 $0x4E20, v29;
	v21 =	vld [tilespmem:s1+$0x0]  }
0x163: {  	v37 =	vadd.s32 $0x2710, v15;
	v8 =	vadd.s32 $0x7530, v19;
	v36 =	vld.idx.msk [tilespmem:v19+s2+$0x0], $0xffff;
	v19 =	vadd.s32 $0x7530, v24  }
0x164: {  	v38 =	vadd.s32 $0x7530, v26;
	v17 =	vmul.f32 v17, v25;
	v39 =	vshll.u32 v28, $0x10;
	v24 =	vld.idx.msk [tilespmem:v24+s2+$0x0], $0xffff  }
0x165: {  	v32 =	vmul.f32 v39, v32;
	v25 =	vld.idx.msk [tilespmem:v26+s2+$0x0], $0xffff;
	v26 =	vshll.u32 v33, $0x10;
	v33 =	vand.u32 $0xFFFF0000, v33  }
0x166: {  	v39 =	vadd.s32 $0x7530, v16;
	v40 =	vshll.u32 v35, $0x10;
	v35 =	vand.u32 $0xFFFF0000, v35;
	v41 =	vld.idx.msk [tilespmem:v4+s2+$0x0], $0xffff;
	v4 =	vmovc v19  }
0x167: {  	v42 =	vadd.s32 $0x7530, v27;
	v19 =	vshll.u32 v21, $0x10;
	v21 =	vand.u32 $0xFFFF0000, v21;
	[tilespmem:v6+s17+$0x0] =	vst.idx.add.f32.msk $0xffff, v32  }
0x168: {  	v32 =	vadd.s32 $0x7530, v29;
	v37 =	vld.idx.msk [tilespmem:v37+s2+$0x0], $0xffff  }
0x169: {  	v26 =	vmul.f32 v26, v36;
	v36 =	vld.idx.msk [tilespmem:v5+s2+$0x0], $0xffff;
	v5 =	vmov v38  }
0x16a: {  	v24 =	vmul.f32 v40, v24;
	[tilespmem:v2+s17+$0x0] =	vst.idx.add.f32.msk $0xffff, v17;
	v2 =	vmov v39  }
0x16b: {  	v17 =	vmul.f32 v19, v25;
	[tilespmem:v16+s17+$0x0] =	vst.idx.add.f32.msk $0xffff, v26;
	v16 =	vadd.s32 $0x2710, v6  }
0x16c: {  	v18 =	vmul.f32 v18, v41;
	[tilespmem:v27+s17+$0x0] =	vst.idx.add.f32.msk $0xffff, v24  }
0x16d: {  	v19 =	vadd.s32 $0x4E20, v15;
	[tilespmem:v29+s17+$0x0] =	vst.idx.add.f32.msk $0xffff, v17;
	v17 =	vand.u32 $0xFFFF0000, v28  }
0x16e: {  	v20 =	vld.idx.msk [tilespmem:v20+s2+$0x0], $0xffff;
	v17 =	vmul.f32 v17, v37  }
0x16f: {  	s1 =	sadd.s32 $0x16B80, s24;
	v23 =	vmul.f32 v23, v36;
	v24 =	vld.idx.msk [tilespmem:v31+s2+$0x0], $0xffff  }
0x170: {  	s24 =	sor.u32 s25, s1;
	s25 =	sor.u32 s28, s1;
	s26 =	sor.u32 s26, s1;
	[tilespmem:v16+s17+$0x0] =	vst.idx.add.f32.msk $0xffff, v17  }
0x171: {  	s23 =	sor.u32 s23, s1;
	v16 =	vld [tilespmem:s26+$0x0]  }
0x172: {  	v19 =	vld.idx.msk [tilespmem:v19+s2+$0x0], $0xffff  }
0x173: {  	v25 =	vld.idx.msk [tilespmem:v30+s2+$0x0], $0xffff  }
0x174: {  	v17 =	vmul.f32 v33, v20;
	[tilespmem:v3+s17+$0x0] =	vst.idx.add.f32.msk $0xffff, v18;
	v3 =	vmov v42  }
0x175: {  	v20 =	vadd.s32 $0x4E20, v6;
	v18 =	vmul.f32 v35, v24;
	[tilespmem:v1+s17+$0x0] =	vst.idx.add.f32.msk $0xffff, v23;
	v1 =	vmov v32  }
0x176: {  	v15 =	vadd.s32 $0x7530, v15;
	[tilespmem:v22+s17+$0x0] =	vst.idx.add.f32.msk $0xffff, v17  }
.Ltmp13:
0x177: {  	[tilespmem:v34+s17+$0x0] =	vst.idx.add.f32.msk $0xffff, v18;
	v18 =	vshll.u32 v16, $0x10;
	(pc) =	sbr.rel @p1 .LBB2_28-.Ltmp13, $4  }
0x178: {  	v17 =	vld [tilespmem:s24+$0x0];
	v22 =	vmul.f32 v18, v19  }
0x179: {  	v19 =	vmul.f32 v21, v25;
	v18 =	vld [tilespmem:s25+$0x0]  }
0x17a: {  	[tilespmem:v20+s17+$0x0] =	vst.idx.add.f32.msk $0xffff, v22  }
0x17b: {  	p0 =	por !p0, !p0;
	v15 =	vld.idx.msk [tilespmem:v15+s2+$0x0], $0xffff  }
0x17c: {  	_ =	sdelay $0x3  }
0x17d: {  	v11 =	vld.idx.msk [tilespmem:v11+s2+$0x0], $0xffff  }
0x17e: {  	v13 =	vld.idx.msk [tilespmem:v13+s2+$0x0], $0xffff  }
0x17f: {  	[tilespmem:v14+s17+$0x0] =	vst.idx.add.f32.msk $0xffff, v19  }
0x180: {  	v14 =	vld [tilespmem:s23+$0x0]  }
0x181: {  	v12 =	vld.idx.msk [tilespmem:v12+s2+$0x0], $0xffff;
	v57 =	vshll.u32 v17, $0x10  }
0x182: {  	v20 =	vshll.u32 v18, $0x10;
	v11 =	vmul.f32 v57, v11  }
0x183: {  	v13 =	vmul.f32 v20, v13  }
0x184: {  	[tilespmem:v9+s17+$0x0] =	vst.idx.add.f32.msk $0xffff, v11  }
0x185: {  	v58 =	vshll.u32 v14, $0x10;
	[tilespmem:v10+s17+$0x0] =	vst.idx.add.f32.msk $0xffff, v13  }
0x186: {  	v12 =	vmul.f32 v58, v12;
	v59 =	vld.idx.msk [tilespmem:v8+s2+$0x0], $0xffff  }
0x187: {  	v4 =	vld.idx.msk [tilespmem:v4+s2+$0x0], $0xffff  }
0x188: {  	v6 =	vadd.s32 $0x7530, v6;
	[tilespmem:v7+s17+$0x0] =	vst.idx.add.f32.msk $0xffff, v12  }
0x189: {  	v5 =	vld.idx.msk [tilespmem:v5+s2+$0x0], $0xffff  }
0x18a: {  	v60 =	vand.u32 $0xFFFF0000, v16;
	s20 =	sadd.s32 $0x1, s20  }
0x18b: {  	v61 =	vand.u32 $0xFFFF0000, v17;
	p0 =	sne.s32 s20, $0x19;
	v8 =	vmul.f32 v60, v15  }
.Ltmp14:
0x18c: {  	v62 =	vand.u32 $0xFFFF0000, v18;
	v7 =	vmul.f32 v61, v59;
	(pc) =	sbr.rel @p0 .LBB2_11-.Ltmp14, $4  }
0x18d: {  	v63 =	vand.u32 $0xFFFF0000, v14;
	[tilespmem:v6+s17+$0x0] =	vst.idx.add.f32.msk $0xffff, v8;
	v4 =	vmul.f32 v62, v4  }
0x18e: {  	[tilespmem:v2+s17+$0x0] =	vst.idx.add.f32.msk $0xffff, v7;
	v2 =	vmul.f32 v63, v5  }
0x18f: {  	[tilespmem:v3+s17+$0x0] =	vst.idx.add.f32.msk $0xffff, v4  }
0x190: {  	[tilespmem:v1+s17+$0x0] =	vst.idx.add.f32.msk $0xffff, v2  }
0x191: {  	s19 =	sadd.s32 $0x1, s19  }
0x192: {  	p0 =	sne.s32 s19, s14  }
.Ltmp15:
0x193: {  	_ = 	snop;
	(pc) =	sbr.rel @p0 .LBB2_1-.Ltmp15, $4  }
0x194: {  	[hbm4b:s13+s2] =	stream.linear.scatter [tilespmem:s17], [sflag:$0x3], $0x9C40, $0x38;
	[tilespmem:$0x18400] =	vst v63  }
0x195: {  	_ =	swait.ge [sflag:s15], $0x9C40  }
0x196: {  	[sflag:s15] =	ssyncset.done $0x0  }
0x197: {  	[sflag:s15] =	ssyncadd.s32 $0xFFFF63C0  }
0x198: {  	_ =	sfence.sel $0x180000  }
0x199: {  	[bflag:$0x0] =	sbarrier.arrive $0xFFFF  }
0x19a: {  	_ =	strace $0x90000047  }
0x19b: {  	[bflag:$0x2] =	sbarrier.arrive $0xFFFF  }
0x19c: {  	p0 =	sne.s32 s0, $0x0;
	s0 =	rddreg [dreg:$0x2]  }
0x19d: {  	s0 =	sadd.s32 @!p0 $0x100000, s0  }
0x19e: {  	[sflag:s0] =	ssyncadd.tile.s32 @!p0 $0x1;
	_ =	shalt  }
.Lfunc_end2:
_tile_overlayer_lowered:
.L_overlay_start_2:
0x19f: {  	(tag) =	ssettag $0x2  }
0x1a0: {  	s0 =	rddreg [dreg:$0x0];
	s2 =	stileid.u32  }
0x1a1: {  	s1 =	rddreg [dreg:$0x1];
	p0 =	sne.s32 s2, $0x0  }
0x1a2: {  	s3 =	rddreg [dreg:$0x2];
	[bflag:$0x3] =	sbarrier.arrive $0xFFFF;
	s2 =	simm.s32 @!p0 $0x1C03  }
0x1a3: {  	[timem:s3], [sflag:s2] =	dma.local @!p0 [hbm:s0], s1  }
0x1a4: {  	s0 =	simm.s32 @!p0 $0x3  }
0x1a5: {  	_ =	swait.ge @!p0 [sflag:s0], s1  }
0x1a6: {  	s1 =	ssub.s32 @!p0 $0x0, s1;
	[sflag:s0] =	ssyncset.done @!p0 $0x0  }
0x1a7: {  	[sflag:s0] =	ssyncadd.s32 @!p0 s1  }
0x1a8: {  	[bflag:$0x3] =	sbarrier.arrive $0xFFFF  }
0x1a9: {  	_ =	shalt  }

// kernel: kernel.8.cloned.1.call-start
scs
__scs_entry_jumppad:
0x0: {  	(pc) =	sbr.rel $0x88, $3  }
0x1: {  	(tag) =	ssettag $0x0;
	lr =	simm.s32 $0x1  }
0x2: {  	[smem:$0x3F92] =	sst lr;
	_ =	strace $0xD0000000  }
0x3: {  	_ = 	snop  }
0x4: {  	_ = 	snop  }
0x5: {  	_ = 	snop  }
0x6: {  	_ = 	snop  }
0x7: {  	_ = 	snop  }
__scs_overlays_trampoline_lowered:
0x8: {  	[smem:$0x3FA1] =	sst s0  }
0x9: {  	[smem:$0x3FA2] =	sst s1  }
0xa: {  	[smem:$0x3FA3] =	sst s2  }
0xb: {  	[smem:$0x3FA4] =	sst s3  }
0xc: {  	[smem:$0x3FA5] =	sst s4  }
0xd: {  	[smem:$0x3FA6] =	sst s5  }
0xe: {  	[smem:$0x3FA7] =	sst s6  }
0xf: {  	[smem:$0x3FA8] =	sst s7  }
0x10: {  	[smem:$0x3FA9] =	sst s8  }
0x11: {  	[smem:$0x3FAA] =	sst s9;
	s0 =	simm.s32 @!p0 $0x0  }
0x12: {  	s1 =	sld [smem:$0x3F90];
	s0 =	simm.s32 @p0 $0x1  }
0x13: {  	[smem:$0x3FAB] =	sst s0;
	s0 =	simm.s32 @!p1 $0x0  }
0x14: {  	s2 =	sld [smem:$0x3F8F];
	s0 =	simm.s32 @p1 $0x1  }
0x15: {  	[smem:$0x3FAC] =	sst s0;
	s0 =	simm.s32 @!p2 $0x0  }
0x16: {  	s3 =	sld [smem:$0x3FDB];
	s0 =	simm.s32 @p2 $0x1  }
0x17: {  	s4 =	simm.s32 $0x1BF5;
	[smem:$0x3FAE] =	sst s0  }
0x18: {  	s0 =	sld [smem:$0x3F91];
	_ =	swait.ge [sflag:s4], $0x0  }
0x19: {  	s7 =	sld [smem:$0x3F92]  }
0x1a: {  	s8 =	sadd.s32 $0xFFFFE003, lr  }
0x1b: {  	s9 =	sadd.s32 $0xFFFFFEF7, lr;
	s5 =	simm.s32 $0xFFFFFFFF;
	p2 =	slt.u32 s8, $0xFFFFF086  }
0x1c: {  	p1 =	slt.u32 s9, $0xF7A;
	s5 =	simm.s32 @!p2 $0x0  }
0x1d: {  	s5 =	simm.s32 @p1 $0x1;
	p0 =	seq.s32 s7, s2  }
0x1e: {  	s7 =	smul.u32 @!p0 $0xF7A, s2;
	p2 =	seq.s32 @!p0 s5, $0x0  }
0x1f: {  	s9 =	smul.u32 $0xF7A, s1;
	s8 =	simm.s32 @!p0 $0x1BF5;
	p2 =	por !p2, p0  }
0x20: {  	[sflag:s8] =	ssyncset.s32 @!p0 $0xFFFFF086;
	s6 =	sadd.s32 @!p0 s3, s7;
	s7 =	simm.s32 @!p0 $0x108  }
0x21: {  	s3 =	sadd.s32 s3, s9;
	s6 =	sadd.s32 @!p0 $0x88, s6;
	s7 =	simm.s32 @p2 $0x1082  }
0x22: {  	[simem:s7], [sflag:s8] =	dma.local @!p0 [hbm:s6], $0xF7A  }
0x23: {  	s9 =	sor.u32 $0xD0000000, s2;
	s6 =	simm.s32 $0x108;
	_ =	swait.ge @!p0 [sflag:s8], $0x0  }
0x24: {  	s3 =	sadd.s32 $0x88, s3;
	s6 =	simm.s32 @!p1 $0x1082;
	[sflag:s4] =	ssyncset.s32 $0xFFFFF086  }
0x25: {  	[simem:s6], [sflag:s4] =	dma.local [hbm:s3], $0xF7A  }
0x26: {  	[smem:$0x3F92] =	sst s1;
	(tag) =	ssettag s2;
	_ =	strace s9  }
0x27: {  	s1 =	sld [smem:$0x3FA2]  }
0x28: {  	s2 =	sld [smem:$0x3FA3]  }
0x29: {  	s4 =	sld [smem:$0x3FA5]  }
0x2a: {  	p0 =	seq.s32 s5, $0x0;
	s5 =	sld [smem:$0x3FA6]  }
0x2b: {  	s6 =	sld [smem:$0x3FA7]  }
0x2c: {  	s7 =	sld [smem:$0x3FA8]  }
0x2d: {  	s3 =	simm.s32 $0x108;
	s8 =	sld [smem:$0x3FA9]  }
0x2e: {  	s3 =	simm.s32 @!p0 $0x1082;
	s9 =	sld [smem:$0x3FAA]  }
0x2f: {  	lr =	sadd.s32 s0, s3;
	s0 =	sld [smem:$0x3FA1]  }
0x30: {  	s3 =	sld [smem:$0x3FA4]  }
0x31: {  	[smem:$0x3FAD] =	sst s10  }
0x32: {  	s10 =	sld [smem:$0x3FAB];
	_ =	sdelay $0x3  }
0x33: {  	p0 =	seq.s32 s10, $0x1;
	s10 =	sld [smem:$0x3FAD];
	_ =	sdelay $0x3  }
0x34: {  	[smem:$0x3FAD] =	sst s10  }
0x35: {  	s10 =	sld [smem:$0x3FAC];
	_ =	sdelay $0x3  }
0x36: {  	p1 =	seq.s32 s10, $0x1;
	s10 =	sld [smem:$0x3FAD];
	_ =	sdelay $0x3  }
0x37: {  	[smem:$0x3FAD] =	sst s10  }
0x38: {  	s10 =	sld [smem:$0x3FAE]  }
0x39: {  	_ = 	snop;
	(pc) =	sbr.ind lr, $3  }
0x3a: {  	_ = 	snop  }
0x3b: {  	_ = 	snop  }
0x3c: {  	p2 =	seq.s32 s10, $0x1;
	s10 =	sld [smem:$0x3FAD]  }
0x3d: {  	_ =	shalt  }
0x3e: {  	_ =	shalt  }
0x3f: {  	_ =	shalt  }
0x40: {  	_ =	shalt  }
0x41: {  	_ =	shalt  }
0x42: {  	_ =	shalt  }
0x43: {  	_ =	shalt  }
0x44: {  	_ =	shalt  }
0x45: {  	_ =	shalt  }
0x46: {  	_ =	shalt  }
0x47: {  	_ =	shalt  }
0x48: {  	_ =	shalt  }
0x49: {  	_ =	shalt  }
0x4a: {  	_ =	shalt  }
0x4b: {  	_ =	shalt  }
0x4c: {  	_ =	shalt  }
0x4d: {  	_ =	shalt  }
0x4e: {  	_ =	shalt  }
0x4f: {  	_ =	shalt  }
0x50: {  	_ =	shalt  }
0x51: {  	_ =	shalt  }
0x52: {  	_ =	shalt  }
0x53: {  	_ =	shalt  }
0x54: {  	_ =	shalt  }
0x55: {  	_ =	shalt  }
0x56: {  	_ =	shalt  }
0x57: {  	_ =	shalt  }
0x58: {  	_ =	shalt  }
0x59: {  	_ =	shalt  }
0x5a: {  	_ =	shalt  }
0x5b: {  	_ =	shalt  }
0x5c: {  	_ =	shalt  }
0x5d: {  	_ =	shalt  }
0x5e: {  	_ =	shalt  }
0x5f: {  	_ =	shalt  }
0x60: {  	_ =	shalt  }
0x61: {  	_ =	shalt  }
0x62: {  	_ =	shalt  }
0x63: {  	_ =	shalt  }
0x64: {  	_ =	shalt  }
0x65: {  	_ =	shalt  }
0x66: {  	_ =	shalt  }
0x67: {  	_ =	shalt  }
0x68: {  	_ =	shalt  }
0x69: {  	_ =	shalt  }
0x6a: {  	_ =	shalt  }
0x6b: {  	_ =	shalt  }
0x6c: {  	_ =	shalt  }
0x6d: {  	_ =	shalt  }
0x6e: {  	_ =	shalt  }
0x6f: {  	_ =	shalt  }
0x70: {  	_ =	shalt  }
0x71: {  	_ =	shalt  }
0x72: {  	_ =	shalt  }
0x73: {  	_ =	shalt  }
0x74: {  	_ =	shalt  }
0x75: {  	_ =	shalt  }
0x76: {  	_ =	shalt  }
0x77: {  	_ =	shalt  }
0x78: {  	_ =	shalt  }
0x79: {  	_ =	shalt  }
0x7a: {  	_ =	shalt  }
0x7b: {  	_ =	shalt  }
0x7c: {  	_ =	shalt  }
0x7d: {  	_ =	shalt  }
0x7e: {  	_ =	shalt  }
0x7f: {  	_ =	shalt  }
0x80: {  	_ =	shalt  }
0x81: {  	_ =	shalt  }
0x82: {  	_ =	shalt  }
0x83: {  	_ =	shalt  }
0x84: {  	_ =	shalt  }
0x85: {  	_ =	shalt  }
0x86: {  	_ =	shalt  }
0x87: {  	_ =	shalt  }
.Lfunc_end0:
.L_simem_size_0:
called_computation_lowered:
.L_overlay_start_0:
0x88: {  	s2 =	sld [smem:$0x3FD9]  }
0x89: {  	s3 =	sld [smem:$0x3FFE];
	_ =	sdelay $0x1  }
0x8a: {  	s1 =	srdreg.scid  }
0x8b: {  	s0 =	sand.u32 $0x1, s1  }
0x8c: {  	s17 =	sshll.u32 s0, $0xA;
	s2 =	sadd.s32 s3, s2  }
0x8d: {  	s2 =	sadd.s32 s2, s17  }
0x8e: {  	[smem:$0x3FB9] =	sst s2  }
0x8f: {  	_ = 	snop  }
0x90: {  	s18 =	sld [smem:$0x3FD0];
	(tm) =	ssettm $0x1  }
0x91: {  	s19 =	sld [smem:$0x3FFB];
	_ =	sdelay $0x3  }
0x92: {  	_ =	strace s19  }
0x93: {  	s2 =	sld [smem:$0x3FFC];
	_ =	sdelay $0x3  }
0x94: {  	_ =	strace s2  }
0x95: {  	s2 =	sld [smem:$0x3FFD];
	_ =	sdelay $0x3  }
0x96: {  	_ =	strace s2  }
0x97: {  	_ =	strace $0x8FFFFFFF  }
0x98: {  	s20 =	sld [smem:$0x3FDB];
	_ =	sdelay $0x1  }
0x99: {  	s4 =	simm.s32 $_scs_section_size  }
0x9a: {  	s5 =	simm.s32 $_size__tile_overlayer_lowered;
	s6 =	simm.s32 $_tile_overlayer_lowered  }
0x9b: {  	s7 =	simm.s32 $0x1BFF;
	s21 =	sshll.u32 s6, $0x1;
	s4 =	sadd.s32 s4, s20  }
0x9c: {  	s22 =	simm.s32 $0x0;
	s5 =	sshll.u32 s5, $0x1;
	s6 =	sadd.s32 s21, s4  }
0x9d: {  	[timem:s22], [sflag:s7] =	dma.local [hbm:s6], s5  }
0x9e: {  	_ =	swait.ge [sflag:s7], s5  }
0x9f: {  	s5 =	ssub.s32 $0x0, s5;
	[sflag:s7] =	ssyncset.done $0x0  }
0xa0: {  	[sflag:s7] =	ssyncadd.s32 s5;
	_ =	sdelay $0x1  }
0xa1: {  	s23 =	simm.s32 $0x1B8B  }
0xa2: {  	_ =	swait.ge [sflag:s23], $0x1  }
0xa3: {  	[sflag:s23] =	ssyncset.done $0x0  }
0xa4: {  	[sflag:s23] =	ssyncadd.s32 $0xFFFFFFFF  }
0xa5: {  	s5 =	sld [smem:$0x0]  }
0xa6: {  	s6 =	sand.u32 $0xFFFFFFFE, s1  }
0xa7: {  	p0 =	sne.s32 s1, s6  }
0xa8: {  	s6 =	sshll.u32 @p0 s6, $0xE  }
0xa9: {  	s6 =	sadd.s32 @p0 $0x11B8D, s6;
	s7 =	sshll.u32 @p0 s5, $0x11  }
0xaa: {  	s6 =	sor.u32 @p0 s7, s6  }
0xab: {  	[sflag:s6] =	ssyncadd.remote.s32 @p0 $0x1;
	_ =	sdelay $0x1  }
0xac: {  	s6 =	simm.s32 @p0 $0x1B8D  }
0xad: {  	_ =	swait.eq @p0 [sflag:s6], $0x1  }
0xae: {  	[sflag:s6] =	ssyncadd.s32 @p0 $0xFFFFFFFF  }
0xaf: {  	s7 =	sshll.u32 @!p0 s1, $0xE  }
0xb0: {  	s7 =	sor.u32 @!p0 $0x4000, s7;
	s6 =	simm.s32 @!p0 $0x1B8D  }
0xb1: {  	s5 =	sshll.u32 @!p0 s5, $0x11;
	s7 =	sadd.s32 @!p0 $0x11B8D, s7;
	_ =	swait.eq @!p0 [sflag:s6], $0x1  }
0xb2: {  	s5 =	sor.u32 @!p0 s5, s7;
	[sflag:s6] =	ssyncadd.s32 @!p0 $0xFFFFFFFF  }
0xb3: {  	s25 =	simm.s32 $0x1B8E;
	s24 =	sld [smem:$0x3FFE];
	[sflag:s5] =	ssyncadd.remote.s32 @!p0 $0x1  }
0xb4: {  	s26 =	simm.s32 $execute0_lowered;
	[smem:$0x3FD2] =	sst s25  }
0xb5: {  	s6 =	sshll.u32 s26, $0x1;
	_ =	strace $0x80000049;
	[dreg:$0x1] =	wrdreg $0xFFFFFFFF  }
0xb6: {  	s28 =	simm.s32 $_size_execute0_lowered;
	s4 =	sadd.s32 s4, s6;
	[dreg:$0x0] =	wrdreg $0x0  }
0xb7: {  	s6 =	sshll.u32 s28, $0x1;
	[dreg:$0x2] =	wrdreg s4  }
0xb8: {  	[dreg:$0x3] =	wrdreg s6  }
0xb9: {  	[dreg:$0x4] =	wrdreg $0xC0  }
0xba: {  	_ =	task [dreg:s22], $0x5FFFF  }
0xbb: {  	[dreg:$0x1] =	wrdreg $0xFFFFFFFF  }
0xbc: {  	[dreg:$0x0] =	wrdreg $0x60  }
0xbd: {  	[dreg:$0x2] =	wrdreg s18  }
0xbe: {  	[dreg:$0x3] =	wrdreg s24  }
0xbf: {  	[dreg:$0x4] =	wrdreg $0x9  }
0xc0: {  	_ =	task.clear_ibuf [dreg:s22], $0x5FFFF;
	_ =	strace $0x90000049  }
0xc1: {  	s29 =	simm.s32 $0x9;
	_ =	strace $0x8000004B  }
0xc2: {  	_ =	swait.ge [sflag:s29], $0x1  }
0xc3: {  	[sflag:s29] =	ssyncadd.s32 $0xFFFFFFFF  }
0xc4: {  	_ =	strace $0x9000004B  }
0xc5: {  	_ =	sfence  }
0xc6: {  	s30 =	sld [smem:$0x0];
	_ =	sdelay $0x2  }
0xc7: {  	s31 =	sshll.u32 s1, $0xD;
	s1 =	sshrl.u32 s1, $0x2  }
0xc8: {  	s4 =	sand.u32 $0x4000, s31;
	s1 =	sadd.s32 s1, s30  }
0xc9: {  	s0 =	sor.u32 s4, s0;
	s1 =	sshll.u32 s1, $0x11  }
0xca: {  	s0 =	sor.u32 s1, s0  }
0xcb: {  	s0 =	sadd.s32 $0x8F2B, s0  }
0xcc: {  	[sflag:s0] =	ssyncadd.remote.s32 $0x1  }
0xcd: {  	_ =	sfence.sel $0xFFFF  }
0xce: {  	[dreg:$0x0] =	wrdreg $0xFFFFFFFF;
	(pc) =	sbr.abs _section_cstart, $3  }
0xcf: {  	[dreg:$0x1] =	wrdreg $0xFFFFFFFF  }
0xd0: {  	_ =	task.clear_ibuf [dreg:s22], $0x2FFFF;
	_ =	strace $0x9FFFFFFF  }
0xd1: {  	(tm) =	ssettm $0x7FFFFFFF  }
tec
execute0_lowered:
.L_overlay_start_1:
0x0: {  	(tag) =	ssettag $0x1  }
0x1: {  	s1 =	srdreg.scid;
	s0 =	stileid.u32  }
0x2: {  	s10 =	rddreg [dreg:$0x0];
	s4 =	sand.u32 $0x1, s1;
	s26 =	sshll.u32 s0, $0x1  }
0x3: {  	s6 =	rddreg [dreg:$0x1];
	s2 =	simm.s32 $0x0;
	s5 =	sor.u32 s4, s26  }
0x4: {  	s16 =	simm.s32 $0x1;
	s17 =	simm.s32 $0x9C80;
	s3 =	smul.u32 $0x148, s5  }
0x5: {  	s18 =	simm.s32 $0x2;
	s19 =	simm.s32 $0x0;
	[smem:$0x7FF] =	sst s2  }
0x6: {  	_ =	strace $0x8000004A;
	s11 =	smul.u32 $0x1388, s5;
	s3 =	sshrl.u32 s3, $0xB  }
0x7: {  	s8 =	ssub.s32 $0x2, s4;
	s12 =	sshll.u32 s5, $0x3;
	s7 =	smul.u32 $0x32, s3  }
0x8: {  	s4 =	smul.u32 $0x4E200, s5;
	s5 =	sadd.s32 $0x1E00, s6;
	s9 =	sshrl.u32 s8, $0x1  }
0x9: {  	s14 =	ssub.s32 s8, s9;
	s13 =	sadd.s32 s11, s6;
	s7 =	ssub.s32 s12, s7  }
0xa: {  	s10 =	sadd.s32 s10, s11;
	s11 =	sor.u32 $0x1, s12;
	s7 =	sand.u32 $0xFE, s7  }
0xb: {  	s14 =	smax.u32 s14, $0x1;
	s3 =	sadd.s32 $0x3B5400, s6;
	s7 =	smul.u32 $0xC80, s7  }
0xc: {  	s6 =	sadd.s32 $0x27100, s4;
	s13 =	sadd.s32 $0x32E00, s13;
	s12 =	sor.u32 $0x2, s12  }
0xd: {  	s28 =	sshrl.u32 s7, $0x3;
	s29 =	sadd.s32 s4, s7;
	s15 =	sadd.s32 s6, s7  }
0xe: {  	s7 =	sadd.s32 s5, s28;
	s30 =	sshrl.u32 s29, $0x3;
	s31 =	sshrl.u32 s15, $0x3  }
0xf: {  	v0 =	vimm.f32 $0.0e+00;
	s15 =	simm.s32 $0x3;
	s8 =	sadd.s32 s3, s30;
	s9 =	sadd.s32 s3, s31  }
.LBB2_1:
0x10: {  	s20 =	simm.s32 $0x13900  }
0x11: {  	s21 =	simm.s32 $0x10;
	s23 =	sadd.s32 $0x0, s7;
	s22 =	simm.s32 $0x13A00  }
.LBB2_2:
0x12: {  	[tilespmem:s20], [sflag:$0x1] =	stream.linear.gather [hbm4b:s23+s2], $0x80, $0x38;
	[tilespmem:$0x18400] =	vst v63  }
0x13: {  	s23 =	smov.u32 s21;
	s20 =	smov.u32 s22;
	p0 =	sne.s32 s21, $0x180  }
.Ltmp0:
0x14: {  	s21 =	sadd.s32 $0x10, s21;
	(pc) =	sbr.rel @p0 .LBB2_2-.Ltmp0, $2  }
0x15: {  	_ =	sdelay $0x2  }
0x16: {  	s22 =	sadd.s32 $0x100, s22;
	s23 =	sadd.s32 s23, s7  }
0x17: {  	[tilespmem:s20], [sflag:$0x1] =	stream.linear.gather [hbm4b:s23+s2], $0x80, $0x38;
	[tilespmem:$0x18400] =	vst v63  }
0x18: {  	s20 =	simm.s32 $0x15200  }
0x19: {  	s21 =	simm.s32 $0x10;
	s23 =	sadd.s32 $0x0, s8;
	s22 =	simm.s32 $0x15300  }
.LBB2_4:
0x1a: {  	[tilespmem:s20], [sflag:$0x1] =	stream.linear.gather [hbm4b:s23+s2], $0x80, $0x38;
	[tilespmem:$0x18400] =	vst v63  }
0x1b: {  	s23 =	smov.u32 s21;
	s20 =	smov.u32 s22;
	p0 =	sne.s32 s21, $0x180  }
.Ltmp1:
0x1c: {  	s21 =	sadd.s32 $0x10, s21;
	(pc) =	sbr.rel @p0 .LBB2_4-.Ltmp1, $2  }
0x1d: {  	_ =	sdelay $0x2  }
0x1e: {  	s22 =	sadd.s32 $0x100, s22;
	s23 =	sadd.s32 s23, s8  }
0x1f: {  	[tilespmem:s20], [sflag:$0x1] =	stream.linear.gather [hbm4b:s23+s2], $0x80, $0x38;
	[tilespmem:$0x18400] =	vst v63  }
0x20: {  	s20 =	simm.s32 $0x15280  }
0x21: {  	s21 =	simm.s32 $0x10;
	s23 =	sadd.s32 $0x0, s9;
	s22 =	simm.s32 $0x15380  }
.LBB2_6:
0x22: {  	[tilespmem:s20], [sflag:$0x1] =	stream.linear.gather [hbm4b:s23+s2], $0x80, $0x38;
	[tilespmem:$0x18400] =	vst v63  }
0x23: {  	s23 =	smov.u32 s21;
	s20 =	smov.u32 s22;
	p0 =	sne.s32 s21, $0x180  }
.Ltmp2:
0x24: {  	s21 =	sadd.s32 $0x10, s21;
	(pc) =	sbr.rel @p0 .LBB2_6-.Ltmp2, $2  }
0x25: {  	_ =	sdelay $0x2  }
0x26: {  	s22 =	sadd.s32 $0x100, s22;
	s23 =	sadd.s32 s23, s9  }
0x27: {  	[tilespmem:s20], [sflag:$0x1] =	stream.linear.gather [hbm4b:s23+s2], $0x80, $0x38;
	[tilespmem:$0x18400] =	vst v63  }
0x28: {  	_ = 	snop  }
0x29: {  	[tilespmem:s2], [sflag:$0x3] =	stream.linear.gather [hbm4b:s10+s2], $0x9C40, $0x38;
	[tilespmem:$0x18400] =	vst v63  }
0x2a: {  	_ =	swait.ge [sflag:s15], $0x9C40  }
0x2b: {  	[sflag:s15] =	ssyncset.done $0x0  }
0x2c: {  	s20 =	simm.s32 $0x9CC0;
	[sflag:s15] =	ssyncadd.s32 $0xFFFF63C0  }
0x2d: {  	[tilespmem:s20+$0xFFFFFFC0] =	vst v0  }
0x2e: {  	[tilespmem:s20+$0x30] =	vst v0  }
0x2f: {  	[tilespmem:s20+$0x20] =	vst v0  }
0x30: {  	[tilespmem:s20+$0x10] =	vst v0  }
0x31: {  	[tilespmem:s20+$0x0] =	vst v0  }
0x32: {  	[tilespmem:s20+$0xFFFFFFF0] =	vst v0  }
0x33: {  	s23 =	simm.s32 $0x0;
	s21 =	simm.s32 $0x13880;
	[tilespmem:s20+$0xFFFFFFE0] =	vst v0  }
.LBB2_8:
0x34: {  	s23 =	sadd.s32 $0x80, s23;
	[tilespmem:s20+$0xFFFFFFD0] =	vst v0;
	s20 =	sadd.s32 $0x80, s20;
	s22 =	simm.s32 $0x9BF0  }
0x35: {  	[tilespmem:s20+$0xFFFFFFC0] =	vst v0;
	p0 =	slt.u32 s23, $0x9B80  }
0x36: {  	[tilespmem:s20+$0x30] =	vst v0  }
.Ltmp3:
0x37: {  	[tilespmem:s20+$0x20] =	vst v0;
	(pc) =	sbr.rel @p0 .LBB2_8-.Ltmp3, $4  }
0x38: {  	[tilespmem:s20+$0x10] =	vst v0  }
0x39: {  	[tilespmem:s20+$0x0] =	vst v0  }
0x3a: {  	[tilespmem:s20+$0xFFFFFFF0] =	vst v0  }
0x3b: {  	[tilespmem:s20+$0xFFFFFFE0] =	vst v0  }
0x3c: {  	[tilespmem:s20+$0xFFFFFFD0] =	vst v0  }
.LBB2_10:
0x3d: {  	s22 =	sadd.s32 $0x10, s22  }
0x3e: {  	p0 =	slt.u32 s22, $0x9C30  }
.Ltmp4:
0x3f: {  	_ = 	snop;
	(pc) =	sbr.rel @p0 .LBB2_10-.Ltmp4, $2  }
0x40: {  	_ =	sdelay $0x2  }
0x41: {  	[tilespmem:s21+$0x0] =	vst v0;
	s21 =	sadd.s32 $0x10, s21;
	s20 =	simm.s32 $0x0  }
.LBB2_11:
0x42: {  	s21 =	sshll.u32 s20, $0x1  }
0x43: {  	s22 =	sadd.s32 s21, s11  }
0x44: {  	s23 =	smulhi.u32 $0x51EB851F, s22;
	_ =	sdelay $0x1  }
0x45: {  	s23 =	sshrl.u32 s23, $0x4  }
0x46: {  	s23 =	smul.u32 $0x32, s23;
	_ =	sdelay $0x1  }
0x47: {  	s22 =	ssub.s32 s22, s23  }
0x48: {  	s22 =	smul.u32 $0xC80, s22;
	_ =	sdelay $0x1  }
0x49: {  	s31 =	sshrl.u32 s22, $0x3  }
0x4a: {  	s24 =	simm.s32 $0x13980;
	s23 =	sadd.s32 s5, s31  }
0x4b: {  	s25 =	simm.s32 $0x10;
	s26 =	simm.s32 $0x13A80;
	s28 =	sadd.s32 $0x0, s23  }
.LBB2_12:
0x4c: {  	[tilespmem:s24], [sflag:$0x2] =	stream.linear.gather [hbm4b:s28+s2], $0x80, $0x38;
	[tilespmem:$0x18400] =	vst v63  }
0x4d: {  	s28 =	smov.u32 s25;
	s24 =	smov.u32 s26;
	p0 =	sne.s32 s25, $0x180  }
.Ltmp5:
0x4e: {  	s25 =	sadd.s32 $0x10, s25;
	(pc) =	sbr.rel @p0 .LBB2_12-.Ltmp5, $2  }
0x4f: {  	_ =	sdelay $0x2  }
0x50: {  	s26 =	sadd.s32 $0x100, s26;
	s28 =	sadd.s32 s28, s23  }
0x51: {  	[tilespmem:s24], [sflag:$0x2] =	stream.linear.gather [hbm4b:s28+s2], $0x80, $0x38;
	[tilespmem:$0x18400] =	vst v63  }
0x52: {  	s23 =	sadd.s32 s4, s22  }
0x53: {  	s23 =	sshrl.u32 s23, $0x3  }
0x54: {  	s24 =	simm.s32 $0x16B00;
	s23 =	sadd.s32 s3, s23  }
0x55: {  	s25 =	simm.s32 $0x10;
	s26 =	simm.s32 $0x16C00;
	s28 =	sadd.s32 $0x0, s23  }
.LBB2_14:
0x56: {  	[tilespmem:s24], [sflag:$0x2] =	stream.linear.gather [hbm4b:s28+s2], $0x80, $0x38;
	[tilespmem:$0x18400] =	vst v63  }
0x57: {  	s28 =	smov.u32 s25;
	s24 =	smov.u32 s26;
	p0 =	sne.s32 s25, $0x180  }
.Ltmp6:
0x58: {  	s25 =	sadd.s32 $0x10, s25;
	(pc) =	sbr.rel @p0 .LBB2_14-.Ltmp6, $2  }
0x59: {  	_ =	sdelay $0x2  }
0x5a: {  	s26 =	sadd.s32 $0x100, s26;
	s28 =	sadd.s32 s28, s23  }
0x5b: {  	[tilespmem:s24], [sflag:$0x2] =	stream.linear.gather [hbm4b:s28+s2], $0x80, $0x38;
	[tilespmem:$0x18400] =	vst v63  }
0x5c: {  	s22 =	sadd.s32 s6, s22  }
0x5d: {  	s22 =	sshrl.u32 s22, $0x3  }
0x5e: {  	s23 =	simm.s32 $0x16B80;
	s22 =	sadd.s32 s3, s22  }
0x5f: {  	s24 =	simm.s32 $0x10;
	s25 =	simm.s32 $0x16C80;
	s26 =	sadd.s32 $0x0, s22  }
.LBB2_16:
0x60: {  	[tilespmem:s23], [sflag:$0x2] =	stream.linear.gather [hbm4b:s26+s2], $0x80, $0x38;
	[tilespmem:$0x18400] =	vst v63  }
0x61: {  	s26 =	smov.u32 s24;
	s23 =	smov.u32 s25;
	p0 =	sne.s32 s24, $0x180  }
.Ltmp7:
0x62: {  	s24 =	sadd.s32 $0x10, s24;
	(pc) =	sbr.rel @p0 .LBB2_16-.Ltmp7, $2  }
0x63: {  	_ =	sdelay $0x2  }
0x64: {  	s25 =	sadd.s32 $0x100, s25;
	s26 =	sadd.s32 s26, s22  }
0x65: {  	[tilespmem:s23], [sflag:$0x2] =	stream.linear.gather [hbm4b:s26+s2], $0x80, $0x38;
	[tilespmem:$0x18400] =	vst v63  }
0x66: {  	_ =	swait.ge [sflag:s16], $0xC80  }
0x67: {  	[sflag:s16] =	ssyncset.done $0x0  }
0x68: {  	[sflag:s16] =	ssyncadd.s32 $0xFFFFF380  }
0x69: {  	_ =	swait.ge [sflag:s16], $0xC80  }
0x6a: {  	[sflag:s16] =	ssyncset.done $0x0  }
0x6b: {  	[sflag:s16] =	ssyncadd.s32 $0xFFFFF380  }
0x6c: {  	s22 =	simm.s32 $0x0;
	s24 =	simm.s32 $0x0;
	_ =	swait.ge [sflag:s16], $0xC80  }
0x6d: {  	s23 =	sand.u32 $0x40, s24;
	s22 =	sand.u32 $0x1F00, s22;
	[sflag:s16] =	ssyncset.done $0x0  }
0x6e: {  	s22 =	sor.u32 s23, s22;
	[sflag:s16] =	ssyncadd.s32 $0xFFFFF380  }
0x6f: {  	v1 =	vld [tilespmem:s22+$0x13930]  }
0x70: {  	v2 =	vld [tilespmem:s22+$0x13900];
	_ =	sdelay $0x1  }
0x71: {  	v3 =	vld [tilespmem:s22+$0x13910]  }
0x72: {  	v6 =	vld [tilespmem:s22+$0x13920]  }
0x73: {  	v7 =	vand.u32 $0x3FFF, v1  }
0x74: {  	v9 =	vand.u32 $0x3FFF, v2  }
0x75: {  	v8 =	vld [tilespmem:s22+$0x15200]  }
0x76: {  	v10 =	vld [tilespmem:s22+$0x15210];
	v11 =	vand.u32 $0x3FFF, v3  }
0x77: {  	v12 =	vld [tilespmem:s22+$0x15230];
	v5 =	vand.u32 $0x3FFF, v6  }
0x78: {  	v13 =	vld.idx.msk [tilespmem:v7+s2+$0x0], $0xffff  }
0x79: {  	v1 =	vshrl.u32 v1, $0xE;
	v15 =	vld.idx.msk [tilespmem:v9+s2+$0x0], $0xffff  }
0x7a: {  	v14 =	vld [tilespmem:s22+$0x15220];
	v16 =	vand.u32 $0x3FFF, v1;
	v1 =	vshrl.u32 v2, $0xE  }
0x7b: {  	v6 =	vshrl.u32 v6, $0xE;
	v4 =	vand.u32 $0x3FFF, v1;
	v17 =	vld.idx.msk [tilespmem:v11+s2+$0x0], $0xffff  }
0x7c: {  	v18 =	vadd.s32 $0x2710, v7;
	v2 =	vshll.u32 v12, $0x10;
	v1 =	vshrl.u32 v3, $0xE;
	v3 =	vld.idx.msk [tilespmem:v5+s2+$0x0], $0xffff  }
0x7d: {  	v19 =	vshll.u32 v8, $0x10;
	v1 =	vand.u32 $0x3FFF, v1;
	v13 =	vmul.f32 v2, v13  }
0x7e: {  	v2 =	vand.u32 $0x3FFF, v6;
	v15 =	vmul.f32 v19, v15  }
0x7f: {  	v20 =	vshll.u32 v10, $0x10;
	v6 =	vadd.s32 $0x2710, v9;
	[tilespmem:v16+s17+$0x0] =	vst.idx.add.f32.msk $0xffff, v13  }
0x80: {  	v19 =	vshll.u32 v14, $0x10;
	v17 =	vmul.f32 v20, v17;
	v13 =	vadd.s32 $0x2710, v11;
	[tilespmem:v4+s17+$0x0] =	vst.idx.add.f32.msk $0xffff, v15  }
0x81: {  	v3 =	vmul.f32 v19, v3;
	v18 =	vld.idx.msk [tilespmem:v18+s2+$0x0], $0xffff  }
0x82: {  	v20 =	vadd.s32 $0x2710, v5;
	[tilespmem:v1+s17+$0x0] =	vst.idx.add.f32.msk $0xffff, v17  }
0x83: {  	p0 =	por $0x0, $0x0;
	s22 =	simm.s32 $0x1;
	v15 =	vadd.s32 $0x2710, v16;
	[tilespmem:v2+s17+$0x0] =	vst.idx.add.f32.msk $0xffff, v3  }
0x84: {  	s22 =	simm.s32 @!p0 $0x0;
	v3 =	vld.idx.msk [tilespmem:v6+s2+$0x0], $0xffff  }
0x85: {  	s22 =	sshll.u32 s22, $0x6;
	v6 =	vand.u32 $0xFFFF0000, v12;
	v12 =	vadd.s32 $0x4E20, v7;
	v13 =	vld.idx.msk [tilespmem:v13+s2+$0x0], $0xffff  }
0x86: {  	s22 =	sadd.s32 $0x0, s22;
	v17 =	vadd.s32 $0x2710, v4;
	v6 =	vmul.f32 v6, v18  }
0x87: {  	s25 =	sadd.s32 $0x30, s22;
	v19 =	vadd.s32 $0x2710, v1;
	v18 =	vld.idx.msk [tilespmem:v20+s2+$0x0], $0xffff  }
0x88: {  	s23 =	sor.u32 $0x80, s25;
	[tilespmem:v15+s17+$0x0] =	vst.idx.add.f32.msk $0xffff, v6;
	v6 =	vand.u32 $0xFFFF0000, v8  }
0x89: {  	v10 =	vand.u32 $0xFFFF0000, v10;
	v8 =	vadd.s32 $0x2710, v2;
	v15 =	vld [tilespmem:s23+$0x15200];
	v3 =	vmul.f32 v6, v3  }
0x8a: {  	v6 =	vld.idx.msk [tilespmem:v12+s2+$0x0], $0xffff;
	v10 =	vmul.f32 v10, v13  }
0x8b: {  	v12 =	vand.u32 $0xFFFF0000, v14;
	v14 =	vadd.s32 $0x4E20, v5;
	[tilespmem:v17+s17+$0x0] =	vst.idx.add.f32.msk $0xffff, v3  }
0x8c: {  	s24 =	sor.u32 $0x80, s22;
	v3 =	vmul.f32 v12, v18;
	v12 =	vadd.s32 $0x4E20, v16;
	[tilespmem:v19+s17+$0x0] =	vst.idx.add.f32.msk $0xffff, v10  }
0x8d: {  	s26 =	sadd.s32 $0x10, s22;
	v7 =	vadd.s32 $0x7530, v7;
	v10 =	vld [tilespmem:s24+$0x15200]  }
0x8e: {  	s23 =	sor.u32 $0x80, s26;
	[tilespmem:v8+s17+$0x0] =	vst.idx.add.f32.msk $0xffff, v3;
	v3 =	vshll.u32 v15, $0x10  }
0x8f: {  	v8 =	vadd.s32 $0x4E20, v9;
	v13 =	vld [tilespmem:s23+$0x15200];
	v3 =	vmul.f32 v3, v6  }
0x90: {  	v14 =	vld.idx.msk [tilespmem:v14+s2+$0x0], $0xffff;
	v6 =	vadd.s32 $0x4E20, v11  }
0x91: {  	s22 =	sadd.s32 $0x20, s22;
	[tilespmem:v12+s17+$0x0] =	vst.idx.add.f32.msk $0xffff, v3  }
0x92: {  	s22 =	sor.u32 $0x80, s22;
	v3 =	vld.idx.msk [tilespmem:v7+s2+$0x0], $0xffff  }
0x93: {  	s23 =	simm.s32 $0x80;
	v7 =	vld [tilespmem:s22+$0x15200];
	s22 =	simm.s32 $0x40  }
0x94: {  	s25 =	sand.u32 $0x1F00, s23;
	v8 =	vld.idx.msk [tilespmem:v8+s2+$0x0], $0xffff;
	s28 =	sand.u32 $0x40, s22  }
0x95: {  	v12 =	vadd.s32 $0x7530, v16;
	v6 =	vld.idx.msk [tilespmem:v6+s2+$0x0], $0xffff;
	s24 =	sor.u32 s28, s25  }
0x96: {  	v16 =	vld [tilespmem:s24+$0x13930]  }
0x97: {  	v15 =	vand.u32 $0xFFFF0000, v15;
	v17 =	vld [tilespmem:s24+$0x13920]  }
0x98: {  	v3 =	vmul.f32 v15, v3;
	v15 =	vld [tilespmem:s24+$0x13900]  }
0x99: {  	v26 =	vadd.s32 $0x4E20, v2;
	v19 =	vld [tilespmem:s24+$0x15200]  }
0x9a: {  	[tilespmem:v12+s17+$0x0] =	vst.idx.add.f32.msk $0xffff, v3;
	v3 =	vadd.s32 $0x4E20, v4  }
0x9b: {  	v28 =	vshll.u32 v7, $0x10;
	v12 =	vld [tilespmem:s24+$0x13910]  }
0x9c: {  	v18 =	vshll.u32 v10, $0x10;
	v22 =	vld [tilespmem:s24+$0x15210];
	v14 =	vmul.f32 v28, v14;
	v20 =	vand.u32 $0x3FFF, v16  }
0x9d: {  	v23 =	vld [tilespmem:s24+$0x15220];
	v8 =	vmul.f32 v18, v8;
	v21 =	vand.u32 $0x3FFF, v15  }
0x9e: {  	v18 =	vadd.s32 $0x4E20, v1;
	[tilespmem:v26+s17+$0x0] =	vst.idx.add.f32.msk $0xffff, v14  }
0x9f: {  	v25 =	vand.u32 $0x3FFF, v17;
	[tilespmem:v3+s17+$0x0] =	vst.idx.add.f32.msk $0xffff, v8  }
0xa0: {  	v24 =	vand.u32 $0x3FFF, v12;
	v3 =	vshll.u32 v13, $0x10;
	v8 =	vld [tilespmem:s24+$0x15230]  }
0xa1: {  	v5 =	vadd.s32 $0x7530, v5;
	v3 =	vmul.f32 v3, v6;
	v6 =	vld.idx.msk [tilespmem:v20+s2+$0x0], $0xffff  }
0xa2: {  	v9 =	vadd.s32 $0x7530, v9;
	v27 =	vld.idx.msk [tilespmem:v21+s2+$0x0], $0xffff  }
0xa3: {  	v11 =	vadd.s32 $0x7530, v11;
	v16 =	vshrl.u32 v16, $0xE;
	[tilespmem:v18+s17+$0x0] =	vst.idx.add.f32.msk $0xffff, v3  }
0xa4: {  	v3 =	vand.u32 $0x3FFF, v16;
	v16 =	vld.idx.msk [tilespmem:v25+s2+$0x0], $0xffff  }
0xa5: {  	v60 =	vadd.s32 $0x2710, v20;
	v15 =	vshrl.u32 v15, $0xE;
	v18 =	vld.idx.msk [tilespmem:v24+s2+$0x0], $0xffff  }
0xa6: {  	v14 =	vshrl.u32 v17, $0xE;
	v63 =	vld.idx.msk [tilespmem:v5+s2+$0x0], $0xffff;
	v15 =	vand.u32 $0x3FFF, v15;
	v29 =	vshll.u32 v8, $0x10  }
0xa7: {  	v26 =	vand.u32 $0x3FFF, v14;
	v12 =	vshrl.u32 v12, $0xE;
	v9 =	vld.idx.msk [tilespmem:v9+s2+$0x0], $0xffff;
	v6 =	vmul.f32 v29, v6  }
0xa8: {  	v17 =	vshll.u32 v19, $0x10;
	v14 =	vshll.u32 v22, $0x10;
	v12 =	vand.u32 $0x3FFF, v12;
	v61 =	vld.idx.msk [tilespmem:v11+s2+$0x0], $0xffff  }
0xa9: {  	v11 =	vadd.s32 $0x2710, v21;
	v17 =	vmul.f32 v17, v27;
	[tilespmem:v3+s17+$0x0] =	vst.idx.add.f32.msk $0xffff, v6;
	v27 =	vshll.u32 v23, $0x10  }
0xaa: {  	v6 =	vadd.s32 $0x2710, v24;
	v16 =	vmul.f32 v27, v16;
	v14 =	vmul.f32 v14, v18;
	v18 =	vld.idx.msk [tilespmem:v60+s2+$0x0], $0xffff  }
0xab: {  	v4 =	vadd.s32 $0x7530, v4;
	[tilespmem:v15+s17+$0x0] =	vst.idx.add.f32.msk $0xffff, v17  }
0xac: {  	v62 =	vadd.s32 $0x2710, v25;
	[tilespmem:v26+s17+$0x0] =	vst.idx.add.f32.msk $0xffff, v16  }
0xad: {  	p0 =	por !p0, !p0;
	v5 =	vand.u32 $0xFFFF0000, v10;
	s24 =	simm.s32 $0x1;
	[tilespmem:v12+s17+$0x0] =	vst.idx.add.f32.msk $0xffff, v14;
	v14 =	vadd.s32 $0x2710, v3  }
0xae: {  	s24 =	simm.s32 @!p0 $0x0;
	v5 =	vmul.f32 v5, v9;
	v11 =	vld.idx.msk [tilespmem:v11+s2+$0x0], $0xffff  }
0xaf: {  	s24 =	sshll.u32 s24, $0x6;
	v8 =	vand.u32 $0xFFFF0000, v8;
	v16 =	vadd.s32 $0x4E20, v20;
	v6 =	vld.idx.msk [tilespmem:v6+s2+$0x0], $0xffff  }
0xb0: {  	s24 =	sadd.s32 $0x80, s24;
	[tilespmem:v4+s17+$0x0] =	vst.idx.add.f32.msk $0xffff, v5;
	v27 =	vadd.s32 $0x2710, v15;
	v8 =	vmul.f32 v8, v18  }
0xb1: {  	v10 =	vadd.s32 $0x2710, v12;
	s29 =	sadd.s32 $0x30, s24;
	v17 =	vld.idx.msk [tilespmem:v62+s2+$0x0], $0xffff  }
0xb2: {  	s25 =	sor.u32 $0x80, s29;
	[tilespmem:v14+s17+$0x0] =	vst.idx.add.f32.msk $0xffff, v8;
	v8 =	vand.u32 $0xFFFF0000, v19  }
0xb3: {  	v9 =	vand.u32 $0xFFFF0000, v22;
	v18 =	vld [tilespmem:s25+$0x15200];
	v8 =	vmul.f32 v8, v11  }
0xb4: {  	v14 =	vadd.s32 $0x2710, v26;
	v11 =	vld.idx.msk [tilespmem:v16+s2+$0x0], $0xffff;
	v6 =	vmul.f32 v9, v6  }
0xb5: {  	[tilespmem:v27+s17+$0x0] =	vst.idx.add.f32.msk $0xffff, v8  }
0xb6: {  	s30 =	sadd.s32 $0x10, s24;
	s31 =	sor.u32 $0x80, s24;
	v16 =	vand.u32 $0xFFFF0000, v23;
	[tilespmem:v10+s17+$0x0] =	vst.idx.add.f32.msk $0xffff, v6  }
0xb7: {  	v2 =	vadd.s32 $0x7530, v2;
	s25 =	sor.u32 $0x80, s30;
	v4 =	vmul.f32 v16, v17;
	v16 =	vadd.s32 $0x4E20, v3;
	v27 =	vld [tilespmem:s31+$0x15200]  }
0xb8: {  	v1 =	vadd.s32 $0x7530, v1;
	v13 =	vand.u32 $0xFFFF0000, v13;
	v23 =	vadd.s32 $0x4E20, v21;
	v31 =	vld [tilespmem:s25+$0x15200]  }
0xb9: {  	v30 =	vadd.s32 $0x4E20, v24;
	s24 =	sadd.s32 $0x20, s24;
	v19 =	vadd.s32 $0x7530, v20;
	[tilespmem:v14+s17+$0x0] =	vst.idx.add.f32.msk $0xffff, v4;
	v4 =	vshll.u32 v18, $0x10  }
0xba: {  	s24 =	sor.u32 $0x80, s24;
	v5 =	vadd.s32 $0x7530, v24;
	v20 =	vand.u32 $0xFFFF0000, v7;
	v7 =	vmul.f32 v4, v11  }
0xbb: {  	v9 =	vadd.s32 $0x4E20, v12;
	v20 =	vmul.f32 v20, v63;
	v17 =	vadd.s32 $0x4E20, v25;
	v11 =	vld [tilespmem:s24+$0x15200]  }
0xbc: {  	v10 =	vadd.s32 $0x4E20, v15;
	v6 =	vadd.s32 $0x4E20, v26;
	v8 =	vadd.s32 $0x7530, v21;
	[tilespmem:v16+s17+$0x0] =	vst.idx.add.f32.msk $0xffff, v7  }
0xbd: {  	v14 =	vadd.s32 $0x7530, v12;
	v4 =	vadd.s32 $0x7530, v15;
	v15 =	vadd.s32 $0x7530, v26;
	v16 =	vld.idx.msk [tilespmem:v23+s2+$0x0], $0xffff  }
0xbe: {  	v7 =	vadd.s32 $0x7530, v25;
	v22 =	vshll.u32 v27, $0x10;
	v23 =	vshll.u32 v31, $0x10;
	v21 =	vld.idx.msk [tilespmem:v19+s2+$0x0], $0xffff  }
0xbf: {  	v24 =	vld.idx.msk [tilespmem:v30+s2+$0x0], $0xffff;
	v12 =	vand.u32 $0xFFFF0000, v31;
	v19 =	vmul.f32 v13, v61;
	v13 =	vand.u32 $0xFFFF0000, v27  }
.LBB2_18:
0xc0: {  	s22 =	sadd.s32 $0x40, s22;
	v25 =	vshll.u32 v11, $0x10;
	v11 =	vand.u32 $0xFFFF0000, v11;
	v17 =	vld.idx.msk [tilespmem:v17+s2+$0x0], $0xffff;
	v3 =	vadd.s32 $0x7530, v3;
	s23 =	sadd.s32 $0x80, s23  }
0xc1: {  	s24 =	sand.u32 $0x40, s22;
	s25 =	sand.u32 $0x1F00, s23;
	p1 =	slt.u32 s22, $0xC40;
	[tilespmem:v1+s17+$0x0] =	vst.idx.add.f32.msk $0xffff, v19;
	v1 =	vmov v14  }
0xc2: {  	v14 =	vand.u32 $0xFFFF0000, v18;
	s24 =	sor.u32 s24, s25;
	[tilespmem:v2+s17+$0x0] =	vst.idx.add.f32.msk $0xffff, v20;
	v2 =	vmov v15  }
0xc3: {  	v14 =	vmul.f32 v14, v21;
	v15 =	vld [tilespmem:s24+$0x13930]  }
0xc4: {  	v19 =	vmul.f32 v22, v16;
	v18 =	vld [tilespmem:s24+$0x13900]  }
0xc5: {  	v20 =	vmul.f32 v23, v24;
	[tilespmem:v3+s17+$0x0] =	vst.idx.add.f32.msk $0xffff, v14  }
0xc6: {  	v14 =	vmul.f32 v25, v17;
	v3 =	vld [tilespmem:s24+$0x13910]  }
0xc7: {  	v17 =	vld [tilespmem:s24+$0x13920]  }
0xc8: {  	v21 =	vld [tilespmem:s24+$0x15200];
	v22 =	vand.u32 $0x3FFF, v15  }
0xc9: {  	v23 =	vand.u32 $0x3FFF, v18;
	v16 =	vshrl.u32 v18, $0xE;
	v18 =	vld [tilespmem:s24+$0x15210]  }
0xca: {  	v24 =	vand.u32 $0x3FFF, v16;
	v25 =	vadd.s32 $0x2710, v23;
	v16 =	vadd.s32 $0x4E20, v23;
	v26 =	vld [tilespmem:s24+$0x15220]  }
0xcb: {  	v27 =	vadd.s32 $0x2710, v24;
	v28 =	vand.u32 $0x3FFF, v3;
	v3 =	vshrl.u32 v3, $0xE;
	[tilespmem:v10+s17+$0x0] =	vst.idx.add.f32.msk $0xffff, v19  }
0xcc: {  	v19 =	vand.u32 $0x3FFF, v3;
	v29 =	vand.u32 $0x3FFF, v17;
	v3 =	vshrl.u32 v17, $0xE;
	v30 =	vld [tilespmem:s24+$0x15230]  }
0xcd: {  	v32 =	vadd.s32 $0x2710, v28;
	v31 =	vshll.u32 v21, $0x10;
	v33 =	vand.u32 $0x3FFF, v3;
	v34 =	vld.idx.msk [tilespmem:v22+s2+$0x0], $0xffff  }
0xce: {  	v21 =	vand.u32 $0xFFFF0000, v21;
	v37 =	vadd.s32 $0x2710, v29;
	v35 =	vld.idx.msk [tilespmem:v23+s2+$0x0], $0xffff;
	v36 =	vshll.u32 v18, $0x10  }
0xcf: {  	v3 =	vshrl.u32 v15, $0xE;
	v38 =	vand.u32 $0xFFFF0000, v18;
	v18 =	vshll.u32 v26, $0x10;
	[tilespmem:v9+s17+$0x0] =	vst.idx.add.f32.msk $0xffff, v20  }
0xd0: {  	v3 =	vand.u32 $0x3FFF, v3;
	v20 =	vadd.s32 $0x2710, v19;
	v26 =	vand.u32 $0xFFFF0000, v26;
	v15 =	vld.idx.msk [tilespmem:v28+s2+$0x0], $0xffff  }
0xd1: {  	v42 =	vadd.s32 $0x2710, v22;
	v39 =	vadd.s32 $0x4E20, v28;
	v41 =	vadd.s32 $0x2710, v33;
	v40 =	vld.idx.msk [tilespmem:v29+s2+$0x0], $0xffff  }
0xd2: {  	v10 =	vadd.s32 $0x4E20, v24;
	v17 =	vadd.s32 $0x4E20, v29;
	v43 =	vshll.u32 v30, $0x10;
	[tilespmem:v6+s17+$0x0] =	vst.idx.add.f32.msk $0xffff, v14  }
0xd3: {  	v9 =	vadd.s32 $0x4E20, v19;
	v6 =	vadd.s32 $0x4E20, v33;
	v34 =	vmul.f32 v43, v34;
	v43 =	vld.idx.msk [tilespmem:v8+s2+$0x0], $0xffff  }
0xd4: {  	v31 =	vmul.f32 v31, v35;
	v8 =	vadd.s32 $0x7530, v23;
	v23 =	vld.idx.msk [tilespmem:v5+s2+$0x0], $0xffff;
	v5 =	vadd.s32 $0x7530, v28  }
0xd5: {  	v29 =	vadd.s32 $0x7530, v29;
	v14 =	vadd.s32 $0x7530, v19;
	v28 =	vadd.s32 $0x7530, v24;
	[tilespmem:v3+s17+$0x0] =	vst.idx.add.f32.msk $0xffff, v34  }
0xd6: {  	v34 =	vmul.f32 v36, v15;
	v15 =	vadd.s32 $0x7530, v33;
	v35 =	vld.idx.msk [tilespmem:v42+s2+$0x0], $0xffff  }
0xd7: {  	v18 =	vmul.f32 v18, v40;
	[tilespmem:v24+s17+$0x0] =	vst.idx.add.f32.msk $0xffff, v31  }
0xd8: {  	[tilespmem:v19+s17+$0x0] =	vst.idx.add.f32.msk $0xffff, v34  }
0xd9: {  	p0 =	por !p0, !p0;
	s24 =	simm.s32 $0x1;
	v13 =	vmul.f32 v13, v43;
	[tilespmem:v33+s17+$0x0] =	vst.idx.add.f32.msk $0xffff, v18;
	v18 =	vadd.s32 $0x2710, v3  }
0xda: {  	s24 =	simm.s32 @!p0 $0x0;
	v19 =	vmul.f32 v12, v23;
	v24 =	vld.idx.msk [tilespmem:v25+s2+$0x0], $0xffff  }
0xdb: {  	s24 =	sshll.u32 s24, $0x6;
	v23 =	vand.u32 $0xFFFF0000, v30;
	v25 =	vadd.s32 $0x4E20, v22;
	v12 =	vld.idx.msk [tilespmem:v32+s2+$0x0], $0xffff  }
0xdc: {  	s24 =	sadd.s32 s24, s23;
	v23 =	vmul.f32 v23, v35;
	v30 =	vld.idx.msk [tilespmem:v37+s2+$0x0], $0xffff  }
0xdd: {  	s25 =	sadd.s32 $0x10, s24;
	s26 =	sadd.s32 $0x20, s24;
	s28 =	sadd.s32 $0x30, s24;
	v31 =	vld.idx.msk [tilespmem:v7+s2+$0x0], $0xffff;
	v7 =	vmov v29  }
0xde: {  	s25 =	sor.u32 $0x80, s25;
	s26 =	sor.u32 $0x80, s26;
	s28 =	sor.u32 $0x80, s28;
	[tilespmem:v18+s17+$0x0] =	vst.idx.add.f32.msk $0xffff, v23  }
0xdf: {  	s24 =	sor.u32 $0x80, s24;
	v18 =	vld [tilespmem:s28+$0x15200]  }
0xe0: {  	v21 =	vmul.f32 v21, v24;
	v23 =	vld.idx.msk [tilespmem:v25+s2+$0x0], $0xffff  }
0xe1: {  	v12 =	vmul.f32 v38, v12;
	[tilespmem:v4+s17+$0x0] =	vst.idx.add.f32.msk $0xffff, v13;
	v4 =	vmov v28  }
0xe2: {  	v13 =	vmul.f32 v26, v30;
	[tilespmem:v27+s17+$0x0] =	vst.idx.add.f32.msk $0xffff, v21  }
0xe3: {  	[tilespmem:v20+s17+$0x0] =	vst.idx.add.f32.msk $0xffff, v12;
	v12 =	vadd.s32 $0x4E20, v3;
	v20 =	vmul.f32 v11, v31  }
0xe4: {  	[tilespmem:v41+s17+$0x0] =	vst.idx.add.f32.msk $0xffff, v13;
	v13 =	vadd.s32 $0x7530, v22  }
0xe5: {  	v11 =	vshll.u32 v18, $0x10;
	v24 =	vld [tilespmem:s24+$0x15200]  }
0xe6: {  	v21 =	vmul.f32 v11, v23;
	v25 =	vld [tilespmem:s25+$0x15200]  }
.Ltmp8:
0xe7: {  	v11 =	vld [tilespmem:s26+$0x15200];
	(pc) =	sbr.rel @p1 .LBB2_18-.Ltmp8, $4  }
0xe8: {  	[tilespmem:v12+s17+$0x0] =	vst.idx.add.f32.msk $0xffff, v21  }
0xe9: {  	v21 =	vld.idx.msk [tilespmem:v13+s2+$0x0], $0xffff  }
0xea: {  	v22 =	vshll.u32 v24, $0x10;
	v13 =	vand.u32 $0xFFFF0000, v24;
	v16 =	vld.idx.msk [tilespmem:v16+s2+$0x0], $0xffff  }
0xeb: {  	v23 =	vshll.u32 v25, $0x10;
	v12 =	vand.u32 $0xFFFF0000, v25;
	v24 =	vld.idx.msk [tilespmem:v39+s2+$0x0], $0xffff  }
0xec: {  	_ =	sdelay $0x3  }
0xed: {  	v17 =	vld.idx.msk [tilespmem:v17+s2+$0x0], $0xffff;
	_ =	sdelay $0x1  }
0xee: {  	v16 =	vmul.f32 v22, v16  }
0xef: {  	v23 =	vmul.f32 v23, v24  }
0xf0: {  	v60 =	vshll.u32 v11, $0x10;
	[tilespmem:v10+s17+$0x0] =	vst.idx.add.f32.msk $0xffff, v16  }
0xf1: {  	v17 =	vmul.f32 v60, v17;
	[tilespmem:v9+s17+$0x0] =	vst.idx.add.f32.msk $0xffff, v23  }
0xf2: {  	v61 =	vld.idx.msk [tilespmem:v8+s2+$0x0], $0xffff  }
0xf3: {  	[tilespmem:v6+s17+$0x0] =	vst.idx.add.f32.msk $0xffff, v17  }
0xf4: {  	v3 =	vadd.s32 $0x7530, v3;
	v5 =	vld.idx.msk [tilespmem:v5+s2+$0x0], $0xffff  }
0xf5: {  	v7 =	vld.idx.msk [tilespmem:v7+s2+$0x0], $0xffff  }
0xf6: {  	v62 =	vand.u32 $0xFFFF0000, v18  }
0xf7: {  	[tilespmem:v1+s17+$0x0] =	vst.idx.add.f32.msk $0xffff, v19;
	p0 =	seq.s32 s20, $0x18;
	v1 =	vmul.f32 v62, v21  }
.Ltmp9:
0xf8: {  	[tilespmem:v2+s17+$0x0] =	vst.idx.add.f32.msk $0xffff, v20;
	v2 =	vmul.f32 v13, v61;
	(pc) =	sbr.rel @p0 .LBB2_27-.Ltmp9, $4  }
0xf9: {  	v63 =	vand.u32 $0xFFFF0000, v11;
	[tilespmem:v3+s17+$0x0] =	vst.idx.add.f32.msk $0xffff, v1;
	v1 =	vmul.f32 v12, v5  }
0xfa: {  	[tilespmem:v4+s17+$0x0] =	vst.idx.add.f32.msk $0xffff, v2;
	v2 =	vmul.f32 v63, v7  }
0xfb: {  	[tilespmem:v14+s17+$0x0] =	vst.idx.add.f32.msk $0xffff, v1  }
0xfc: {  	[tilespmem:v15+s17+$0x0] =	vst.idx.add.f32.msk $0xffff, v2  }
0xfd: {  	s21 =	sadd.s32 s21, s12  }
0xfe: {  	s22 =	smulhi.u32 $0x51EB851F, s21;
	_ =	sdelay $0x1  }
0xff: {  	s22 =	sshrl.u32 s22, $0x4  }
0x100: {  	s22 =	smul.u32 $0x32, s22;
	_ =	sdelay $0x1  }
0x101: {  	s21 =	ssub.s32 s21, s22  }
0x102: {  	s21 =	smul.u32 $0xC80, s21;
	_ =	sdelay $0x1  }
0x103: {  	s31 =	sshrl.u32 s21, $0x3  }
0x104: {  	s23 =	simm.s32 $0x13900;
	s22 =	sadd.s32 s5, s31  }
0x105: {  	s24 =	simm.s32 $0x10;
	s25 =	simm.s32 $0x13A00;
	s26 =	sadd.s32 $0x0, s22  }
.LBB2_21:
0x106: {  	[tilespmem:s23], [sflag:$0x1] =	stream.linear.gather [hbm4b:s26+s2], $0x80, $0x38;
	[tilespmem:$0x18400] =	vst v63  }
0x107: {  	s26 =	smov.u32 s24;
	s23 =	smov.u32 s25;
	p0 =	sne.s32 s24, $0x180  }
.Ltmp10:
0x108: {  	s24 =	sadd.s32 $0x10, s24;
	(pc) =	sbr.rel @p0 .LBB2_21-.Ltmp10, $2  }
0x109: {  	_ =	sdelay $0x2  }
0x10a: {  	s25 =	sadd.s32 $0x100, s25;
	s26 =	sadd.s32 s26, s22  }
0x10b: {  	[tilespmem:s23], [sflag:$0x1] =	stream.linear.gather [hbm4b:s26+s2], $0x80, $0x38;
	[tilespmem:$0x18400] =	vst v63  }
0x10c: {  	s22 =	sadd.s32 s4, s21  }
0x10d: {  	s22 =	sshrl.u32 s22, $0x3  }
0x10e: {  	s23 =	simm.s32 $0x15200;
	s22 =	sadd.s32 s3, s22  }
0x10f: {  	s24 =	simm.s32 $0x10;
	s25 =	simm.s32 $0x15300;
	s26 =	sadd.s32 $0x0, s22  }
.LBB2_23:
0x110: {  	[tilespmem:s23], [sflag:$0x1] =	stream.linear.gather [hbm4b:s26+s2], $0x80, $0x38;
	[tilespmem:$0x18400] =	vst v63  }
0x111: {  	s26 =	smov.u32 s24;
	s23 =	smov.u32 s25;
	p0 =	sne.s32 s24, $0x180  }
.Ltmp11:
0x112: {  	s24 =	sadd.s32 $0x10, s24;
	(pc) =	sbr.rel @p0 .LBB2_23-.Ltmp11, $2  }
0x113: {  	_ =	sdelay $0x2  }
0x114: {  	s25 =	sadd.s32 $0x100, s25;
	s26 =	sadd.s32 s26, s22  }
0x115: {  	[tilespmem:s23], [sflag:$0x1] =	stream.linear.gather [hbm4b:s26+s2], $0x80, $0x38;
	[tilespmem:$0x18400] =	vst v63  }
0x116: {  	s21 =	sadd.s32 s6, s21  }
0x117: {  	s21 =	sshrl.u32 s21, $0x3  }
0x118: {  	s22 =	simm.s32 $0x15280;
	s21 =	sadd.s32 s3, s21  }
0x119: {  	s23 =	simm.s32 $0x10;
	s24 =	simm.s32 $0x15380;
	s25 =	sadd.s32 $0x0, s21  }
.LBB2_25:
0x11a: {  	[tilespmem:s22], [sflag:$0x1] =	stream.linear.gather [hbm4b:s25+s2], $0x80, $0x38;
	[tilespmem:$0x18400] =	vst v63  }
0x11b: {  	s25 =	smov.u32 s23;
	s22 =	smov.u32 s24;
	p0 =	sne.s32 s23, $0x180  }
.Ltmp12:
0x11c: {  	s23 =	sadd.s32 $0x10, s23;
	(pc) =	sbr.rel @p0 .LBB2_25-.Ltmp12, $2  }
0x11d: {  	_ =	sdelay $0x2  }
0x11e: {  	s24 =	sadd.s32 $0x100, s24;
	s25 =	sadd.s32 s25, s21  }
0x11f: {  	[tilespmem:s22], [sflag:$0x1] =	stream.linear.gather [hbm4b:s25+s2], $0x80, $0x38;
	[tilespmem:$0x18400] =	vst v63  }
.LBB2_27:
0x120: {  	_ =	swait.ge [sflag:s18], $0xC80  }
0x121: {  	[sflag:s18] =	ssyncset.done $0x0  }
0x122: {  	[sflag:s18] =	ssyncadd.s32 $0xFFFFF380  }
0x123: {  	p0 =	por $0x0, $0x0;
	s21 =	simm.s32 $0x1;
	_ =	swait.ge [sflag:s18], $0xC80  }
0x124: {  	s21 =	simm.s32 @!p0 $0x0;
	[sflag:s18] =	ssyncset.done $0x0  }
0x125: {  	s21 =	sshll.u32 s21, $0x6;
	[sflag:s18] =	ssyncadd.s32 $0xFFFFF380  }
0x126: {  	s24 =	sadd.s32 $0x0, s21;
	_ =	swait.ge [sflag:s18], $0xC80  }
0x127: {  	s21 =	sadd.s32 $0x30, s24;
	[sflag:s18] =	ssyncset.done $0x0  }
0x128: {  	s21 =	sor.u32 $0x80, s21;
	[sflag:s18] =	ssyncadd.s32 $0xFFFFF380  }
0x129: {  	v1 =	vld [tilespmem:s21+$0x13900];
	_ =	sdelay $0x1  }
0x12a: {  	s22 =	sadd.s32 $0x20, s24  }
0x12b: {  	s30 =	sadd.s32 $0x10, s24;
	s22 =	sor.u32 $0x80, s22  }
0x12c: {  	s21 =	sor.u32 $0x80, s30;
	v3 =	vld [tilespmem:s22+$0x13900]  }
0x12d: {  	s22 =	simm.s32 $0x0;
	v2 =	vld [tilespmem:s21+$0x13900];
	s21 =	simm.s32 $0x0;
	v4 =	vand.u32 $0x3FFF, v1  }
0x12e: {  	s23 =	sand.u32 $0x40, s22;
	s26 =	sand.u32 $0x1F00, s21  }
0x12f: {  	s24 =	sor.u32 $0x80, s24;
	s29 =	sor.u32 $0x30, s23;
	s28 =	sadd.s32 $0x16B00, s26  }
0x130: {  	v5 =	vld [tilespmem:s24+$0x13900];
	s31 =	sor.u32 s29, s28  }
0x131: {  	v7 =	vld [tilespmem:s31+$0x0];
	v15 =	vand.u32 $0x3FFF, v3  }
0x132: {  	s25 =	sor.u32 $0x10, s23;
	v8 =	vand.u32 $0x3FFF, v2;
	v9 =	vld.idx.msk [tilespmem:v4+s2+$0x0], $0xffff  }
0x133: {  	s1 =	sor.u32 $0x20, s23;
	s30 =	sor.u32 s25, s28;
	v1 =	vshrl.u32 v1, $0xE  }
0x134: {  	s31 =	sor.u32 s1, s28;
	v10 =	vld [tilespmem:s30+$0x0];
	v6 =	vand.u32 $0x3FFF, v1  }
0x135: {  	v1 =	vld [tilespmem:s31+$0x0];
	v11 =	vadd.s32 $0x2710, v4  }
0x136: {  	v13 =	vshll.u32 v7, $0x10;
	v14 =	vld.idx.msk [tilespmem:v15+s2+$0x0], $0xffff  }
0x137: {  	v19 =	vand.u32 $0x3FFF, v5;
	v3 =	vshrl.u32 v3, $0xE;
	v12 =	vld.idx.msk [tilespmem:v8+s2+$0x0], $0xffff;
	v9 =	vmul.f32 v13, v9  }
0x138: {  	v2 =	vshrl.u32 v2, $0xE;
	v3 =	vand.u32 $0x3FFF, v3  }
0x139: {  	v2 =	vand.u32 $0x3FFF, v2;
	[tilespmem:v6+s17+$0x0] =	vst.idx.add.f32.msk $0xffff, v9  }
0x13a: {  	s28 =	sor.u32 s23, s28;
	v17 =	vshll.u32 v1, $0x10;
	v9 =	vadd.s32 $0x2710, v8;
	v11 =	vld.idx.msk [tilespmem:v11+s2+$0x0], $0xffff  }
0x13b: {  	v16 =	vadd.s32 $0x2710, v15;
	v20 =	vld [tilespmem:s28+$0x0];
	v13 =	vshll.u32 v10, $0x10;
	v14 =	vmul.f32 v17, v14  }
0x13c: {  	v17 =	vadd.s32 $0x2710, v6;
	v12 =	vmul.f32 v13, v12;
	v13 =	vld.idx.msk [tilespmem:v19+s2+$0x0], $0xffff  }
0x13d: {  	[tilespmem:v3+s17+$0x0] =	vst.idx.add.f32.msk $0xffff, v14  }
0x13e: {  	v5 =	vshrl.u32 v5, $0xE;
	v7 =	vand.u32 $0xFFFF0000, v7;
	[tilespmem:v2+s17+$0x0] =	vst.idx.add.f32.msk $0xffff, v12;
	v12 =	vadd.s32 $0x4E20, v4  }
0x13f: {  	v21 =	vand.u32 $0x3FFF, v5;
	v5 =	vld.idx.msk [tilespmem:v9+s2+$0x0], $0xffff;
	v7 =	vmul.f32 v7, v11  }
0x140: {  	s26 =	sadd.s32 $0x16B80, s26;
	v9 =	vadd.s32 $0x2710, v19;
	v11 =	vld.idx.msk [tilespmem:v16+s2+$0x0], $0xffff  }
0x141: {  	s31 =	sor.u32 s29, s26;
	v18 =	vadd.s32 $0x2710, v2;
	v14 =	vshll.u32 v20, $0x10;
	[tilespmem:v17+s17+$0x0] =	vst.idx.add.f32.msk $0xffff, v7  }
0x142: {  	v13 =	vmul.f32 v14, v13;
	v7 =	vadd.s32 $0x2710, v3;
	v16 =	vld [tilespmem:s31+$0x0]  }
0x143: {  	v10 =	vand.u32 $0xFFFF0000, v10;
	v22 =	vld.idx.msk [tilespmem:v12+s2+$0x0], $0xffff  }
0x144: {  	v1 =	vand.u32 $0xFFFF0000, v1;
	[tilespmem:v21+s17+$0x0] =	vst.idx.add.f32.msk $0xffff, v13;
	v5 =	vmul.f32 v10, v5  }
0x145: {  	v24 =	vadd.s32 $0x4E20, v6;
	v23 =	vld.idx.msk [tilespmem:v9+s2+$0x0], $0xffff;
	v1 =	vmul.f32 v1, v11  }
0x146: {  	v25 =	vadd.s32 $0x7530, v4;
	v4 =	vadd.s32 $0x7530, v15;
	v14 =	vadd.s32 $0x2710, v21;
	[tilespmem:v18+s17+$0x0] =	vst.idx.add.f32.msk $0xffff, v5  }
0x147: {  	s25 =	sor.u32 s25, s26;
	v13 =	vadd.s32 $0x4E20, v15;
	v15 =	vand.u32 $0xFFFF0000, v20;
	[tilespmem:v7+s17+$0x0] =	vst.idx.add.f32.msk $0xffff, v1;
	v1 =	vshll.u32 v16, $0x10  }
0x148: {  	s24 =	sor.u32 s1, s26;
	v12 =	vadd.s32 $0x4E20, v19;
	v9 =	vadd.s32 $0x4E20, v2;
	v17 =	vld [tilespmem:s25+$0x0];
	v1 =	vmul.f32 v1, v22  }
0x149: {  	v10 =	vadd.s32 $0x4E20, v3;
	v2 =	vadd.s32 $0x7530, v2;
	v3 =	vadd.s32 $0x7530, v3;
	v18 =	vld [tilespmem:s24+$0x0]  }
0x14a: {  	v11 =	vadd.s32 $0x4E20, v8;
	v8 =	vadd.s32 $0x7530, v8;
	v5 =	vadd.s32 $0x7530, v19;
	[tilespmem:v24+s17+$0x0] =	vst.idx.add.f32.msk $0xffff, v1  }
0x14b: {  	p0 =	por !p0, !p0;
	s23 =	sor.u32 s23, s26;
	v7 =	vadd.s32 $0x4E20, v21;
	v19 =	vmul.f32 v15, v23;
	v1 =	vadd.s32 $0x7530, v21;
	v15 =	vld.idx.msk [tilespmem:v25+s2+$0x0], $0xffff  }
.LBB2_28:
0x14c: {  	s24 =	simm.s32 $0x1  }
0x14d: {  	[tilespmem:v14+s17+$0x0] =	vst.idx.add.f32.msk $0xffff, v19;
	s24 =	simm.s32 @!p0 $0x0  }
0x14e: {  	s21 =	sadd.s32 $0x80, s21;
	v19 =	vshll.u32 v17, $0x10;
	v17 =	vand.u32 $0xFFFF0000, v17;
	s24 =	sshll.u32 s24, $0x6;
	v14 =	vld [tilespmem:s23+$0x0]  }
0x14f: {  	v6 =	vadd.s32 $0x7530, v6;
	v20 =	vshll.u32 v18, $0x10;
	v18 =	vand.u32 $0xFFFF0000, v18;
	s23 =	sadd.s32 s24, s21;
	v11 =	vld.idx.msk [tilespmem:v11+s2+$0x0], $0xffff  }
0x150: {  	s24 =	sadd.s32 $0x10, s23;
	s25 =	sadd.s32 $0x20, s23;
	s26 =	sadd.s32 $0x30, s23;
	v13 =	vld.idx.msk [tilespmem:v13+s2+$0x0], $0xffff  }
0x151: {  	v16 =	vand.u32 $0xFFFF0000, v16;
	s24 =	sor.u32 $0x80, s24;
	s25 =	sor.u32 $0x80, s25;
	s26 =	sor.u32 $0x80, s26;
	v12 =	vld.idx.msk [tilespmem:v12+s2+$0x0], $0xffff  }
0x152: {  	s23 =	sor.u32 $0x80, s23;
	v15 =	vmul.f32 v16, v15;
	v21 =	vld [tilespmem:s26+$0x13900]  }
0x153: {  	v16 =	vld [tilespmem:s24+$0x13900];
	v22 =	vshll.u32 v14, $0x10;
	v23 =	vand.u32 $0xFFFF0000, v14  }
0x154: {  	[tilespmem:v6+s17+$0x0] =	vst.idx.add.f32.msk $0xffff, v15  }
0x155: {  	v11 =	vmul.f32 v19, v11;
	v6 =	vld [tilespmem:s25+$0x13900]  }
0x156: {  	v13 =	vmul.f32 v20, v13;
	v14 =	vld [tilespmem:s23+$0x13900]  }
0x157: {  	s22 =	sadd.s32 $0x40, s22;
	v12 =	vmul.f32 v22, v12;
	v15 =	vand.u32 $0x3FFF, v21;
	[tilespmem:v9+s17+$0x0] =	vst.idx.add.f32.msk $0xffff, v11  }
0x158: {  	p1 =	slt.u32 s22, $0xC40;
	s24 =	sand.u32 $0x1F00, s21;
	s23 =	sand.u32 $0x40, s22;
	v19 =	vand.u32 $0x3FFF, v16;
	v9 =	vshrl.u32 v16, $0xE;
	[tilespmem:v10+s17+$0x0] =	vst.idx.add.f32.msk $0xffff, v13  }
0x159: {  	s29 =	sadd.s32 $0x16B00, s24;
	s25 =	sor.u32 $0x10, s23;
	s26 =	sor.u32 $0x30, s23;
	v16 =	vand.u32 $0x3FFF, v9;
	v20 =	vadd.s32 $0x2710, v19;
	v11 =	vadd.s32 $0x4E20, v19;
	[tilespmem:v7+s17+$0x0] =	vst.idx.add.f32.msk $0xffff, v12  }
0x15a: {  	s28 =	sor.u32 $0x20, s23;
	s30 =	sor.u32 s25, s29;
	s31 =	sor.u32 s26, s29;
	v22 =	vadd.s32 $0x2710, v16;
	v24 =	vand.u32 $0x3FFF, v6;
	v6 =	vshrl.u32 v6, $0xE;
	v25 =	vld.idx.msk [tilespmem:v8+s2+$0x0], $0xffff  }
0x15b: {  	s1 =	sor.u32 s23, s29;
	s29 =	sor.u32 s28, s29;
	v26 =	vand.u32 $0x3FFF, v14;
	v7 =	vshrl.u32 v14, $0xE;
	v27 =	vand.u32 $0x3FFF, v6;
	v28 =	vld [tilespmem:s31+$0x0]  }
0x15c: {  	v31 =	vadd.s32 $0x2710, v24;
	v29 =	vand.u32 $0x3FFF, v7;
	v30 =	vadd.s32 $0x2710, v26;
	v32 =	vld.idx.msk [tilespmem:v15+s2+$0x0], $0xffff  }
0x15d: {  	v13 =	vadd.s32 $0x4E20, v24;
	v34 =	vadd.s32 $0x2710, v27;
	v14 =	vadd.s32 $0x2710, v29;
	v33 =	vld [tilespmem:s30+$0x0]  }
0x15e: {  	v9 =	vadd.s32 $0x4E20, v16;
	v6 =	vshrl.u32 v21, $0xE;
	v12 =	vadd.s32 $0x4E20, v26;
	v35 =	vld [tilespmem:s29+$0x0]  }
0x15f: {  	v10 =	vadd.s32 $0x4E20, v27;
	v6 =	vand.u32 $0x3FFF, v6;
	v7 =	vadd.s32 $0x4E20, v29;
	v21 =	vld [tilespmem:s1+$0x0]  }
0x160: {  	v37 =	vadd.s32 $0x2710, v15;
	v8 =	vadd.s32 $0x7530, v19;
	v36 =	vld.idx.msk [tilespmem:v19+s2+$0x0], $0xffff;
	v19 =	vadd.s32 $0x7530, v24  }
0x161: {  	v38 =	vadd.s32 $0x7530, v26;
	v17 =	vmul.f32 v17, v25;
	v39 =	vshll.u32 v28, $0x10;
	v24 =	vld.idx.msk [tilespmem:v24+s2+$0x0], $0xffff  }
0x162: {  	v32 =	vmul.f32 v39, v32;
	v25 =	vld.idx.msk [tilespmem:v26+s2+$0x0], $0xffff;
	v26 =	vshll.u32 v33, $0x10;
	v33 =	vand.u32 $0xFFFF0000, v33  }
0x163: {  	v39 =	vadd.s32 $0x7530, v16;
	v40 =	vshll.u32 v35, $0x10;
	v35 =	vand.u32 $0xFFFF0000, v35;
	v41 =	vld.idx.msk [tilespmem:v4+s2+$0x0], $0xffff;
	v4 =	vmovc v19  }
0x164: {  	v42 =	vadd.s32 $0x7530, v27;
	v19 =	vshll.u32 v21, $0x10;
	v21 =	vand.u32 $0xFFFF0000, v21;
	[tilespmem:v6+s17+$0x0] =	vst.idx.add.f32.msk $0xffff, v32  }
0x165: {  	v32 =	vadd.s32 $0x7530, v29;
	v37 =	vld.idx.msk [tilespmem:v37+s2+$0x0], $0xffff  }
0x166: {  	v26 =	vmul.f32 v26, v36;
	v36 =	vld.idx.msk [tilespmem:v5+s2+$0x0], $0xffff;
	v5 =	vmov v38  }
0x167: {  	v24 =	vmul.f32 v40, v24;
	[tilespmem:v2+s17+$0x0] =	vst.idx.add.f32.msk $0xffff, v17;
	v2 =	vmov v39  }
0x168: {  	v17 =	vmul.f32 v19, v25;
	[tilespmem:v16+s17+$0x0] =	vst.idx.add.f32.msk $0xffff, v26;
	v16 =	vadd.s32 $0x2710, v6  }
0x169: {  	v18 =	vmul.f32 v18, v41;
	[tilespmem:v27+s17+$0x0] =	vst.idx.add.f32.msk $0xffff, v24  }
0x16a: {  	v19 =	vadd.s32 $0x4E20, v15;
	[tilespmem:v29+s17+$0x0] =	vst.idx.add.f32.msk $0xffff, v17;
	v17 =	vand.u32 $0xFFFF0000, v28  }
0x16b: {  	v20 =	vld.idx.msk [tilespmem:v20+s2+$0x0], $0xffff;
	v17 =	vmul.f32 v17, v37  }
0x16c: {  	s1 =	sadd.s32 $0x16B80, s24;
	v23 =	vmul.f32 v23, v36;
	v24 =	vld.idx.msk [tilespmem:v31+s2+$0x0], $0xffff  }
0x16d: {  	s24 =	sor.u32 s25, s1;
	s25 =	sor.u32 s28, s1;
	s26 =	sor.u32 s26, s1;
	[tilespmem:v16+s17+$0x0] =	vst.idx.add.f32.msk $0xffff, v17  }
0x16e: {  	s23 =	sor.u32 s23, s1;
	v16 =	vld [tilespmem:s26+$0x0]  }
0x16f: {  	v19 =	vld.idx.msk [tilespmem:v19+s2+$0x0], $0xffff  }
0x170: {  	v25 =	vld.idx.msk [tilespmem:v30+s2+$0x0], $0xffff  }
0x171: {  	v17 =	vmul.f32 v33, v20;
	[tilespmem:v3+s17+$0x0] =	vst.idx.add.f32.msk $0xffff, v18;
	v3 =	vmov v42  }
0x172: {  	v20 =	vadd.s32 $0x4E20, v6;
	v18 =	vmul.f32 v35, v24;
	[tilespmem:v1+s17+$0x0] =	vst.idx.add.f32.msk $0xffff, v23;
	v1 =	vmov v32  }
0x173: {  	v15 =	vadd.s32 $0x7530, v15;
	[tilespmem:v22+s17+$0x0] =	vst.idx.add.f32.msk $0xffff, v17  }
.Ltmp13:
0x174: {  	[tilespmem:v34+s17+$0x0] =	vst.idx.add.f32.msk $0xffff, v18;
	v18 =	vshll.u32 v16, $0x10;
	(pc) =	sbr.rel @p1 .LBB2_28-.Ltmp13, $4  }
0x175: {  	v17 =	vld [tilespmem:s24+$0x0];
	v22 =	vmul.f32 v18, v19  }
0x176: {  	v19 =	vmul.f32 v21, v25;
	v18 =	vld [tilespmem:s25+$0x0]  }
0x177: {  	[tilespmem:v20+s17+$0x0] =	vst.idx.add.f32.msk $0xffff, v22  }
0x178: {  	p0 =	por !p0, !p0;
	v15 =	vld.idx.msk [tilespmem:v15+s2+$0x0], $0xffff  }
0x179: {  	_ =	sdelay $0x3  }
0x17a: {  	v11 =	vld.idx.msk [tilespmem:v11+s2+$0x0], $0xffff  }
0x17b: {  	v13 =	vld.idx.msk [tilespmem:v13+s2+$0x0], $0xffff  }
0x17c: {  	[tilespmem:v14+s17+$0x0] =	vst.idx.add.f32.msk $0xffff, v19  }
0x17d: {  	v14 =	vld [tilespmem:s23+$0x0]  }
0x17e: {  	v12 =	vld.idx.msk [tilespmem:v12+s2+$0x0], $0xffff;
	v57 =	vshll.u32 v17, $0x10  }
0x17f: {  	v20 =	vshll.u32 v18, $0x10;
	v11 =	vmul.f32 v57, v11  }
0x180: {  	v13 =	vmul.f32 v20, v13  }
0x181: {  	[tilespmem:v9+s17+$0x0] =	vst.idx.add.f32.msk $0xffff, v11  }
0x182: {  	v58 =	vshll.u32 v14, $0x10;
	[tilespmem:v10+s17+$0x0] =	vst.idx.add.f32.msk $0xffff, v13  }
0x183: {  	v12 =	vmul.f32 v58, v12;
	v59 =	vld.idx.msk [tilespmem:v8+s2+$0x0], $0xffff  }
0x184: {  	v4 =	vld.idx.msk [tilespmem:v4+s2+$0x0], $0xffff  }
0x185: {  	v6 =	vadd.s32 $0x7530, v6;
	[tilespmem:v7+s17+$0x0] =	vst.idx.add.f32.msk $0xffff, v12  }
0x186: {  	v5 =	vld.idx.msk [tilespmem:v5+s2+$0x0], $0xffff  }
0x187: {  	v60 =	vand.u32 $0xFFFF0000, v16;
	s20 =	sadd.s32 $0x1, s20  }
0x188: {  	v61 =	vand.u32 $0xFFFF0000, v17;
	p0 =	sne.s32 s20, $0x19;
	v8 =	vmul.f32 v60, v15  }
.Ltmp14:
0x189: {  	v62 =	vand.u32 $0xFFFF0000, v18;
	v7 =	vmul.f32 v61, v59;
	(pc) =	sbr.rel @p0 .LBB2_11-.Ltmp14, $4  }
0x18a: {  	v63 =	vand.u32 $0xFFFF0000, v14;
	[tilespmem:v6+s17+$0x0] =	vst.idx.add.f32.msk $0xffff, v8;
	v4 =	vmul.f32 v62, v4  }
0x18b: {  	[tilespmem:v2+s17+$0x0] =	vst.idx.add.f32.msk $0xffff, v7;
	v2 =	vmul.f32 v63, v5  }
0x18c: {  	[tilespmem:v3+s17+$0x0] =	vst.idx.add.f32.msk $0xffff, v4  }
0x18d: {  	[tilespmem:v1+s17+$0x0] =	vst.idx.add.f32.msk $0xffff, v2  }
0x18e: {  	s19 =	sadd.s32 $0x1, s19  }
0x18f: {  	p0 =	sne.s32 s19, s14  }
.Ltmp15:
0x190: {  	_ = 	snop;
	(pc) =	sbr.rel @p0 .LBB2_1-.Ltmp15, $4  }
0x191: {  	[hbm4b:s13+s2] =	stream.linear.scatter [tilespmem:s17], [sflag:$0x3], $0x9C40, $0x38;
	[tilespmem:$0x18400] =	vst v63  }
0x192: {  	_ =	swait.ge [sflag:s15], $0x9C40  }
0x193: {  	[sflag:s15] =	ssyncset.done $0x0  }
0x194: {  	[sflag:s15] =	ssyncadd.s32 $0xFFFF63C0  }
0x195: {  	_ =	sfence.sel $0x180000  }
0x196: {  	[bflag:$0x0] =	sbarrier.arrive $0xFFFF  }
0x197: {  	_ =	strace $0x9000004A  }
0x198: {  	[bflag:$0x2] =	sbarrier.arrive $0xFFFF  }
0x199: {  	p0 =	sne.s32 s0, $0x0;
	s0 =	rddreg [dreg:$0x2]  }
0x19a: {  	s0 =	sadd.s32 @!p0 $0x100000, s0  }
0x19b: {  	[sflag:s0] =	ssyncadd.tile.s32 @!p0 $0x1;
	_ =	shalt  }
.Lfunc_end2:
_tile_overlayer_lowered:
.L_overlay_start_2:
0x19c: {  	(tag) =	ssettag $0x2  }
0x19d: {  	s0 =	rddreg [dreg:$0x0];
	s2 =	stileid.u32  }
0x19e: {  	s1 =	rddreg [dreg:$0x1];
	p0 =	sne.s32 s2, $0x0  }
0x19f: {  	s3 =	rddreg [dreg:$0x2];
	[bflag:$0x3] =	sbarrier.arrive $0xFFFF;
	s2 =	simm.s32 @!p0 $0x1C03  }
0x1a0: {  	[timem:s3], [sflag:s2] =	dma.local @!p0 [hbm:s0], s1  }
0x1a1: {  	s0 =	simm.s32 @!p0 $0x3  }
0x1a2: {  	_ =	swait.ge @!p0 [sflag:s0], s1  }
0x1a3: {  	s1 =	ssub.s32 @!p0 $0x0, s1;
	[sflag:s0] =	ssyncset.done @!p0 $0x0  }
0x1a4: {  	[sflag:s0] =	ssyncadd.s32 @!p0 s1  }
0x1a5: {  	[bflag:$0x3] =	sbarrier.arrive $0xFFFF  }
0x1a6: {  	_ =	shalt  }

</sc_bundles>
